<compile_context>
chip_gen: v7x
topology: tpu7x:2x2x1
jax: 0.10.2.dev20260603
libtpu: 0.0.44.dev20260713+nightly
codegen_flags: <defaults>
</compile_context>

<pallas_src>
import functools
import jax
import jax.numpy as jnp
from jax import lax
from jax.experimental import pallas as pl
from jax.experimental.pallas import tpu as pltpu
from jax.experimental.pallas import tpu_sc as plsc

B, N = 256, 64
EMB = 64
D_INV = 256

INV_BLK = 32
A_VOCAB = 128
C_VOCAB = 8

NPAIR = N * N
NW = 32
PAIRS_PER_W = NPAIR // NW
TILE_F32 = EMB * B
L = 16


def _onehot_t(idx_row, vocab):
    io = lax.broadcasted_iota(jnp.int32, (vocab, idx_row.shape[1]), 0)
    return (io == idx_row).astype(jnp.float32)


_TDOT = (((0,), (0,)), ((), ()))


def _invs_body(at_ref, ac_ref, ta_ref, tc_ref, w1a_ref, w1c_ref, b1_ref,
               w2_ref, b2_ref, out_ref):
    emb_a = []
    emb_c = []
    for i in range(INV_BLK):
        oh_a = _onehot_t(at_ref[i:i + 1, :], A_VOCAB)
        emb_a.append(lax.dot_general(oh_a, ta_ref[...], _TDOT,
                                     preferred_element_type=jnp.float32))
        oh_c = _onehot_t(ac_ref[i:i + 1, :], C_VOCAB)
        emb_c.append(lax.dot_general(oh_c, tc_ref[...], _TDOT,
                                     preferred_element_type=jnp.float32))
    ea = jnp.concatenate(emb_a, axis=0)
    ec = jnp.concatenate(emb_c, axis=0)
    h = (jnp.dot(ea, w1a_ref[...], preferred_element_type=jnp.float32)
         + jnp.dot(ec, w1c_ref[...], preferred_element_type=jnp.float32)
         + b1_ref[...])
    h = h * jax.nn.sigmoid(h)
    out = (jnp.dot(h, w2_ref[...], preferred_element_type=jnp.float32)
           + b2_ref[...])
    out_ref[...] = out.reshape(INV_BLK, 64, D_INV)


def _edges_sc(bt_hbm, tbl_hbm, out_hbm, bt_v, tbl_v, buf0, buf1, sem_in,
              sem0, sem1):
    wid = lax.axis_index("s") * 2 + lax.axis_index("c")
    pair0 = wid * PAIRS_PER_W

    pltpu.async_copy(tbl_hbm, tbl_v, sem_in).wait()
    pltpu.async_copy(
        bt_hbm.at[pl.ds(pair0 * B, PAIRS_PER_W * B)], bt_v, sem_in).wait()

    def compute_tile(p, buf):
        base = [bt_v[pl.ds(p * B + c * L, L)] * EMB for c in range(B // L)]

        def dbody(d, carry):
            dv = jnp.full((L,), d, jnp.int32)
            for c in range(B // L):
                row = plsc.load_gather(tbl_v, [base[c] + dv])
                buf[pl.ds(d * B + c * L, L)] = row
            return carry

        lax.fori_loop(0, EMB, dbody, 0, unroll=2)

    def out_slice(p):
        return out_hbm.at[pl.ds((pair0 + p) * TILE_F32, TILE_F32)]

    def pair_body(k, carry):
        p0 = 2 * k
        p1 = 2 * k + 1

        @pl.when(k > 0)
        def _():
            pltpu.make_async_copy(buf0, out_slice(p0 - 2), sem0).wait()

        compute_tile(p0, buf0)
        pltpu.make_async_copy(buf0, out_slice(p0), sem0).start()

        @pl.when(k > 0)
        def _():
            pltpu.make_async_copy(buf1, out_slice(p1 - 2), sem1).wait()

        compute_tile(p1, buf1)
        pltpu.make_async_copy(buf1, out_slice(p1), sem1).start()
        return carry

    lax.fori_loop(0, PAIRS_PER_W // 2, pair_body, 0)
    pltpu.make_async_copy(buf0, out_slice(PAIRS_PER_W - 2), sem0).wait()
    pltpu.make_async_copy(buf1, out_slice(PAIRS_PER_W - 1), sem1).wait()


def kernel(atom_types, bond_types, atom_mask, atom_charges, atom_type_table,
           charge_table, bond_table, W1, b1, W2, b2):
    del atom_mask

    ta = jnp.pad(atom_type_table, ((0, A_VOCAB - atom_type_table.shape[0]), (0, 0)))
    tc = jnp.pad(charge_table, ((0, C_VOCAB - charge_table.shape[0]), (0, 0)))
    w1a, w1c = W1[:EMB], W1[EMB:]
    b1r = b1.reshape(1, D_INV)
    b2r = b2.reshape(1, D_INV)

    full = lambda shape: pl.BlockSpec(shape, lambda i: (0,) * len(shape))
    invs = pl.pallas_call(
        _invs_body,
        grid=(B // INV_BLK,),
        in_specs=[
            pl.BlockSpec((INV_BLK, 64), lambda i: (i, 0)),
            pl.BlockSpec((INV_BLK, 64), lambda i: (i, 0)),
            full((A_VOCAB, EMB)),
            full((C_VOCAB, EMB)),
            full((EMB, D_INV)),
            full((EMB, D_INV)),
            full((1, D_INV)),
            full((D_INV, D_INV)),
            full((1, D_INV)),
        ],
        out_specs=pl.BlockSpec((INV_BLK, 64, D_INV), lambda i: (i, 0, 0)),
        out_shape=jax.ShapeDtypeStruct((B, N, D_INV), jnp.float32),
    )(atom_types, atom_charges, ta, tc, w1a, w1c, b1r, W2, b2r)

    btt = jnp.transpose(bond_types, (1, 2, 0)).reshape(NPAIR * B)
    tbl_flat = bond_table.reshape(8 * EMB)
    mesh = plsc.VectorSubcoreMesh(core_axis_name="c", subcore_axis_name="s")
    sc_call = functools.partial(
        pl.kernel,
        mesh=mesh,
        compiler_params=pltpu.CompilerParams(needs_layout_passes=False),
        out_type=jax.ShapeDtypeStruct((NPAIR * TILE_F32,), jnp.float32),
        scratch_types=[
            pltpu.VMEM((PAIRS_PER_W * B,), jnp.int32),
            pltpu.VMEM((8 * EMB,), jnp.float32),
            pltpu.VMEM((TILE_F32,), jnp.float32),
            pltpu.VMEM((TILE_F32,), jnp.float32),
            pltpu.SemaphoreType.DMA,
            pltpu.SemaphoreType.DMA,
            pltpu.SemaphoreType.DMA,
        ],
    )(_edges_sc)
    edges_t = sc_call(btt, tbl_flat).reshape(N, N, EMB, B)
    edges = jnp.transpose(edges_t, (3, 0, 1, 2))
    return invs, edges

# --- scband reference (transcript-rebuilt; emitter-appended) ---
"""Pipeline reference for scband-invariant-embedding-257698038065 (READ-ONLY COPY).

The authoritative reference and input builder live on the scoring server;
editing this copy changes nothing except your own understanding.
"""

import jax, jax.numpy as jnp
import numpy as np

B, N = 256, 64
N_ATOM_TYPES = 100
N_CHARGE_TYPES = 7
N_BOND_TYPES = 8
EMB = 64
D_INV = 256


def setup_inputs(seed: int = 0) -> dict:
    key = jax.random.key(seed)
    ks = jax.random.split(key, 12)
    atom_types = jax.random.randint(ks[0], (B, N), 0, N_ATOM_TYPES, dtype=jnp.int32)
    bond_types = jax.random.randint(ks[1], (B, N, N), 0, N_BOND_TYPES, dtype=jnp.int32)
    atom_mask = jnp.ones((B, N), dtype=jnp.int32)
    atom_charges = jax.random.randint(ks[2], (B, N), 0, N_CHARGE_TYPES, dtype=jnp.int32)
    atom_type_table = jax.random.normal(ks[3], (N_ATOM_TYPES, EMB), dtype=jnp.float32) * 0.02
    charge_table = jax.random.normal(ks[4], (N_CHARGE_TYPES, EMB), dtype=jnp.float32) * 0.02
    bond_table = jax.random.normal(ks[5], (N_BOND_TYPES, EMB), dtype=jnp.float32) * 0.02
    W1 = jax.random.normal(ks[6], (2 * EMB, D_INV), dtype=jnp.float32) * (1.0 / np.sqrt(2 * EMB))
    b1 = jnp.zeros((D_INV,), dtype=jnp.float32)
    W2 = jax.random.normal(ks[7], (D_INV, D_INV), dtype=jnp.float32) * (1.0 / np.sqrt(D_INV))
    b2 = jnp.zeros((D_INV,), dtype=jnp.float32)
    return {
        "atom_types": atom_types,
        "bond_types": bond_types,
        "atom_mask": atom_mask,
        "atom_charges": atom_charges,
        "atom_type_table": atom_type_table,
        "charge_table": charge_table,
        "bond_table": bond_table,
        "W1": W1,
        "b1": b1,
        "W2": W2,
        "b2": b2,
    }


def reference(atom_types, bond_types, atom_mask, atom_charges,
              atom_type_table, charge_table, bond_table, W1, b1, W2, b2):
    # atom_type_emb lookup
    invs = jnp.take(atom_type_table, atom_types, axis=0)  # (B, N, EMB)
    # charge embedding lookup and concat
    charge_feats = jnp.take(charge_table, atom_charges, axis=0)  # (B, N, EMB)
    invs = jnp.concatenate([invs, charge_feats], axis=-1)  # (B, N, 2*EMB)
    # atom_emb: Linear -> SiLU -> Linear
    h = invs @ W1 + b1
    h = h * jax.nn.sigmoid(h)  # SiLU
    invs = h @ W2 + b2  # (B, N, D_INV)
    # bond embedding lookup (dominant memory traffic)
    edges = jnp.take(bond_table, bond_types, axis=0)  # (B, N, N, EMB)
    return (invs, edges)

if __name__ == "__main__":
    import jax
    _d = setup_inputs()
    print(jax.jit(kernel)(*tuple(_d.values())))

</pallas_src>

<mosaic_0001>
#map = affine_map<(d0, d1) -> (0)>
module attributes {stable_mosaic.version = 14 : i64} {
  func.func @_edges_sc(%arg0: i32, %arg1: i32, %arg2: memref<1048576xi32, #tpu.memory_space<hbm>>, %arg3: memref<512xf32, #tpu.memory_space<hbm>>, %arg4: memref<67108864xf32, #tpu.memory_space<hbm>>, %arg5: memref<32768xi32, #tpu.memory_space<vmem>>, %arg6: memref<512xf32, #tpu.memory_space<vmem>>, %arg7: memref<16384xf32, #tpu.memory_space<vmem>>, %arg8: memref<16384xf32, #tpu.memory_space<vmem>>, %arg9: memref<!tpu.dma_semaphore, #tpu.memory_space<semaphore_mem>>, %arg10: memref<!tpu.dma_semaphore, #tpu.memory_space<semaphore_mem>>, %arg11: memref<!tpu.dma_semaphore, #tpu.memory_space<semaphore_mem>>) attributes {dimension_semantics = [#tpu.dimension_semantics<core_parallel>, #tpu.dimension_semantics<subcore_parallel>], iteration_bounds = array<i64: 2, 16>, scalar_prefetch = 0 : i64, scratch_operands = 7 : i64, tpu.core_type = #tpu.core_type<sc_vector_subcore>, window_params = [{transform_indices = #map}, {transform_indices = #map}, {transform_indices = #map}]} {
    %mul3A = arith.constant 2 : i32
    %mul3A_0 = arith.muli %arg1, %mul3A : i32
    %add3A = arith.addi %mul3A_0, %arg0 : i32
    %mul3A_1 = arith.constant 128 : i32
    %mul3A_2 = arith.muli %add3A, %mul3A_1 : i32
    tpu.enqueue_dma source(%arg3 : memref<512xf32, #tpu.memory_space<hbm>>) target(%arg6 : memref<512xf32, #tpu.memory_space<vmem>>) target_semaphore(%arg9 : memref<!tpu.dma_semaphore, #tpu.memory_space<semaphore_mem>>)
    tpu.wait_dma2 semaphore(%arg9 : memref<!tpu.dma_semaphore, #tpu.memory_space<semaphore_mem>>) src(%arg3 : memref<512xf32, #tpu.memory_space<hbm>>) dst(%arg6 : memref<512xf32, #tpu.memory_space<vmem>>)
    %mul3A_3 = arith.constant 256 : i32
    %mul3A_4 = arith.muli %mul3A_2, %mul3A_3 : i32
    %dma_start3A = tpu.memref_slice %arg2[%mul3A_4] : memref<1048576xi32, #tpu.memory_space<hbm>> -> memref<32768xi32, #tpu.memory_space<hbm>>
    %dma_start3A_5 = tpu.memref_slice %arg2[%mul3A_4] : memref<1048576xi32, #tpu.memory_space<hbm>> -> memref<32768xi32, #tpu.memory_space<hbm>>
    tpu.enqueue_dma source(%dma_start3A_5 : memref<32768xi32, #tpu.memory_space<hbm>>) target(%arg5 : memref<32768xi32, #tpu.memory_space<vmem>>) target_semaphore(%arg9 : memref<!tpu.dma_semaphore, #tpu.memory_space<semaphore_mem>>)
    %dma_wait3A = tpu.memref_slice %arg2[%mul3A_4] : memref<1048576xi32, #tpu.memory_space<hbm>> -> memref<32768xi32, #tpu.memory_space<hbm>>
    %dma_wait3A_6 = tpu.memref_slice %arg2[%mul3A_4] : memref<1048576xi32, #tpu.memory_space<hbm>> -> memref<32768xi32, #tpu.memory_space<hbm>>
    tpu.wait_dma2 semaphore(%arg9 : memref<!tpu.dma_semaphore, #tpu.memory_space<semaphore_mem>>) src(%dma_wait3A_6 : memref<32768xi32, #tpu.memory_space<hbm>>) dst(%arg5 : memref<32768xi32, #tpu.memory_space<vmem>>)
    %scan3A = arith.constant 0 : i32
    %scan3A_7 = arith.constant 0 : i32
    %scan3A_8 = arith.constant 64 : i32
    %scan3A_9 = arith.addi %scan3A_7, %scan3A_8 : i32
    %scan3A_10 = arith.constant 1 : i32
    scf.for %scan3A_24 = %scan3A_7 to %scan3A_9 step %scan3A_10  : i32 {
      %mul3A_25 = arith.constant 2 : i32
      %mul3A_26 = arith.muli %mul3A_25, %scan3A_24 : i32
      %mul3A_27 = arith.constant 2 : i32
      %mul3A_28 = arith.muli %mul3A_27, %scan3A_24 : i32
      %add3A_29 = arith.constant 1 : i32
      %add3A_30 = arith.addi %mul3A_28, %add3A_29 : i32
      %gt3A = arith.constant 0 : i32
      %gt3A_31 = arith.cmpi sgt, %scan3A_24, %gt3A : i32
      %convert_element_type3A = arith.extui %gt3A_31 : i1 to i32
      %cond3A = arith.constant 0 : i32
      %cond3A_32 = arith.cmpi ne, %convert_element_type3A, %cond3A : i32
      scf.if %cond3A_32 {
        %sub3A = arith.constant 2 : i32
        %sub3A_347 = arith.subi %mul3A_26, %sub3A : i32
        %add3A_348 = arith.addi %mul3A_2, %sub3A_347 : i32
        %mul3A_349 = arith.constant 16384 : i32
        %mul3A_350 = arith.muli %add3A_348, %mul3A_349 : i32
        %dma_wait3A_351 = tpu.memref_slice %arg4[%mul3A_350] : memref<67108864xf32, #tpu.memory_space<hbm>> -> memref<16384xf32, #tpu.memory_space<hbm>>
        %dma_wait3A_352 = tpu.memref_slice %arg4[%mul3A_350] : memref<67108864xf32, #tpu.memory_space<hbm>> -> memref<16384xf32, #tpu.memory_space<hbm>>
        tpu.wait_dma2 semaphore(%arg10 : memref<!tpu.dma_semaphore, #tpu.memory_space<semaphore_mem>>) src(%arg7 : memref<16384xf32, #tpu.memory_space<vmem>>) dst(%dma_wait3A_352 : memref<16384xf32, #tpu.memory_space<hbm>>)
      } else {
      }
      %mul3A_33 = arith.constant 256 : i32
      %mul3A_34 = arith.muli %mul3A_26, %mul3A_33 : i32
      %add3A_35 = arith.constant 0 : i32
      %add3A_36 = arith.addi %mul3A_34, %add3A_35 : i32
      %get3A = arith.index_cast %add3A_36 : i32 to index
      %get3A_37 = tpu.vector_load %arg5[%get3A] {strides = array<i32>} : memref<32768xi32, #tpu.memory_space<vmem>>, vector<16xi32>,
      %mul3A_38 = arith.constant 64 : i32
      %mul3A_39 = vector.broadcast %mul3A_38 : i32 to vector<16xi32>
      %mul3A_40 = arith.muli %get3A_37, %mul3A_39 : vector<16xi32>
      %mul3A_41 = arith.constant 256 : i32
      %mul3A_42 = arith.muli %mul3A_26, %mul3A_41 : i32
      %add3A_43 = arith.constant 16 : i32
      %add3A_44 = arith.addi %mul3A_42, %add3A_43 : i32
      %get3A_45 = arith.index_cast %add3A_44 : i32 to index
      %get3A_46 = tpu.vector_load %arg5[%get3A_45] {strides = array<i32>} : memref<32768xi32, #tpu.memory_space<vmem>>, vector<16xi32>,
      %mul3A_47 = arith.constant 64 : i32
      %mul3A_48 = vector.broadcast %mul3A_47 : i32 to vector<16xi32>
      %mul3A_49 = arith.muli %get3A_46, %mul3A_48 : vector<16xi32>
      %mul3A_50 = arith.constant 256 : i32
      %mul3A_51 = arith.muli %mul3A_26, %mul3A_50 : i32
      %add3A_52 = arith.constant 32 : i32
      %add3A_53 = arith.addi %mul3A_51, %add3A_52 : i32
      %get3A_54 = arith.index_cast %add3A_53 : i32 to index
      %get3A_55 = tpu.vector_load %arg5[%get3A_54] {strides = array<i32>} : memref<32768xi32, #tpu.memory_space<vmem>>, vector<16xi32>,
      %mul3A_56 = arith.constant 64 : i32
      %mul3A_57 = vector.broadcast %mul3A_56 : i32 to vector<16xi32>
      %mul3A_58 = arith.muli %get3A_55, %mul3A_57 : vector<16xi32>
      %mul3A_59 = arith.constant 256 : i32
      %mul3A_60 = arith.muli %mul3A_26, %mul3A_59 : i32
      %add3A_61 = arith.constant 48 : i32
      %add3A_62 = arith.addi %mul3A_60, %add3A_61 : i32
      %get3A_63 = arith.index_cast %add3A_62 : i32 to index
      %get3A_64 = tpu.vector_load %arg5[%get3A_63] {strides = array<i32>} : memref<32768xi32, #tpu.memory_space<vmem>>, vector<16xi32>,
      %mul3A_65 = arith.constant 64 : i32
      %mul3A_66 = vector.broadcast %mul3A_65 : i32 to vector<16xi32>
      %mul3A_67 = arith.muli %get3A_64, %mul3A_66 : vector<16xi32>
      %mul3A_68 = arith.constant 256 : i32
      %mul3A_69 = arith.muli %mul3A_26, %mul3A_68 : i32
      %add3A_70 = arith.constant 64 : i32
      %add3A_71 = arith.addi %mul3A_69, %add3A_70 : i32
      %get3A_72 = arith.index_cast %add3A_71 : i32 to index
      %get3A_73 = tpu.vector_load %arg5[%get3A_72] {strides = array<i32>} : memref<32768xi32, #tpu.memory_space<vmem>>, vector<16xi32>,
      %mul3A_74 = arith.constant 64 : i32
      %mul3A_75 = vector.broadcast %mul3A_74 : i32 to vector<16xi32>
      %mul3A_76 = arith.muli %get3A_73, %mul3A_75 : vector<16xi32>
      %mul3A_77 = arith.constant 256 : i32
      %mul3A_78 = arith.muli %mul3A_26, %mul3A_77 : i32
      %add3A_79 = arith.constant 80 : i32
      %add3A_80 = arith.addi %mul3A_78, %add3A_79 : i32
      %get3A_81 = arith.index_cast %add3A_80 : i32 to index
      %get3A_82 = tpu.vector_load %arg5[%get3A_81] {strides = array<i32>} : memref<32768xi32, #tpu.memory_space<vmem>>, vector<16xi32>,
      %mul3A_83 = arith.constant 64 : i32
      %mul3A_84 = vector.broadcast %mul3A_83 : i32 to vector<16xi32>
      %mul3A_85 = arith.muli %get3A_82, %mul3A_84 : vector<16xi32>
      %mul3A_86 = arith.constant 256 : i32
      %mul3A_87 = arith.muli %mul3A_26, %mul3A_86 : i32
      %add3A_88 = arith.constant 96 : i32
      %add3A_89 = arith.addi %mul3A_87, %add3A_88 : i32
      %get3A_90 = arith.index_cast %add3A_89 : i32 to index
      %get3A_91 = tpu.vector_load %arg5[%get3A_90] {strides = array<i32>} : memref<32768xi32, #tpu.memory_space<vmem>>, vector<16xi32>,
      %mul3A_92 = arith.constant 64 : i32
      %mul3A_93 = vector.broadcast %mul3A_92 : i32 to vector<16xi32>
      %mul3A_94 = arith.muli %get3A_91, %mul3A_93 : vector<16xi32>
      %mul3A_95 = arith.constant 256 : i32
      %mul3A_96 = arith.muli %mul3A_26, %mul3A_95 : i32
      %add3A_97 = arith.constant 112 : i32
      %add3A_98 = arith.addi %mul3A_96, %add3A_97 : i32
      %get3A_99 = arith.index_cast %add3A_98 : i32 to index
      %get3A_100 = tpu.vector_load %arg5[%get3A_99] {strides = array<i32>} : memref<32768xi32, #tpu.memory_space<vmem>>, vector<16xi32>,
      %mul3A_101 = arith.constant 64 : i32
      %mul3A_102 = vector.broadcast %mul3A_101 : i32 to vector<16xi32>
      %mul3A_103 = arith.muli %get3A_100, %mul3A_102 : vector<16xi32>
      %mul3A_104 = arith.constant 256 : i32
      %mul3A_105 = arith.muli %mul3A_26, %mul3A_104 : i32
      %add3A_106 = arith.constant 128 : i32
      %add3A_107 = arith.addi %mul3A_105, %add3A_106 : i32
      %get3A_108 = arith.index_cast %add3A_107 : i32 to index
      %get3A_109 = tpu.vector_load %arg5[%get3A_108] {strides = array<i32>} : memref<32768xi32, #tpu.memory_space<vmem>>, vector<16xi32>,
      %mul3A_110 = arith.constant 64 : i32
      %mul3A_111 = vector.broadcast %mul3A_110 : i32 to vector<16xi32>
      %mul3A_112 = arith.muli %get3A_109, %mul3A_111 : vector<16xi32>
      %mul3A_113 = arith.constant 256 : i32
      %mul3A_114 = arith.muli %mul3A_26, %mul3A_113 : i32
      %add3A_115 = arith.constant 144 : i32
      %add3A_116 = arith.addi %mul3A_114, %add3A_115 : i32
      %get3A_117 = arith.index_cast %add3A_116 : i32 to index
      %get3A_118 = tpu.vector_load %arg5[%get3A_117] {strides = array<i32>} : memref<32768xi32, #tpu.memory_space<vmem>>, vector<16xi32>,
      %mul3A_119 = arith.constant 64 : i32
      %mul3A_120 = vector.broadcast %mul3A_119 : i32 to vector<16xi32>
      %mul3A_121 = arith.muli %get3A_118, %mul3A_120 : vector<16xi32>
      %mul3A_122 = arith.constant 256 : i32
      %mul3A_123 = arith.muli %mul3A_26, %mul3A_122 : i32
      %add3A_124 = arith.constant 160 : i32
      %add3A_125 = arith.addi %mul3A_123, %add3A_124 : i32
      %get3A_126 = arith.index_cast %add3A_125 : i32 to index
      %get3A_127 = tpu.vector_load %arg5[%get3A_126] {strides = array<i32>} : memref<32768xi32, #tpu.memory_space<vmem>>, vector<16xi32>,
      %mul3A_128 = arith.constant 64 : i32
      %mul3A_129 = vector.broadcast %mul3A_128 : i32 to vector<16xi32>
      %mul3A_130 = arith.muli %get3A_127, %mul3A_129 : vector<16xi32>
      %mul3A_131 = arith.constant 256 : i32
      %mul3A_132 = arith.muli %mul3A_26, %mul3A_131 : i32
      %add3A_133 = arith.constant 176 : i32
      %add3A_134 = arith.addi %mul3A_132, %add3A_133 : i32
      %get3A_135 = arith.index_cast %add3A_134 : i32 to index
      %get3A_136 = tpu.vector_load %arg5[%get3A_135] {strides = array<i32>} : memref<32768xi32, #tpu.memory_space<vmem>>, vector<16xi32>,
      %mul3A_137 = arith.constant 64 : i32
      %mul3A_138 = vector.broadcast %mul3A_137 : i32 to vector<16xi32>
      %mul3A_139 = arith.muli %get3A_136, %mul3A_138 : vector<16xi32>
      %mul3A_140 = arith.constant 256 : i32
      %mul3A_141 = arith.muli %mul3A_26, %mul3A_140 : i32
      %add3A_142 = arith.constant 192 : i32
      %add3A_143 = arith.addi %mul3A_141, %add3A_142 : i32
      %get3A_144 = arith.index_cast %add3A_143 : i32 to index
      %get3A_145 = tpu.vector_load %arg5[%get3A_144] {strides = array<i32>} : memref<32768xi32, #tpu.memory_space<vmem>>, vector<16xi32>,
      %mul3A_146 = arith.constant 64 : i32
      %mul3A_147 = vector.broadcast %mul3A_146 : i32 to vector<16xi32>
      %mul3A_148 = arith.muli %get3A_145, %mul3A_147 : vector<16xi32>
      %mul3A_149 = arith.constant 256 : i32
      %mul3A_150 = arith.muli %mul3A_26, %mul3A_149 : i32
      %add3A_151 = arith.constant 208 : i32
      %add3A_152 = arith.addi %mul3A_150, %add3A_151 : i32
      %get3A_153 = arith.index_cast %add3A_152 : i32 to index
      %get3A_154 = tpu.vector_load %arg5[%get3A_153] {strides = array<i32>} : memref<32768xi32, #tpu.memory_space<vmem>>, vector<16xi32>,
      %mul3A_155 = arith.constant 64 : i32
      %mul3A_156 = vector.broadcast %mul3A_155 : i32 to vector<16xi32>
      %mul3A_157 = arith.muli %get3A_154, %mul3A_156 : vector<16xi32>
      %mul3A_158 = arith.constant 256 : i32
      %mul3A_159 = arith.muli %mul3A_26, %mul3A_158 : i32
      %add3A_160 = arith.constant 224 : i32
      %add3A_161 = arith.addi %mul3A_159, %add3A_160 : i32
      %get3A_162 = arith.index_cast %add3A_161 : i32 to index
      %get3A_163 = tpu.vector_load %arg5[%get3A_162] {strides = array<i32>} : memref<32768xi32, #tpu.memory_space<vmem>>, vector<16xi32>,
      %mul3A_164 = arith.constant 64 : i32
      %mul3A_165 = vector.broadcast %mul3A_164 : i32 to vector<16xi32>
      %mul3A_166 = arith.muli %get3A_163, %mul3A_165 : vector<16xi32>
      %mul3A_167 = arith.constant 256 : i32
      %mul3A_168 = arith.muli %mul3A_26, %mul3A_167 : i32
      %add3A_169 = arith.constant 240 : i32
      %add3A_170 = arith.addi %mul3A_168, %add3A_169 : i32
      %get3A_171 = arith.index_cast %add3A_170 : i32 to index
      %get3A_172 = tpu.vector_load %arg5[%get3A_171] {strides = array<i32>} : memref<32768xi32, #tpu.memory_space<vmem>>, vector<16xi32>,
      %mul3A_173 = arith.constant 64 : i32
      %mul3A_174 = vector.broadcast %mul3A_173 : i32 to vector<16xi32>
      %mul3A_175 = arith.muli %get3A_172, %mul3A_174 : vector<16xi32>
      %scan3A_176 = arith.constant 0 : i32
      %scan3A_177 = arith.constant 0 : i32
      %scan3A_178 = arith.constant 64 : i32
      %scan3A_179 = arith.addi %scan3A_177, %scan3A_178 : i32
      %scan3A_180 = arith.constant 2 : i32
      scf.for %scan3A_347 = %scan3A_177 to %scan3A_179 step %scan3A_180  : i32 {
        %broadcast_in_dim3A = vector.broadcast %scan3A_347 : i32 to vector<16xi32>
        %add3A_348 = arith.addi %mul3A_40, %broadcast_in_dim3A : vector<16xi32>
        %gather3A = tpu.vector_load_idx %arg6[%add3A_348] : memref<512xf32, #tpu.memory_space<vmem>>[vector<16xi32>], vector<16xf32>,
        %mul3A_349 = arith.constant 256 : i32
        %mul3A_350 = arith.muli %scan3A_347, %mul3A_349 : i32
        %add3A_351 = arith.constant 0 : i32
        %add3A_352 = arith.addi %mul3A_350, %add3A_351 : i32
        %swap3A = arith.index_cast %add3A_352 : i32 to index
        %swap3A_353 = tpu.vector_load %arg7[%swap3A] {strides = array<i32>} : memref<16384xf32, #tpu.memory_space<vmem>>, vector<16xf32>,
        tpu.vector_store %arg7[%swap3A], %gather3A {strides = array<i32>} : memref<16384xf32, #tpu.memory_space<vmem>>, vector<16xf32>,
        %add3A_354 = arith.addi %mul3A_49, %broadcast_in_dim3A : vector<16xi32>
        %gather3A_355 = tpu.vector_load_idx %arg6[%add3A_354] : memref<512xf32, #tpu.memory_space<vmem>>[vector<16xi32>], vector<16xf32>,
        %mul3A_356 = arith.constant 256 : i32
        %mul3A_357 = arith.muli %scan3A_347, %mul3A_356 : i32
        %add3A_358 = arith.constant 16 : i32
        %add3A_359 = arith.addi %mul3A_357, %add3A_358 : i32
        %swap3A_360 = arith.index_cast %add3A_359 : i32 to index
        %swap3A_361 = tpu.vector_load %arg7[%swap3A_360] {strides = array<i32>} : memref<16384xf32, #tpu.memory_space<vmem>>, vector<16xf32>,
        tpu.vector_store %arg7[%swap3A_360], %gather3A_355 {strides = array<i32>} : memref<16384xf32, #tpu.memory_space<vmem>>, vector<16xf32>,
        %add3A_362 = arith.addi %mul3A_58, %broadcast_in_dim3A : vector<16xi32>
        %gather3A_363 = tpu.vector_load_idx %arg6[%add3A_362] : memref<512xf32, #tpu.memory_space<vmem>>[vector<16xi32>], vector<16xf32>,
        %mul3A_364 = arith.constant 256 : i32
        %mul3A_365 = arith.muli %scan3A_347, %mul3A_364 : i32
        %add3A_366 = arith.constant 32 : i32
        %add3A_367 = arith.addi %mul3A_365, %add3A_366 : i32
        %swap3A_368 = arith.index_cast %add3A_367 : i32 to index
        %swap3A_369 = tpu.vector_load %arg7[%swap3A_368] {strides = array<i32>} : memref<16384xf32, #tpu.memory_space<vmem>>, vector<16xf32>,
        tpu.vector_store %arg7[%swap3A_368], %gather3A_363 {strides = array<i32>} : memref<16384xf32, #tpu.memory_space<vmem>>, vector<16xf32>,
        %add3A_370 = arith.addi %mul3A_67, %broadcast_in_dim3A : vector<16xi32>
        %gather3A_371 = tpu.vector_load_idx %arg6[%add3A_370] : memref<512xf32, #tpu.memory_space<vmem>>[vector<16xi32>], vector<16xf32>,
        %mul3A_372 = arith.constant 256 : i32
        %mul3A_373 = arith.muli %scan3A_347, %mul3A_372 : i32
        %add3A_374 = arith.constant 48 : i32
        %add3A_375 = arith.addi %mul3A_373, %add3A_374 : i32
        %swap3A_376 = arith.index_cast %add3A_375 : i32 to index
        %swap3A_377 = tpu.vector_load %arg7[%swap3A_376] {strides = array<i32>} : memref<16384xf32, #tpu.memory_space<vmem>>, vector<16xf32>,
        tpu.vector_store %arg7[%swap3A_376], %gather3A_371 {strides = array<i32>} : memref<16384xf32, #tpu.memory_space<vmem>>, vector<16xf32>,
        %add3A_378 = arith.addi %mul3A_76, %broadcast_in_dim3A : vector<16xi32>
        %gather3A_379 = tpu.vector_load_idx %arg6[%add3A_378] : memref<512xf32, #tpu.memory_space<vmem>>[vector<16xi32>], vector<16xf32>,
        %mul3A_380 = arith.constant 256 : i32
        %mul3A_381 = arith.muli %scan3A_347, %mul3A_380 : i32
        %add3A_382 = arith.constant 64 : i32
        %add3A_383 = arith.addi %mul3A_381, %add3A_382 : i32
        %swap3A_384 = arith.index_cast %add3A_383 : i32 to index
        %swap3A_385 = tpu.vector_load %arg7[%swap3A_384] {strides = array<i32>} : memref<16384xf32, #tpu.memory_space<vmem>>, vector<16xf32>,
        tpu.vector_store %arg7[%swap3A_384], %gather3A_379 {strides = array<i32>} : memref<16384xf32, #tpu.memory_space<vmem>>, vector<16xf32>,
        %add3A_386 = arith.addi %mul3A_85, %broadcast_in_dim3A : vector<16xi32>
        %gather3A_387 = tpu.vector_load_idx %arg6[%add3A_386] : memref<512xf32, #tpu.memory_space<vmem>>[vector<16xi32>], vector<16xf32>,
        %mul3A_388 = arith.constant 256 : i32
        %mul3A_389 = arith.muli %scan3A_347, %mul3A_388 : i32
        %add3A_390 = arith.constant 80 : i32
        %add3A_391 = arith.addi %mul3A_389, %add3A_390 : i32
        %swap3A_392 = arith.index_cast %add3A_391 : i32 to index
        %swap3A_393 = tpu.vector_load %arg7[%swap3A_392] {strides = array<i32>} : memref<16384xf32, #tpu.memory_space<vmem>>, vector<16xf32>,
        tpu.vector_store %arg7[%swap3A_392], %gather3A_387 {strides = array<i32>} : memref<16384xf32, #tpu.memory_space<vmem>>, vector<16xf32>,
        %add3A_394 = arith.addi %mul3A_94, %broadcast_in_dim3A : vector<16xi32>
        %gather3A_395 = tpu.vector_load_idx %arg6[%add3A_394] : memref<512xf32, #tpu.memory_space<vmem>>[vector<16xi32>], vector<16xf32>,
        %mul3A_396 = arith.constant 256 : i32
        %mul3A_397 = arith.muli %scan3A_347, %mul3A_396 : i32
        %add3A_398 = arith.constant 96 : i32
        %add3A_399 = arith.addi %mul3A_397, %add3A_398 : i32
        %swap3A_400 = arith.index_cast %add3A_399 : i32 to index
        %swap3A_401 = tpu.vector_load %arg7[%swap3A_400] {strides = array<i32>} : memref<16384xf32, #tpu.memory_space<vmem>>, vector<16xf32>,
        tpu.vector_store %arg7[%swap3A_400], %gather3A_395 {strides = array<i32>} : memref<16384xf32, #tpu.memory_space<vmem>>, vector<16xf32>,
        %add3A_402 = arith.addi %mul3A_103, %broadcast_in_dim3A : vector<16xi32>
        %gather3A_403 = tpu.vector_load_idx %arg6[%add3A_402] : memref<512xf32, #tpu.memory_space<vmem>>[vector<16xi32>], vector<16xf32>,
        %mul3A_404 = arith.constant 256 : i32
        %mul3A_405 = arith.muli %scan3A_347, %mul3A_404 : i32
        %add3A_406 = arith.constant 112 : i32
        %add3A_407 = arith.addi %mul3A_405, %add3A_406 : i32
        %swap3A_408 = arith.index_cast %add3A_407 : i32 to index
        %swap3A_409 = tpu.vector_load %arg7[%swap3A_408] {strides = array<i32>} : memref<16384xf32, #tpu.memory_space<vmem>>, vector<16xf32>,
        tpu.vector_store %arg7[%swap3A_408], %gather3A_403 {strides = array<i32>} : memref<16384xf32, #tpu.memory_space<vmem>>, vector<16xf32>,
        %add3A_410 = arith.addi %mul3A_112, %broadcast_in_dim3A : vector<16xi32>
        %gather3A_411 = tpu.vector_load_idx %arg6[%add3A_410] : memref<512xf32, #tpu.memory_space<vmem>>[vector<16xi32>], vector<16xf32>,
        %mul3A_412 = arith.constant 256 : i32
        %mul3A_413 = arith.muli %scan3A_347, %mul3A_412 : i32
        %add3A_414 = arith.constant 128 : i32
        %add3A_415 = arith.addi %mul3A_413, %add3A_414 : i32
        %swap3A_416 = arith.index_cast %add3A_415 : i32 to index
        %swap3A_417 = tpu.vector_load %arg7[%swap3A_416] {strides = array<i32>} : memref<16384xf32, #tpu.memory_space<vmem>>, vector<16xf32>,
        tpu.vector_store %arg7[%swap3A_416], %gather3A_411 {strides = array<i32>} : memref<16384xf32, #tpu.memory_space<vmem>>, vector<16xf32>,
        %add3A_418 = arith.addi %mul3A_121, %broadcast_in_dim3A : vector<16xi32>
        %gather3A_419 = tpu.vector_load_idx %arg6[%add3A_418] : memref<512xf32, #tpu.memory_space<vmem>>[vector<16xi32>], vector<16xf32>,
        %mul3A_420 = arith.constant 256 : i32
        %mul3A_421 = arith.muli %scan3A_347, %mul3A_420 : i32
        %add3A_422 = arith.constant 144 : i32
        %add3A_423 = arith.addi %mul3A_421, %add3A_422 : i32
        %swap3A_424 = arith.index_cast %add3A_423 : i32 to index
        %swap3A_425 = tpu.vector_load %arg7[%swap3A_424] {strides = array<i32>} : memref<16384xf32, #tpu.memory_space<vmem>>, vector<16xf32>,
        tpu.vector_store %arg7[%swap3A_424], %gather3A_419 {strides = array<i32>} : memref<16384xf32, #tpu.memory_space<vmem>>, vector<16xf32>,
        %add3A_426 = arith.addi %mul3A_130, %broadcast_in_dim3A : vector<16xi32>
        %gather3A_427 = tpu.vector_load_idx %arg6[%add3A_426] : memref<512xf32, #tpu.memory_space<vmem>>[vector<16xi32>], vector<16xf32>,
        %mul3A_428 = arith.constant 256 : i32
        %mul3A_429 = arith.muli %scan3A_347, %mul3A_428 : i32
        %add3A_430 = arith.constant 160 : i32
        %add3A_431 = arith.addi %mul3A_429, %add3A_430 : i32
        %swap3A_432 = arith.index_cast %add3A_431 : i32 to index
        %swap3A_433 = tpu.vector_load %arg7[%swap3A_432] {strides = array<i32>} : memref<16384xf32, #tpu.memory_space<vmem>>, vector<16xf32>,
        tpu.vector_store %arg7[%swap3A_432], %gather3A_427 {strides = array<i32>} : memref<16384xf32, #tpu.memory_space<vmem>>, vector<16xf32>,
        %add3A_434 = arith.addi %mul3A_139, %broadcast_in_dim3A : vector<16xi32>
        %gather3A_435 = tpu.vector_load_idx %arg6[%add3A_434] : memref<512xf32, #tpu.memory_space<vmem>>[vector<16xi32>], vector<16xf32>,
        %mul3A_436 = arith.constant 256 : i32
        %mul3A_437 = arith.muli %scan3A_347, %mul3A_436 : i32
        %add3A_438 = arith.constant 176 : i32
        %add3A_439 = arith.addi %mul3A_437, %add3A_438 : i32
        %swap3A_440 = arith.index_cast %add3A_439 : i32 to index
        %swap3A_441 = tpu.vector_load %arg7[%swap3A_440] {strides = array<i32>} : memref<16384xf32, #tpu.memory_space<vmem>>, vector<16xf32>,
        tpu.vector_store %arg7[%swap3A_440], %gather3A_435 {strides = array<i32>} : memref<16384xf32, #tpu.memory_space<vmem>>, vector<16xf32>,
        %add3A_442 = arith.addi %mul3A_148, %broadcast_in_dim3A : vector<16xi32>
        %gather3A_443 = tpu.vector_load_idx %arg6[%add3A_442] : memref<512xf32, #tpu.memory_space<vmem>>[vector<16xi32>], vector<16xf32>,
        %mul3A_444 = arith.constant 256 : i32
        %mul3A_445 = arith.muli %scan3A_347, %mul3A_444 : i32
        %add3A_446 = arith.constant 192 : i32
        %add3A_447 = arith.addi %mul3A_445, %add3A_446 : i32
        %swap3A_448 = arith.index_cast %add3A_447 : i32 to index
        %swap3A_449 = tpu.vector_load %arg7[%swap3A_448] {strides = array<i32>} : memref<16384xf32, #tpu.memory_space<vmem>>, vector<16xf32>,
        tpu.vector_store %arg7[%swap3A_448], %gather3A_443 {strides = array<i32>} : memref<16384xf32, #tpu.memory_space<vmem>>, vector<16xf32>,
        %add3A_450 = arith.addi %mul3A_157, %broadcast_in_dim3A : vector<16xi32>
        %gather3A_451 = tpu.vector_load_idx %arg6[%add3A_450] : memref<512xf32, #tpu.memory_space<vmem>>[vector<16xi32>], vector<16xf32>,
        %mul3A_452 = arith.constant 256 : i32
        %mul3A_453 = arith.muli %scan3A_347, %mul3A_452 : i32
        %add3A_454 = arith.constant 208 : i32
        %add3A_455 = arith.addi %mul3A_453, %add3A_454 : i32
        %swap3A_456 = arith.index_cast %add3A_455 : i32 to index
        %swap3A_457 = tpu.vector_load %arg7[%swap3A_456] {strides = array<i32>} : memref<16384xf32, #tpu.memory_space<vmem>>, vector<16xf32>,
        tpu.vector_store %arg7[%swap3A_456], %gather3A_451 {strides = array<i32>} : memref<16384xf32, #tpu.memory_space<vmem>>, vector<16xf32>,
        %add3A_458 = arith.addi %mul3A_166, %broadcast_in_dim3A : vector<16xi32>
        %gather3A_459 = tpu.vector_load_idx %arg6[%add3A_458] : memref<512xf32, #tpu.memory_space<vmem>>[vector<16xi32>], vector<16xf32>,
        %mul3A_460 = arith.constant 256 : i32
        %mul3A_461 = arith.muli %scan3A_347, %mul3A_460 : i32
        %add3A_462 = arith.constant 224 : i32
        %add3A_463 = arith.addi %mul3A_461, %add3A_462 : i32
        %swap3A_464 = arith.index_cast %add3A_463 : i32 to index
        %swap3A_465 = tpu.vector_load %arg7[%swap3A_464] {strides = array<i32>} : memref<16384xf32, #tpu.memory_space<vmem>>, vector<16xf32>,
        tpu.vector_store %arg7[%swap3A_464], %gather3A_459 {strides = array<i32>} : memref<16384xf32, #tpu.memory_space<vmem>>, vector<16xf32>,
        %add3A_466 = arith.addi %mul3A_175, %broadcast_in_dim3A : vector<16xi32>
        %gather3A_467 = tpu.vector_load_idx %arg6[%add3A_466] : memref<512xf32, #tpu.memory_space<vmem>>[vector<16xi32>], vector<16xf32>,
        %mul3A_468 = arith.constant 256 : i32
        %mul3A_469 = arith.muli %scan3A_347, %mul3A_468 : i32
        %add3A_470 = arith.constant 240 : i32
        %add3A_471 = arith.addi %mul3A_469, %add3A_470 : i32
        %swap3A_472 = arith.index_cast %add3A_471 : i32 to index
        %swap3A_473 = tpu.vector_load %arg7[%swap3A_472] {strides = array<i32>} : memref<16384xf32, #tpu.memory_space<vmem>>, vector<16xf32>,
        tpu.vector_store %arg7[%swap3A_472], %gather3A_467 {strides = array<i32>} : memref<16384xf32, #tpu.memory_space<vmem>>, vector<16xf32>,
        %scan3A_474 = arith.constant 1 : i32
        %scan3A_475 = arith.addi %scan3A_347, %scan3A_474 : i32
        %broadcast_in_dim3A_476 = vector.broadcast %scan3A_475 : i32 to vector<16xi32>
        %add3A_477 = arith.addi %mul3A_40, %broadcast_in_dim3A_476 : vector<16xi32>
        %gather3A_478 = tpu.vector_load_idx %arg6[%add3A_477] : memref<512xf32, #tpu.memory_space<vmem>>[vector<16xi32>], vector<16xf32>,
        %mul3A_479 = arith.constant 256 : i32
        %mul3A_480 = arith.muli %scan3A_475, %mul3A_479 : i32
        %add3A_481 = arith.constant 0 : i32
        %add3A_482 = arith.addi %mul3A_480, %add3A_481 : i32
        %swap3A_483 = arith.index_cast %add3A_482 : i32 to index
        %swap3A_484 = tpu.vector_load %arg7[%swap3A_483] {strides = array<i32>} : memref<16384xf32, #tpu.memory_space<vmem>>, vector<16xf32>,
        tpu.vector_store %arg7[%swap3A_483], %gather3A_478 {strides = array<i32>} : memref<16384xf32, #tpu.memory_space<vmem>>, vector<16xf32>,
        %add3A_485 = arith.addi %mul3A_49, %broadcast_in_dim3A_476 : vector<16xi32>
        %gather3A_486 = tpu.vector_load_idx %arg6[%add3A_485] : memref<512xf32, #tpu.memory_space<vmem>>[vector<16xi32>], vector<16xf32>,
        %mul3A_487 = arith.constant 256 : i32
        %mul3A_488 = arith.muli %scan3A_475, %mul3A_487 : i32
        %add3A_489 = arith.constant 16 : i32
        %add3A_490 = arith.addi %mul3A_488, %add3A_489 : i32
        %swap3A_491 = arith.index_cast %add3A_490 : i32 to index
        %swap3A_492 = tpu.vector_load %arg7[%swap3A_491] {strides = array<i32>} : memref<16384xf32, #tpu.memory_space<vmem>>, vector<16xf32>,
        tpu.vector_store %arg7[%swap3A_491], %gather3A_486 {strides = array<i32>} : memref<16384xf32, #tpu.memory_space<vmem>>, vector<16xf32>,
        %add3A_493 = arith.addi %mul3A_58, %broadcast_in_dim3A_476 : vector<16xi32>
        %gather3A_494 = tpu.vector_load_idx %arg6[%add3A_493] : memref<512xf32, #tpu.memory_space<vmem>>[vector<16xi32>], vector<16xf32>,
        %mul3A_495 = arith.constant 256 : i32
        %mul3A_496 = arith.muli %scan3A_475, %mul3A_495 : i32
        %add3A_497 = arith.constant 32 : i32
        %add3A_498 = arith.addi %mul3A_496, %add3A_497 : i32
        %swap3A_499 = arith.index_cast %add3A_498 : i32 to index
        %swap3A_500 = tpu.vector_load %arg7[%swap3A_499] {strides = array<i32>} : memref<16384xf32, #tpu.memory_space<vmem>>, vector<16xf32>,
        tpu.vector_store %arg7[%swap3A_499], %gather3A_494 {strides = array<i32>} : memref<16384xf32, #tpu.memory_space<vmem>>, vector<16xf32>,
        %add3A_501 = arith.addi %mul3A_67, %broadcast_in_dim3A_476 : vector<16xi32>
        %gather3A_502 = tpu.vector_load_idx %arg6[%add3A_501] : memref<512xf32, #tpu.memory_space<vmem>>[vector<16xi32>], vector<16xf32>,
        %mul3A_503 = arith.constant 256 : i32
        %mul3A_504 = arith.muli %scan3A_475, %mul3A_503 : i32
        %add3A_505 = arith.constant 48 : i32
        %add3A_506 = arith.addi %mul3A_504, %add3A_505 : i32
        %swap3A_507 = arith.index_cast %add3A_506 : i32 to index
        %swap3A_508 = tpu.vector_load %arg7[%swap3A_507] {strides = array<i32>} : memref<16384xf32, #tpu.memory_space<vmem>>, vector<16xf32>,
        tpu.vector_store %arg7[%swap3A_507], %gather3A_502 {strides = array<i32>} : memref<16384xf32, #tpu.memory_space<vmem>>, vector<16xf32>,
        %add3A_509 = arith.addi %mul3A_76, %broadcast_in_dim3A_476 : vector<16xi32>
        %gather3A_510 = tpu.vector_load_idx %arg6[%add3A_509] : memref<512xf32, #tpu.memory_space<vmem>>[vector<16xi32>], vector<16xf32>,
        %mul3A_511 = arith.constant 256 : i32
        %mul3A_512 = arith.muli %scan3A_475, %mul3A_511 : i32
        %add3A_513 = arith.constant 64 : i32
        %add3A_514 = arith.addi %mul3A_512, %add3A_513 : i32
        %swap3A_515 = arith.index_cast %add3A_514 : i32 to index
        %swap3A_516 = tpu.vector_load %arg7[%swap3A_515] {strides = array<i32>} : memref<16384xf32, #tpu.memory_space<vmem>>, vector<16xf32>,
        tpu.vector_store %arg7[%swap3A_515], %gather3A_510 {strides = array<i32>} : memref<16384xf32, #tpu.memory_space<vmem>>, vector<16xf32>,
        %add3A_517 = arith.addi %mul3A_85, %broadcast_in_dim3A_476 : vector<16xi32>
        %gather3A_518 = tpu.vector_load_idx %arg6[%add3A_517] : memref<512xf32, #tpu.memory_space<vmem>>[vector<16xi32>], vector<16xf32>,
        %mul3A_519 = arith.constant 256 : i32
        %mul3A_520 = arith.muli %scan3A_475, %mul3A_519 : i32
        %add3A_521 = arith.constant 80 : i32
        %add3A_522 = arith.addi %mul3A_520, %add3A_521 : i32
        %swap3A_523 = arith.index_cast %add3A_522 : i32 to index
        %swap3A_524 = tpu.vector_load %arg7[%swap3A_523] {strides = array<i32>} : memref<16384xf32, #tpu.memory_space<vmem>>, vector<16xf32>,
        tpu.vector_store %arg7[%swap3A_523], %gather3A_518 {strides = array<i32>} : memref<16384xf32, #tpu.memory_space<vmem>>, vector<16xf32>,
        %add3A_525 = arith.addi %mul3A_94, %broadcast_in_dim3A_476 : vector<16xi32>
        %gather3A_526 = tpu.vector_load_idx %arg6[%add3A_525] : memref<512xf32, #tpu.memory_space<vmem>>[vector<16xi32>], vector<16xf32>,
        %mul3A_527 = arith.constant 256 : i32
        %mul3A_528 = arith.muli %scan3A_475, %mul3A_527 : i32
        %add3A_529 = arith.constant 96 : i32
        %add3A_530 = arith.addi %mul3A_528, %add3A_529 : i32
        %swap3A_531 = arith.index_cast %add3A_530 : i32 to index
        %swap3A_532 = tpu.vector_load %arg7[%swap3A_531] {strides = array<i32>} : memref<16384xf32, #tpu.memory_space<vmem>>, vector<16xf32>,
        tpu.vector_store %arg7[%swap3A_531], %gather3A_526 {strides = array<i32>} : memref<16384xf32, #tpu.memory_space<vmem>>, vector<16xf32>,
        %add3A_533 = arith.addi %mul3A_103, %broadcast_in_dim3A_476 : vector<16xi32>
        %gather3A_534 = tpu.vector_load_idx %arg6[%add3A_533] : memref<512xf32, #tpu.memory_space<vmem>>[vector<16xi32>], vector<16xf32>,
        %mul3A_535 = arith.constant 256 : i32
        %mul3A_536 = arith.muli %scan3A_475, %mul3A_535 : i32
        %add3A_537 = arith.constant 112 : i32
        %add3A_538 = arith.addi %mul3A_536, %add3A_537 : i32
        %swap3A_539 = arith.index_cast %add3A_538 : i32 to index
        %swap3A_540 = tpu.vector_load %arg7[%swap3A_539] {strides = array<i32>} : memref<16384xf32, #tpu.memory_space<vmem>>, vector<16xf32>,
        tpu.vector_store %arg7[%swap3A_539], %gather3A_534 {strides = array<i32>} : memref<16384xf32, #tpu.memory_space<vmem>>, vector<16xf32>,
        %add3A_541 = arith.addi %mul3A_112, %broadcast_in_dim3A_476 : vector<16xi32>
        %gather3A_542 = tpu.vector_load_idx %arg6[%add3A_541] : memref<512xf32, #tpu.memory_space<vmem>>[vector<16xi32>], vector<16xf32>,
        %mul3A_543 = arith.constant 256 : i32
        %mul3A_544 = arith.muli %scan3A_475, %mul3A_543 : i32
        %add3A_545 = arith.constant 128 : i32
        %add3A_546 = arith.addi %mul3A_544, %add3A_545 : i32
        %swap3A_547 = arith.index_cast %add3A_546 : i32 to index
        %swap3A_548 = tpu.vector_load %arg7[%swap3A_547] {strides = array<i32>} : memref<16384xf32, #tpu.memory_space<vmem>>, vector<16xf32>,
        tpu.vector_store %arg7[%swap3A_547], %gather3A_542 {strides = array<i32>} : memref<16384xf32, #tpu.memory_space<vmem>>, vector<16xf32>,
        %add3A_549 = arith.addi %mul3A_121, %broadcast_in_dim3A_476 : vector<16xi32>
        %gather3A_550 = tpu.vector_load_idx %arg6[%add3A_549] : memref<512xf32, #tpu.memory_space<vmem>>[vector<16xi32>], vector<16xf32>,
        %mul3A_551 = arith.constant 256 : i32
        %mul3A_552 = arith.muli %scan3A_475, %mul3A_551 : i32
        %add3A_553 = arith.constant 144 : i32
        %add3A_554 = arith.addi %mul3A_552, %add3A_553 : i32
        %swap3A_555 = arith.index_cast %add3A_554 : i32 to index
        %swap3A_556 = tpu.vector_load %arg7[%swap3A_555] {strides = array<i32>} : memref<16384xf32, #tpu.memory_space<vmem>>, vector<16xf32>,
        tpu.vector_store %arg7[%swap3A_555], %gather3A_550 {strides = array<i32>} : memref<16384xf32, #tpu.memory_space<vmem>>, vector<16xf32>,
        %add3A_557 = arith.addi %mul3A_130, %broadcast_in_dim3A_476 : vector<16xi32>
        %gather3A_558 = tpu.vector_load_idx %arg6[%add3A_557] : memref<512xf32, #tpu.memory_space<vmem>>[vector<16xi32>], vector<16xf32>,
        %mul3A_559 = arith.constant 256 : i32
        %mul3A_560 = arith.muli %scan3A_475, %mul3A_559 : i32
        %add3A_561 = arith.constant 160 : i32
        %add3A_562 = arith.addi %mul3A_560, %add3A_561 : i32
        %swap3A_563 = arith.index_cast %add3A_562 : i32 to index
        %swap3A_564 = tpu.vector_load %arg7[%swap3A_563] {strides = array<i32>} : memref<16384xf32, #tpu.memory_space<vmem>>, vector<16xf32>,
        tpu.vector_store %arg7[%swap3A_563], %gather3A_558 {strides = array<i32>} : memref<16384xf32, #tpu.memory_space<vmem>>, vector<16xf32>,
        %add3A_565 = arith.addi %mul3A_139, %broadcast_in_dim3A_476 : vector<16xi32>
        %gather3A_566 = tpu.vector_load_idx %arg6[%add3A_565] : memref<512xf32, #tpu.memory_space<vmem>>[vector<16xi32>], vector<16xf32>,
        %mul3A_567 = arith.constant 256 : i32
        %mul3A_568 = arith.muli %scan3A_475, %mul3A_567 : i32
        %add3A_569 = arith.constant 176 : i32
        %add3A_570 = arith.addi %mul3A_568, %add3A_569 : i32
        %swap3A_571 = arith.index_cast %add3A_570 : i32 to index
        %swap3A_572 = tpu.vector_load %arg7[%swap3A_571] {strides = array<i32>} : memref<16384xf32, #tpu.memory_space<vmem>>, vector<16xf32>,
        tpu.vector_store %arg7[%swap3A_571], %gather3A_566 {strides = array<i32>} : memref<16384xf32, #tpu.memory_space<vmem>>, vector<16xf32>,
        %add3A_573 = arith.addi %mul3A_148, %broadcast_in_dim3A_476 : vector<16xi32>
        %gather3A_574 = tpu.vector_load_idx %arg6[%add3A_573] : memref<512xf32, #tpu.memory_space<vmem>>[vector<16xi32>], vector<16xf32>,
        %mul3A_575 = arith.constant 256 : i32
        %mul3A_576 = arith.muli %scan3A_475, %mul3A_575 : i32
        %add3A_577 = arith.constant 192 : i32
        %add3A_578 = arith.addi %mul3A_576, %add3A_577 : i32
        %swap3A_579 = arith.index_cast %add3A_578 : i32 to index
        %swap3A_580 = tpu.vector_load %arg7[%swap3A_579] {strides = array<i32>} : memref<16384xf32, #tpu.memory_space<vmem>>, vector<16xf32>,
        tpu.vector_store %arg7[%swap3A_579], %gather3A_574 {strides = array<i32>} : memref<16384xf32, #tpu.memory_space<vmem>>, vector<16xf32>,
        %add3A_581 = arith.addi %mul3A_157, %broadcast_in_dim3A_476 : vector<16xi32>
        %gather3A_582 = tpu.vector_load_idx %arg6[%add3A_581] : memref<512xf32, #tpu.memory_space<vmem>>[vector<16xi32>], vector<16xf32>,
        %mul3A_583 = arith.constant 256 : i32
        %mul3A_584 = arith.muli %scan3A_475, %mul3A_583 : i32
        %add3A_585 = arith.constant 208 : i32
        %add3A_586 = arith.addi %mul3A_584, %add3A_585 : i32
        %swap3A_587 = arith.index_cast %add3A_586 : i32 to index
        %swap3A_588 = tpu.vector_load %arg7[%swap3A_587] {strides = array<i32>} : memref<16384xf32, #tpu.memory_space<vmem>>, vector<16xf32>,
        tpu.vector_store %arg7[%swap3A_587], %gather3A_582 {strides = array<i32>} : memref<16384xf32, #tpu.memory_space<vmem>>, vector<16xf32>,
        %add3A_589 = arith.addi %mul3A_166, %broadcast_in_dim3A_476 : vector<16xi32>
        %gather3A_590 = tpu.vector_load_idx %arg6[%add3A_589] : memref<512xf32, #tpu.memory_space<vmem>>[vector<16xi32>], vector<16xf32>,
        %mul3A_591 = arith.constant 256 : i32
        %mul3A_592 = arith.muli %scan3A_475, %mul3A_591 : i32
        %add3A_593 = arith.constant 224 : i32
        %add3A_594 = arith.addi %mul3A_592, %add3A_593 : i32
        %swap3A_595 = arith.index_cast %add3A_594 : i32 to index
        %swap3A_596 = tpu.vector_load %arg7[%swap3A_595] {strides = array<i32>} : memref<16384xf32, #tpu.memory_space<vmem>>, vector<16xf32>,
        tpu.vector_store %arg7[%swap3A_595], %gather3A_590 {strides = array<i32>} : memref<16384xf32, #tpu.memory_space<vmem>>, vector<16xf32>,
        %add3A_597 = arith.addi %mul3A_175, %broadcast_in_dim3A_476 : vector<16xi32>
        %gather3A_598 = tpu.vector_load_idx %arg6[%add3A_597] : memref<512xf32, #tpu.memory_space<vmem>>[vector<16xi32>], vector<16xf32>,
        %mul3A_599 = arith.constant 256 : i32
        %mul3A_600 = arith.muli %scan3A_475, %mul3A_599 : i32
        %add3A_601 = arith.constant 240 : i32
        %add3A_602 = arith.addi %mul3A_600, %add3A_601 : i32
        %swap3A_603 = arith.index_cast %add3A_602 : i32 to index
        %swap3A_604 = tpu.vector_load %arg7[%swap3A_603] {strides = array<i32>} : memref<16384xf32, #tpu.memory_space<vmem>>, vector<16xf32>,
        tpu.vector_store %arg7[%swap3A_603], %gather3A_598 {strides = array<i32>} : memref<16384xf32, #tpu.memory_space<vmem>>, vector<16xf32>,
      }
      %scan3A_181 = arith.constant 64 : i32
      %add3A_182 = arith.addi %mul3A_2, %mul3A_26 : i32
      %mul3A_183 = arith.constant 16384 : i32
      %mul3A_184 = arith.muli %add3A_182, %mul3A_183 : i32
      %dma_start3A_185 = tpu.memref_slice %arg4[%mul3A_184] : memref<67108864xf32, #tpu.memory_space<hbm>> -> memref<16384xf32, #tpu.memory_space<hbm>>
      %dma_start3A_186 = tpu.memref_slice %arg4[%mul3A_184] : memref<67108864xf32, #tpu.memory_space<hbm>> -> memref<16384xf32, #tpu.memory_space<hbm>>
      tpu.enqueue_dma source(%arg7 : memref<16384xf32, #tpu.memory_space<vmem>>) target(%dma_start3A_186 : memref<16384xf32, #tpu.memory_space<hbm>>) target_semaphore(%arg10 : memref<!tpu.dma_semaphore, #tpu.memory_space<semaphore_mem>>)
      %gt3A_187 = arith.constant 0 : i32
      %gt3A_188 = arith.cmpi sgt, %scan3A_24, %gt3A_187 : i32
      %convert_element_type3A_189 = arith.extui %gt3A_188 : i1 to i32
      %cond3A_190 = arith.constant 0 : i32
      %cond3A_191 = arith.cmpi ne, %convert_element_type3A_189, %cond3A_190 : i32
      scf.if %cond3A_191 {
        %sub3A = arith.constant 2 : i32
        %sub3A_347 = arith.subi %add3A_30, %sub3A : i32
        %add3A_348 = arith.addi %mul3A_2, %sub3A_347 : i32
        %mul3A_349 = arith.constant 16384 : i32
        %mul3A_350 = arith.muli %add3A_348, %mul3A_349 : i32
        %dma_wait3A_351 = tpu.memref_slice %arg4[%mul3A_350] : memref<67108864xf32, #tpu.memory_space<hbm>> -> memref<16384xf32, #tpu.memory_space<hbm>>
        %dma_wait3A_352 = tpu.memref_slice %arg4[%mul3A_350] : memref<67108864xf32, #tpu.memory_space<hbm>> -> memref<16384xf32, #tpu.memory_space<hbm>>
        tpu.wait_dma2 semaphore(%arg11 : memref<!tpu.dma_semaphore, #tpu.memory_space<semaphore_mem>>) src(%arg8 : memref<16384xf32, #tpu.memory_space<vmem>>) dst(%dma_wait3A_352 : memref<16384xf32, #tpu.memory_space<hbm>>)
      } else {
      }
      %mul3A_192 = arith.constant 256 : i32
      %mul3A_193 = arith.muli %add3A_30, %mul3A_192 : i32
      %add3A_194 = arith.constant 0 : i32
      %add3A_195 = arith.addi %mul3A_193, %add3A_194 : i32
      %get3A_196 = arith.index_cast %add3A_195 : i32 to index
      %get3A_197 = tpu.vector_load %arg5[%get3A_196] {strides = array<i32>} : memref<32768xi32, #tpu.memory_space<vmem>>, vector<16xi32>,
      %mul3A_198 = arith.constant 64 : i32
      %mul3A_199 = vector.broadcast %mul3A_198 : i32 to vector<16xi32>
      %mul3A_200 = arith.muli %get3A_197, %mul3A_199 : vector<16xi32>
      %mul3A_201 = arith.constant 256 : i32
      %mul3A_202 = arith.muli %add3A_30, %mul3A_201 : i32
      %add3A_203 = arith.constant 16 : i32
      %add3A_204 = arith.addi %mul3A_202, %add3A_203 : i32
      %get3A_205 = arith.index_cast %add3A_204 : i32 to index
      %get3A_206 = tpu.vector_load %arg5[%get3A_205] {strides = array<i32>} : memref<32768xi32, #tpu.memory_space<vmem>>, vector<16xi32>,
      %mul3A_207 = arith.constant 64 : i32
      %mul3A_208 = vector.broadcast %mul3A_207 : i32 to vector<16xi32>
      %mul3A_209 = arith.muli %get3A_206, %mul3A_208 : vector<16xi32>
      %mul3A_210 = arith.constant 256 : i32
      %mul3A_211 = arith.muli %add3A_30, %mul3A_210 : i32
      %add3A_212 = arith.constant 32 : i32
      %add3A_213 = arith.addi %mul3A_211, %add3A_212 : i32
      %get3A_214 = arith.index_cast %add3A_213 : i32 to index
      %get3A_215 = tpu.vector_load %arg5[%get3A_214] {strides = array<i32>} : memref<32768xi32, #tpu.memory_space<vmem>>, vector<16xi32>,
      %mul3A_216 = arith.constant 64 : i32
      %mul3A_217 = vector.broadcast %mul3A_216 : i32 to vector<16xi32>
      %mul3A_218 = arith.muli %get3A_215, %mul3A_217 : vector<16xi32>
      %mul3A_219 = arith.constant 256 : i32
      %mul3A_220 = arith.muli %add3A_30, %mul3A_219 : i32
      %add3A_221 = arith.constant 48 : i32
      %add3A_222 = arith.addi %mul3A_220, %add3A_221 : i32
      %get3A_223 = arith.index_cast %add3A_222 : i32 to index
      %get3A_224 = tpu.vector_load %arg5[%get3A_223] {strides = array<i32>} : memref<32768xi32, #tpu.memory_space<vmem>>, vector<16xi32>,
      %mul3A_225 = arith.constant 64 : i32
      %mul3A_226 = vector.broadcast %mul3A_225 : i32 to vector<16xi32>
      %mul3A_227 = arith.muli %get3A_224, %mul3A_226 : vector<16xi32>
      %mul3A_228 = arith.constant 256 : i32
      %mul3A_229 = arith.muli %add3A_30, %mul3A_228 : i32
      %add3A_230 = arith.constant 64 : i32
      %add3A_231 = arith.addi %mul3A_229, %add3A_230 : i32
      %get3A_232 = arith.index_cast %add3A_231 : i32 to index
      %get3A_233 = tpu.vector_load %arg5[%get3A_232] {strides = array<i32>} : memref<32768xi32, #tpu.memory_space<vmem>>, vector<16xi32>,
      %mul3A_234 = arith.constant 64 : i32
      %mul3A_235 = vector.broadcast %mul3A_234 : i32 to vector<16xi32>
      %mul3A_236 = arith.muli %get3A_233, %mul3A_235 : vector<16xi32>
      %mul3A_237 = arith.constant 256 : i32
      %mul3A_238 = arith.muli %add3A_30, %mul3A_237 : i32
      %add3A_239 = arith.constant 80 : i32
      %add3A_240 = arith.addi %mul3A_238, %add3A_239 : i32
      %get3A_241 = arith.index_cast %add3A_240 : i32 to index
      %get3A_242 = tpu.vector_load %arg5[%get3A_241] {strides = array<i32>} : memref<32768xi32, #tpu.memory_space<vmem>>, vector<16xi32>,
      %mul3A_243 = arith.constant 64 : i32
      %mul3A_244 = vector.broadcast %mul3A_243 : i32 to vector<16xi32>
      %mul3A_245 = arith.muli %get3A_242, %mul3A_244 : vector<16xi32>
      %mul3A_246 = arith.constant 256 : i32
      %mul3A_247 = arith.muli %add3A_30, %mul3A_246 : i32
      %add3A_248 = arith.constant 96 : i32
      %add3A_249 = arith.addi %mul3A_247, %add3A_248 : i32
      %get3A_250 = arith.index_cast %add3A_249 : i32 to index
      %get3A_251 = tpu.vector_load %arg5[%get3A_250] {strides = array<i32>} : memref<32768xi32, #tpu.memory_space<vmem>>, vector<16xi32>,
      %mul3A_252 = arith.constant 64 : i32
      %mul3A_253 = vector.broadcast %mul3A_252 : i32 to vector<16xi32>
      %mul3A_254 = arith.muli %get3A_251, %mul3A_253 : vector<16xi32>
      %mul3A_255 = arith.constant 256 : i32
      %mul3A_256 = arith.muli %add3A_30, %mul3A_255 : i32
      %add3A_257 = arith.constant 112 : i32
      %add3A_258 = arith.addi %mul3A_256, %add3A_257 : i32
      %get3A_259 = arith.index_cast %add3A_258 : i32 to index
      %get3A_260 = tpu.vector_load %arg5[%get3A_259] {strides = array<i32>} : memref<32768xi32, #tpu.memory_space<vmem>>, vector<16xi32>,
      %mul3A_261 = arith.constant 64 : i32
      %mul3A_262 = vector.broadcast %mul3A_261 : i32 to vector<16xi32>
      %mul3A_263 = arith.muli %get3A_260, %mul3A_262 : vector<16xi32>
      %mul3A_264 = arith.constant 256 : i32
      %mul3A_265 = arith.muli %add3A_30, %mul3A_264 : i32
      %add3A_266 = arith.constant 128 : i32
      %add3A_267 = arith.addi %mul3A_265, %add3A_266 : i32
      %get3A_268 = arith.index_cast %add3A_267 : i32 to index
      %get3A_269 = tpu.vector_load %arg5[%get3A_268] {strides = array<i32>} : memref<32768xi32, #tpu.memory_space<vmem>>, vector<16xi32>,
      %mul3A_270 = arith.constant 64 : i32
      %mul3A_271 = vector.broadcast %mul3A_270 : i32 to vector<16xi32>
      %mul3A_272 = arith.muli %get3A_269, %mul3A_271 : vector<16xi32>
      %mul3A_273 = arith.constant 256 : i32
      %mul3A_274 = arith.muli %add3A_30, %mul3A_273 : i32
      %add3A_275 = arith.constant 144 : i32
      %add3A_276 = arith.addi %mul3A_274, %add3A_275 : i32
      %get3A_277 = arith.index_cast %add3A_276 : i32 to index
      %get3A_278 = tpu.vector_load %arg5[%get3A_277] {strides = array<i32>} : memref<32768xi32, #tpu.memory_space<vmem>>, vector<16xi32>,
      %mul3A_279 = arith.constant 64 : i32
      %mul3A_280 = vector.broadcast %mul3A_279 : i32 to vector<16xi32>
      %mul3A_281 = arith.muli %get3A_278, %mul3A_280 : vector<16xi32>
      %mul3A_282 = arith.constant 256 : i32
      %mul3A_283 = arith.muli %add3A_30, %mul3A_282 : i32
      %add3A_284 = arith.constant 160 : i32
      %add3A_285 = arith.addi %mul3A_283, %add3A_284 : i32
      %get3A_286 = arith.index_cast %add3A_285 : i32 to index
      %get3A_287 = tpu.vector_load %arg5[%get3A_286] {strides = array<i32>} : memref<32768xi32, #tpu.memory_space<vmem>>, vector<16xi32>,
      %mul3A_288 = arith.constant 64 : i32
      %mul3A_289 = vector.broadcast %mul3A_288 : i32 to vector<16xi32>
      %mul3A_290 = arith.muli %get3A_287, %mul3A_289 : vector<16xi32>
      %mul3A_291 = arith.constant 256 : i32
      %mul3A_292 = arith.muli %add3A_30, %mul3A_291 : i32
      %add3A_293 = arith.constant 176 : i32
      %add3A_294 = arith.addi %mul3A_292, %add3A_293 : i32
      %get3A_295 = arith.index_cast %add3A_294 : i32 to index
      %get3A_296 = tpu.vector_load %arg5[%get3A_295] {strides = array<i32>} : memref<32768xi32, #tpu.memory_space<vmem>>, vector<16xi32>,
      %mul3A_297 = arith.constant 64 : i32
      %mul3A_298 = vector.broadcast %mul3A_297 : i32 to vector<16xi32>
      %mul3A_299 = arith.muli %get3A_296, %mul3A_298 : vector<16xi32>
      %mul3A_300 = arith.constant 256 : i32
      %mul3A_301 = arith.muli %add3A_30, %mul3A_300 : i32
      %add3A_302 = arith.constant 192 : i32
      %add3A_303 = arith.addi %mul3A_301, %add3A_302 : i32
      %get3A_304 = arith.index_cast %add3A_303 : i32 to index
      %get3A_305 = tpu.vector_load %arg5[%get3A_304] {strides = array<i32>} : memref<32768xi32, #tpu.memory_space<vmem>>, vector<16xi32>,
      %mul3A_306 = arith.constant 64 : i32
      %mul3A_307 = vector.broadcast %mul3A_306 : i32 to vector<16xi32>
      %mul3A_308 = arith.muli %get3A_305, %mul3A_307 : vector<16xi32>
      %mul3A_309 = arith.constant 256 : i32
      %mul3A_310 = arith.muli %add3A_30, %mul3A_309 : i32
      %add3A_311 = arith.constant 208 : i32
      %add3A_312 = arith.addi %mul3A_310, %add3A_311 : i32
      %get3A_313 = arith.index_cast %add3A_312 : i32 to index
      %get3A_314 = tpu.vector_load %arg5[%get3A_313] {strides = array<i32>} : memref<32768xi32, #tpu.memory_space<vmem>>, vector<16xi32>,
      %mul3A_315 = arith.constant 64 : i32
      %mul3A_316 = vector.broadcast %mul3A_315 : i32 to vector<16xi32>
      %mul3A_317 = arith.muli %get3A_314, %mul3A_316 : vector<16xi32>
      %mul3A_318 = arith.constant 256 : i32
      %mul3A_319 = arith.muli %add3A_30, %mul3A_318 : i32
      %add3A_320 = arith.constant 224 : i32
      %add3A_321 = arith.addi %mul3A_319, %add3A_320 : i32
      %get3A_322 = arith.index_cast %add3A_321 : i32 to index
      %get3A_323 = tpu.vector_load %arg5[%get3A_322] {strides = array<i32>} : memref<32768xi32, #tpu.memory_space<vmem>>, vector<16xi32>,
      %mul3A_324 = arith.constant 64 : i32
      %mul3A_325 = vector.broadcast %mul3A_324 : i32 to vector<16xi32>
      %mul3A_326 = arith.muli %get3A_323, %mul3A_325 : vector<16xi32>
      %mul3A_327 = arith.constant 256 : i32
      %mul3A_328 = arith.muli %add3A_30, %mul3A_327 : i32
      %add3A_329 = arith.constant 240 : i32
      %add3A_330 = arith.addi %mul3A_328, %add3A_329 : i32
      %get3A_331 = arith.index_cast %add3A_330 : i32 to index
      %get3A_332 = tpu.vector_load %arg5[%get3A_331] {strides = array<i32>} : memref<32768xi32, #tpu.memory_space<vmem>>, vector<16xi32>,
      %mul3A_333 = arith.constant 64 : i32
      %mul3A_334 = vector.broadcast %mul3A_333 : i32 to vector<16xi32>
      %mul3A_335 = arith.muli %get3A_332, %mul3A_334 : vector<16xi32>
      %scan3A_336 = arith.constant 0 : i32
      %scan3A_337 = arith.constant 0 : i32
      %scan3A_338 = arith.constant 64 : i32
      %scan3A_339 = arith.addi %scan3A_337, %scan3A_338 : i32
      %scan3A_340 = arith.constant 2 : i32
      scf.for %scan3A_347 = %scan3A_337 to %scan3A_339 step %scan3A_340  : i32 {
        %broadcast_in_dim3A = vector.broadcast %scan3A_347 : i32 to vector<16xi32>
        %add3A_348 = arith.addi %mul3A_200, %broadcast_in_dim3A : vector<16xi32>
        %gather3A = tpu.vector_load_idx %arg6[%add3A_348] : memref<512xf32, #tpu.memory_space<vmem>>[vector<16xi32>], vector<16xf32>,
        %mul3A_349 = arith.constant 256 : i32
        %mul3A_350 = arith.muli %scan3A_347, %mul3A_349 : i32
        %add3A_351 = arith.constant 0 : i32
        %add3A_352 = arith.addi %mul3A_350, %add3A_351 : i32
        %swap3A = arith.index_cast %add3A_352 : i32 to index
        %swap3A_353 = tpu.vector_load %arg8[%swap3A] {strides = array<i32>} : memref<16384xf32, #tpu.memory_space<vmem>>, vector<16xf32>,
        tpu.vector_store %arg8[%swap3A], %gather3A {strides = array<i32>} : memref<16384xf32, #tpu.memory_space<vmem>>, vector<16xf32>,
        %add3A_354 = arith.addi %mul3A_209, %broadcast_in_dim3A : vector<16xi32>
        %gather3A_355 = tpu.vector_load_idx %arg6[%add3A_354] : memref<512xf32, #tpu.memory_space<vmem>>[vector<16xi32>], vector<16xf32>,
        %mul3A_356 = arith.constant 256 : i32
        %mul3A_357 = arith.muli %scan3A_347, %mul3A_356 : i32
        %add3A_358 = arith.constant 16 : i32
        %add3A_359 = arith.addi %mul3A_357, %add3A_358 : i32
        %swap3A_360 = arith.index_cast %add3A_359 : i32 to index
        %swap3A_361 = tpu.vector_load %arg8[%swap3A_360] {strides = array<i32>} : memref<16384xf32, #tpu.memory_space<vmem>>, vector<16xf32>,
        tpu.vector_store %arg8[%swap3A_360], %gather3A_355 {strides = array<i32>} : memref<16384xf32, #tpu.memory_space<vmem>>, vector<16xf32>,
        %add3A_362 = arith.addi %mul3A_218, %broadcast_in_dim3A : vector<16xi32>
        %gather3A_363 = tpu.vector_load_idx %arg6[%add3A_362] : memref<512xf32, #tpu.memory_space<vmem>>[vector<16xi32>], vector<16xf32>,
        %mul3A_364 = arith.constant 256 : i32
        %mul3A_365 = arith.muli %scan3A_347, %mul3A_364 : i32
        %add3A_366 = arith.constant 32 : i32
        %add3A_367 = arith.addi %mul3A_365, %add3A_366 : i32
        %swap3A_368 = arith.index_cast %add3A_367 : i32 to index
        %swap3A_369 = tpu.vector_load %arg8[%swap3A_368] {strides = array<i32>} : memref<16384xf32, #tpu.memory_space<vmem>>, vector<16xf32>,
        tpu.vector_store %arg8[%swap3A_368], %gather3A_363 {strides = array<i32>} : memref<16384xf32, #tpu.memory_space<vmem>>, vector<16xf32>,
        %add3A_370 = arith.addi %mul3A_227, %broadcast_in_dim3A : vector<16xi32>
        %gather3A_371 = tpu.vector_load_idx %arg6[%add3A_370] : memref<512xf32, #tpu.memory_space<vmem>>[vector<16xi32>], vector<16xf32>,
        %mul3A_372 = arith.constant 256 : i32
        %mul3A_373 = arith.muli %scan3A_347, %mul3A_372 : i32
        %add3A_374 = arith.constant 48 : i32
        %add3A_375 = arith.addi %mul3A_373, %add3A_374 : i32
        %swap3A_376 = arith.index_cast %add3A_375 : i32 to index
        %swap3A_377 = tpu.vector_load %arg8[%swap3A_376] {strides = array<i32>} : memref<16384xf32, #tpu.memory_space<vmem>>, vector<16xf32>,
        tpu.vector_store %arg8[%swap3A_376], %gather3A_371 {strides = array<i32>} : memref<16384xf32, #tpu.memory_space<vmem>>, vector<16xf32>,
        %add3A_378 = arith.addi %mul3A_236, %broadcast_in_dim3A : vector<16xi32>
        %gather3A_379 = tpu.vector_load_idx %arg6[%add3A_378] : memref<512xf32, #tpu.memory_space<vmem>>[vector<16xi32>], vector<16xf32>,
        %mul3A_380 = arith.constant 256 : i32
        %mul3A_381 = arith.muli %scan3A_347, %mul3A_380 : i32
        %add3A_382 = arith.constant 64 : i32
        %add3A_383 = arith.addi %mul3A_381, %add3A_382 : i32
        %swap3A_384 = arith.index_cast %add3A_383 : i32 to index
        %swap3A_385 = tpu.vector_load %arg8[%swap3A_384] {strides = array<i32>} : memref<16384xf32, #tpu.memory_space<vmem>>, vector<16xf32>,
        tpu.vector_store %arg8[%swap3A_384], %gather3A_379 {strides = array<i32>} : memref<16384xf32, #tpu.memory_space<vmem>>, vector<16xf32>,
        %add3A_386 = arith.addi %mul3A_245, %broadcast_in_dim3A : vector<16xi32>
        %gather3A_387 = tpu.vector_load_idx %arg6[%add3A_386] : memref<512xf32, #tpu.memory_space<vmem>>[vector<16xi32>], vector<16xf32>,
        %mul3A_388 = arith.constant 256 : i32
        %mul3A_389 = arith.muli %scan3A_347, %mul3A_388 : i32
        %add3A_390 = arith.constant 80 : i32
        %add3A_391 = arith.addi %mul3A_389, %add3A_390 : i32
        %swap3A_392 = arith.index_cast %add3A_391 : i32 to index
        %swap3A_393 = tpu.vector_load %arg8[%swap3A_392] {strides = array<i32>} : memref<16384xf32, #tpu.memory_space<vmem>>, vector<16xf32>,
        tpu.vector_store %arg8[%swap3A_392], %gather3A_387 {strides = array<i32>} : memref<16384xf32, #tpu.memory_space<vmem>>, vector<16xf32>,
        %add3A_394 = arith.addi %mul3A_254, %broadcast_in_dim3A : vector<16xi32>
        %gather3A_395 = tpu.vector_load_idx %arg6[%add3A_394] : memref<512xf32, #tpu.memory_space<vmem>>[vector<16xi32>], vector<16xf32>,
        %mul3A_396 = arith.constant 256 : i32
        %mul3A_397 = arith.muli %scan3A_347, %mul3A_396 : i32
        %add3A_398 = arith.constant 96 : i32
        %add3A_399 = arith.addi %mul3A_397, %add3A_398 : i32
        %swap3A_400 = arith.index_cast %add3A_399 : i32 to index
        %swap3A_401 = tpu.vector_load %arg8[%swap3A_400] {strides = array<i32>} : memref<16384xf32, #tpu.memory_space<vmem>>, vector<16xf32>,
        tpu.vector_store %arg8[%swap3A_400], %gather3A_395 {strides = array<i32>} : memref<16384xf32, #tpu.memory_space<vmem>>, vector<16xf32>,
        %add3A_402 = arith.addi %mul3A_263, %broadcast_in_dim3A : vector<16xi32>
        %gather3A_403 = tpu.vector_load_idx %arg6[%add3A_402] : memref<512xf32, #tpu.memory_space<vmem>>[vector<16xi32>], vector<16xf32>,
        %mul3A_404 = arith.constant 256 : i32
        %mul3A_405 = arith.muli %scan3A_347, %mul3A_404 : i32
        %add3A_406 = arith.constant 112 : i32
        %add3A_407 = arith.addi %mul3A_405, %add3A_406 : i32
        %swap3A_408 = arith.index_cast %add3A_407 : i32 to index
        %swap3A_409 = tpu.vector_load %arg8[%swap3A_408] {strides = array<i32>} : memref<16384xf32, #tpu.memory_space<vmem>>, vector<16xf32>,
        tpu.vector_store %arg8[%swap3A_408], %gather3A_403 {strides = array<i32>} : memref<16384xf32, #tpu.memory_space<vmem>>, vector<16xf32>,
        %add3A_410 = arith.addi %mul3A_272, %broadcast_in_dim3A : vector<16xi32>
        %gather3A_411 = tpu.vector_load_idx %arg6[%add3A_410] : memref<512xf32, #tpu.memory_space<vmem>>[vector<16xi32>], vector<16xf32>,
        %mul3A_412 = arith.constant 256 : i32
        %mul3A_413 = arith.muli %scan3A_347, %mul3A_412 : i32
        %add3A_414 = arith.constant 128 : i32
        %add3A_415 = arith.addi %mul3A_413, %add3A_414 : i32
        %swap3A_416 = arith.index_cast %add3A_415 : i32 to index
        %swap3A_417 = tpu.vector_load %arg8[%swap3A_416] {strides = array<i32>} : memref<16384xf32, #tpu.memory_space<vmem>>, vector<16xf32>,
        tpu.vector_store %arg8[%swap3A_416], %gather3A_411 {strides = array<i32>} : memref<16384xf32, #tpu.memory_space<vmem>>, vector<16xf32>,
        %add3A_418 = arith.addi %mul3A_281, %broadcast_in_dim3A : vector<16xi32>
        %gather3A_419 = tpu.vector_load_idx %arg6[%add3A_418] : memref<512xf32, #tpu.memory_space<vmem>>[vector<16xi32>], vector<16xf32>,
        %mul3A_420 = arith.constant 256 : i32
        %mul3A_421 = arith.muli %scan3A_347, %mul3A_420 : i32
        %add3A_422 = arith.constant 144 : i32
        %add3A_423 = arith.addi %mul3A_421, %add3A_422 : i32
        %swap3A_424 = arith.index_cast %add3A_423 : i32 to index
        %swap3A_425 = tpu.vector_load %arg8[%swap3A_424] {strides = array<i32>} : memref<16384xf32, #tpu.memory_space<vmem>>, vector<16xf32>,
        tpu.vector_store %arg8[%swap3A_424], %gather3A_419 {strides = array<i32>} : memref<16384xf32, #tpu.memory_space<vmem>>, vector<16xf32>,
        %add3A_426 = arith.addi %mul3A_290, %broadcast_in_dim3A : vector<16xi32>
        %gather3A_427 = tpu.vector_load_idx %arg6[%add3A_426] : memref<512xf32, #tpu.memory_space<vmem>>[vector<16xi32>], vector<16xf32>,
        %mul3A_428 = arith.constant 256 : i32
        %mul3A_429 = arith.muli %scan3A_347, %mul3A_428 : i32
        %add3A_430 = arith.constant 160 : i32
        %add3A_431 = arith.addi %mul3A_429, %add3A_430 : i32
        %swap3A_432 = arith.index_cast %add3A_431 : i32 to index
        %swap3A_433 = tpu.vector_load %arg8[%swap3A_432] {strides = array<i32>} : memref<16384xf32, #tpu.memory_space<vmem>>, vector<16xf32>,
        tpu.vector_store %arg8[%swap3A_432], %gather3A_427 {strides = array<i32>} : memref<16384xf32, #tpu.memory_space<vmem>>, vector<16xf32>,
        %add3A_434 = arith.addi %mul3A_299, %broadcast_in_dim3A : vector<16xi32>
        %gather3A_435 = tpu.vector_load_idx %arg6[%add3A_434] : memref<512xf32, #tpu.memory_space<vmem>>[vector<16xi32>], vector<16xf32>,
        %mul3A_436 = arith.constant 256 : i32
        %mul3A_437 = arith.muli %scan3A_347, %mul3A_436 : i32
        %add3A_438 = arith.constant 176 : i32
        %add3A_439 = arith.addi %mul3A_437, %add3A_438 : i32
        %swap3A_440 = arith.index_cast %add3A_439 : i32 to index
        %swap3A_441 = tpu.vector_load %arg8[%swap3A_440] {strides = array<i32>} : memref<16384xf32, #tpu.memory_space<vmem>>, vector<16xf32>,
        tpu.vector_store %arg8[%swap3A_440], %gather3A_435 {strides = array<i32>} : memref<16384xf32, #tpu.memory_space<vmem>>, vector<16xf32>,
        %add3A_442 = arith.addi %mul3A_308, %broadcast_in_dim3A : vector<16xi32>
        %gather3A_443 = tpu.vector_load_idx %arg6[%add3A_442] : memref<512xf32, #tpu.memory_space<vmem>>[vector<16xi32>], vector<16xf32>,
        %mul3A_444 = arith.constant 256 : i32
        %mul3A_445 = arith.muli %scan3A_347, %mul3A_444 : i32
        %add3A_446 = arith.constant 192 : i32
        %add3A_447 = arith.addi %mul3A_445, %add3A_446 : i32
        %swap3A_448 = arith.index_cast %add3A_447 : i32 to index
        %swap3A_449 = tpu.vector_load %arg8[%swap3A_448] {strides = array<i32>} : memref<16384xf32, #tpu.memory_space<vmem>>, vector<16xf32>,
        tpu.vector_store %arg8[%swap3A_448], %gather3A_443 {strides = array<i32>} : memref<16384xf32, #tpu.memory_space<vmem>>, vector<16xf32>,
        %add3A_450 = arith.addi %mul3A_317, %broadcast_in_dim3A : vector<16xi32>
        %gather3A_451 = tpu.vector_load_idx %arg6[%add3A_450] : memref<512xf32, #tpu.memory_space<vmem>>[vector<16xi32>], vector<16xf32>,
        %mul3A_452 = arith.constant 256 : i32
        %mul3A_453 = arith.muli %scan3A_347, %mul3A_452 : i32
        %add3A_454 = arith.constant 208 : i32
        %add3A_455 = arith.addi %mul3A_453, %add3A_454 : i32
        %swap3A_456 = arith.index_cast %add3A_455 : i32 to index
        %swap3A_457 = tpu.vector_load %arg8[%swap3A_456] {strides = array<i32>} : memref<16384xf32, #tpu.memory_space<vmem>>, vector<16xf32>,
        tpu.vector_store %arg8[%swap3A_456], %gather3A_451 {strides = array<i32>} : memref<16384xf32, #tpu.memory_space<vmem>>, vector<16xf32>,
        %add3A_458 = arith.addi %mul3A_326, %broadcast_in_dim3A : vector<16xi32>
        %gather3A_459 = tpu.vector_load_idx %arg6[%add3A_458] : memref<512xf32, #tpu.memory_space<vmem>>[vector<16xi32>], vector<16xf32>,
        %mul3A_460 = arith.constant 256 : i32
        %mul3A_461 = arith.muli %scan3A_347, %mul3A_460 : i32
        %add3A_462 = arith.constant 224 : i32
        %add3A_463 = arith.addi %mul3A_461, %add3A_462 : i32
        %swap3A_464 = arith.index_cast %add3A_463 : i32 to index
        %swap3A_465 = tpu.vector_load %arg8[%swap3A_464] {strides = array<i32>} : memref<16384xf32, #tpu.memory_space<vmem>>, vector<16xf32>,
        tpu.vector_store %arg8[%swap3A_464], %gather3A_459 {strides = array<i32>} : memref<16384xf32, #tpu.memory_space<vmem>>, vector<16xf32>,
        %add3A_466 = arith.addi %mul3A_335, %broadcast_in_dim3A : vector<16xi32>
        %gather3A_467 = tpu.vector_load_idx %arg6[%add3A_466] : memref<512xf32, #tpu.memory_space<vmem>>[vector<16xi32>], vector<16xf32>,
        %mul3A_468 = arith.constant 256 : i32
        %mul3A_469 = arith.muli %scan3A_347, %mul3A_468 : i32
        %add3A_470 = arith.constant 240 : i32
        %add3A_471 = arith.addi %mul3A_469, %add3A_470 : i32
        %swap3A_472 = arith.index_cast %add3A_471 : i32 to index
        %swap3A_473 = tpu.vector_load %arg8[%swap3A_472] {strides = array<i32>} : memref<16384xf32, #tpu.memory_space<vmem>>, vector<16xf32>,
        tpu.vector_store %arg8[%swap3A_472], %gather3A_467 {strides = array<i32>} : memref<16384xf32, #tpu.memory_space<vmem>>, vector<16xf32>,
        %scan3A_474 = arith.constant 1 : i32
        %scan3A_475 = arith.addi %scan3A_347, %scan3A_474 : i32
        %broadcast_in_dim3A_476 = vector.broadcast %scan3A_475 : i32 to vector<16xi32>
        %add3A_477 = arith.addi %mul3A_200, %broadcast_in_dim3A_476 : vector<16xi32>
        %gather3A_478 = tpu.vector_load_idx %arg6[%add3A_477] : memref<512xf32, #tpu.memory_space<vmem>>[vector<16xi32>], vector<16xf32>,
        %mul3A_479 = arith.constant 256 : i32
        %mul3A_480 = arith.muli %scan3A_475, %mul3A_479 : i32
        %add3A_481 = arith.constant 0 : i32
        %add3A_482 = arith.addi %mul3A_480, %add3A_481 : i32
        %swap3A_483 = arith.index_cast %add3A_482 : i32 to index
        %swap3A_484 = tpu.vector_load %arg8[%swap3A_483] {strides = array<i32>} : memref<16384xf32, #tpu.memory_space<vmem>>, vector<16xf32>,
        tpu.vector_store %arg8[%swap3A_483], %gather3A_478 {strides = array<i32>} : memref<16384xf32, #tpu.memory_space<vmem>>, vector<16xf32>,
        %add3A_485 = arith.addi %mul3A_209, %broadcast_in_dim3A_476 : vector<16xi32>
        %gather3A_486 = tpu.vector_load_idx %arg6[%add3A_485] : memref<512xf32, #tpu.memory_space<vmem>>[vector<16xi32>], vector<16xf32>,
        %mul3A_487 = arith.constant 256 : i32
        %mul3A_488 = arith.muli %scan3A_475, %mul3A_487 : i32
        %add3A_489 = arith.constant 16 : i32
        %add3A_490 = arith.addi %mul3A_488, %add3A_489 : i32
        %swap3A_491 = arith.index_cast %add3A_490 : i32 to index
        %swap3A_492 = tpu.vector_load %arg8[%swap3A_491] {strides = array<i32>} : memref<16384xf32, #tpu.memory_space<vmem>>, vector<16xf32>,
        tpu.vector_store %arg8[%swap3A_491], %gather3A_486 {strides = array<i32>} : memref<16384xf32, #tpu.memory_space<vmem>>, vector<16xf32>,
        %add3A_493 = arith.addi %mul3A_218, %broadcast_in_dim3A_476 : vector<16xi32>
        %gather3A_494 = tpu.vector_load_idx %arg6[%add3A_493] : memref<512xf32, #tpu.memory_space<vmem>>[vector<16xi32>], vector<16xf32>,
        %mul3A_495 = arith.constant 256 : i32
        %mul3A_496 = arith.muli %scan3A_475, %mul3A_495 : i32
        %add3A_497 = arith.constant 32 : i32
        %add3A_498 = arith.addi %mul3A_496, %add3A_497 : i32
        %swap3A_499 = arith.index_cast %add3A_498 : i32 to index
        %swap3A_500 = tpu.vector_load %arg8[%swap3A_499] {strides = array<i32>} : memref<16384xf32, #tpu.memory_space<vmem>>, vector<16xf32>,
        tpu.vector_store %arg8[%swap3A_499], %gather3A_494 {strides = array<i32>} : memref<16384xf32, #tpu.memory_space<vmem>>, vector<16xf32>,
        %add3A_501 = arith.addi %mul3A_227, %broadcast_in_dim3A_476 : vector<16xi32>
        %gather3A_502 = tpu.vector_load_idx %arg6[%add3A_501] : memref<512xf32, #tpu.memory_space<vmem>>[vector<16xi32>], vector<16xf32>,
        %mul3A_503 = arith.constant 256 : i32
        %mul3A_504 = arith.muli %scan3A_475, %mul3A_503 : i32
        %add3A_505 = arith.constant 48 : i32
        %add3A_506 = arith.addi %mul3A_504, %add3A_505 : i32
        %swap3A_507 = arith.index_cast %add3A_506 : i32 to index
        %swap3A_508 = tpu.vector_load %arg8[%swap3A_507] {strides = array<i32>} : memref<16384xf32, #tpu.memory_space<vmem>>, vector<16xf32>,
        tpu.vector_store %arg8[%swap3A_507], %gather3A_502 {strides = array<i32>} : memref<16384xf32, #tpu.memory_space<vmem>>, vector<16xf32>,
        %add3A_509 = arith.addi %mul3A_236, %broadcast_in_dim3A_476 : vector<16xi32>
        %gather3A_510 = tpu.vector_load_idx %arg6[%add3A_509] : memref<512xf32, #tpu.memory_space<vmem>>[vector<16xi32>], vector<16xf32>,
        %mul3A_511 = arith.constant 256 : i32
        %mul3A_512 = arith.muli %scan3A_475, %mul3A_511 : i32
        %add3A_513 = arith.constant 64 : i32
        %add3A_514 = arith.addi %mul3A_512, %add3A_513 : i32
        %swap3A_515 = arith.index_cast %add3A_514 : i32 to index
        %swap3A_516 = tpu.vector_load %arg8[%swap3A_515] {strides = array<i32>} : memref<16384xf32, #tpu.memory_space<vmem>>, vector<16xf32>,
        tpu.vector_store %arg8[%swap3A_515], %gather3A_510 {strides = array<i32>} : memref<16384xf32, #tpu.memory_space<vmem>>, vector<16xf32>,
        %add3A_517 = arith.addi %mul3A_245, %broadcast_in_dim3A_476 : vector<16xi32>
        %gather3A_518 = tpu.vector_load_idx %arg6[%add3A_517] : memref<512xf32, #tpu.memory_space<vmem>>[vector<16xi32>], vector<16xf32>,
        %mul3A_519 = arith.constant 256 : i32
        %mul3A_520 = arith.muli %scan3A_475, %mul3A_519 : i32
        %add3A_521 = arith.constant 80 : i32
        %add3A_522 = arith.addi %mul3A_520, %add3A_521 : i32
        %swap3A_523 = arith.index_cast %add3A_522 : i32 to index
        %swap3A_524 = tpu.vector_load %arg8[%swap3A_523] {strides = array<i32>} : memref<16384xf32, #tpu.memory_space<vmem>>, vector<16xf32>,
        tpu.vector_store %arg8[%swap3A_523], %gather3A_518 {strides = array<i32>} : memref<16384xf32, #tpu.memory_space<vmem>>, vector<16xf32>,
        %add3A_525 = arith.addi %mul3A_254, %broadcast_in_dim3A_476 : vector<16xi32>
        %gather3A_526 = tpu.vector_load_idx %arg6[%add3A_525] : memref<512xf32, #tpu.memory_space<vmem>>[vector<16xi32>], vector<16xf32>,
        %mul3A_527 = arith.constant 256 : i32
        %mul3A_528 = arith.muli %scan3A_475, %mul3A_527 : i32
        %add3A_529 = arith.constant 96 : i32
        %add3A_530 = arith.addi %mul3A_528, %add3A_529 : i32
        %swap3A_531 = arith.index_cast %add3A_530 : i32 to index
        %swap3A_532 = tpu.vector_load %arg8[%swap3A_531] {strides = array<i32>} : memref<16384xf32, #tpu.memory_space<vmem>>, vector<16xf32>,
        tpu.vector_store %arg8[%swap3A_531], %gather3A_526 {strides = array<i32>} : memref<16384xf32, #tpu.memory_space<vmem>>, vector<16xf32>,
        %add3A_533 = arith.addi %mul3A_263, %broadcast_in_dim3A_476 : vector<16xi32>
        %gather3A_534 = tpu.vector_load_idx %arg6[%add3A_533] : memref<512xf32, #tpu.memory_space<vmem>>[vector<16xi32>], vector<16xf32>,
        %mul3A_535 = arith.constant 256 : i32
        %mul3A_536 = arith.muli %scan3A_475, %mul3A_535 : i32
        %add3A_537 = arith.constant 112 : i32
        %add3A_538 = arith.addi %mul3A_536, %add3A_537 : i32
        %swap3A_539 = arith.index_cast %add3A_538 : i32 to index
        %swap3A_540 = tpu.vector_load %arg8[%swap3A_539] {strides = array<i32>} : memref<16384xf32, #tpu.memory_space<vmem>>, vector<16xf32>,
        tpu.vector_store %arg8[%swap3A_539], %gather3A_534 {strides = array<i32>} : memref<16384xf32, #tpu.memory_space<vmem>>, vector<16xf32>,
        %add3A_541 = arith.addi %mul3A_272, %broadcast_in_dim3A_476 : vector<16xi32>
        %gather3A_542 = tpu.vector_load_idx %arg6[%add3A_541] : memref<512xf32, #tpu.memory_space<vmem>>[vector<16xi32>], vector<16xf32>,
        %mul3A_543 = arith.constant 256 : i32
        %mul3A_544 = arith.muli %scan3A_475, %mul3A_543 : i32
        %add3A_545 = arith.constant 128 : i32
        %add3A_546 = arith.addi %mul3A_544, %add3A_545 : i32
        %swap3A_547 = arith.index_cast %add3A_546 : i32 to index
        %swap3A_548 = tpu.vector_load %arg8[%swap3A_547] {strides = array<i32>} : memref<16384xf32, #tpu.memory_space<vmem>>, vector<16xf32>,
        tpu.vector_store %arg8[%swap3A_547], %gather3A_542 {strides = array<i32>} : memref<16384xf32, #tpu.memory_space<vmem>>, vector<16xf32>,
        %add3A_549 = arith.addi %mul3A_281, %broadcast_in_dim3A_476 : vector<16xi32>
        %gather3A_550 = tpu.vector_load_idx %arg6[%add3A_549] : memref<512xf32, #tpu.memory_space<vmem>>[vector<16xi32>], vector<16xf32>,
        %mul3A_551 = arith.constant 256 : i32
        %mul3A_552 = arith.muli %scan3A_475, %mul3A_551 : i32
        %add3A_553 = arith.constant 144 : i32
        %add3A_554 = arith.addi %mul3A_552, %add3A_553 : i32
        %swap3A_555 = arith.index_cast %add3A_554 : i32 to index
        %swap3A_556 = tpu.vector_load %arg8[%swap3A_555] {strides = array<i32>} : memref<16384xf32, #tpu.memory_space<vmem>>, vector<16xf32>,
        tpu.vector_store %arg8[%swap3A_555], %gather3A_550 {strides = array<i32>} : memref<16384xf32, #tpu.memory_space<vmem>>, vector<16xf32>,
        %add3A_557 = arith.addi %mul3A_290, %broadcast_in_dim3A_476 : vector<16xi32>
        %gather3A_558 = tpu.vector_load_idx %arg6[%add3A_557] : memref<512xf32, #tpu.memory_space<vmem>>[vector<16xi32>], vector<16xf32>,
        %mul3A_559 = arith.constant 256 : i32
        %mul3A_560 = arith.muli %scan3A_475, %mul3A_559 : i32
        %add3A_561 = arith.constant 160 : i32
        %add3A_562 = arith.addi %mul3A_560, %add3A_561 : i32
        %swap3A_563 = arith.index_cast %add3A_562 : i32 to index
        %swap3A_564 = tpu.vector_load %arg8[%swap3A_563] {strides = array<i32>} : memref<16384xf32, #tpu.memory_space<vmem>>, vector<16xf32>,
        tpu.vector_store %arg8[%swap3A_563], %gather3A_558 {strides = array<i32>} : memref<16384xf32, #tpu.memory_space<vmem>>, vector<16xf32>,
        %add3A_565 = arith.addi %mul3A_299, %broadcast_in_dim3A_476 : vector<16xi32>
        %gather3A_566 = tpu.vector_load_idx %arg6[%add3A_565] : memref<512xf32, #tpu.memory_space<vmem>>[vector<16xi32>], vector<16xf32>,
        %mul3A_567 = arith.constant 256 : i32
        %mul3A_568 = arith.muli %scan3A_475, %mul3A_567 : i32
        %add3A_569 = arith.constant 176 : i32
        %add3A_570 = arith.addi %mul3A_568, %add3A_569 : i32
        %swap3A_571 = arith.index_cast %add3A_570 : i32 to index
        %swap3A_572 = tpu.vector_load %arg8[%swap3A_571] {strides = array<i32>} : memref<16384xf32, #tpu.memory_space<vmem>>, vector<16xf32>,
        tpu.vector_store %arg8[%swap3A_571], %gather3A_566 {strides = array<i32>} : memref<16384xf32, #tpu.memory_space<vmem>>, vector<16xf32>,
        %add3A_573 = arith.addi %mul3A_308, %broadcast_in_dim3A_476 : vector<16xi32>
        %gather3A_574 = tpu.vector_load_idx %arg6[%add3A_573] : memref<512xf32, #tpu.memory_space<vmem>>[vector<16xi32>], vector<16xf32>,
        %mul3A_575 = arith.constant 256 : i32
        %mul3A_576 = arith.muli %scan3A_475, %mul3A_575 : i32
        %add3A_577 = arith.constant 192 : i32
        %add3A_578 = arith.addi %mul3A_576, %add3A_577 : i32
        %swap3A_579 = arith.index_cast %add3A_578 : i32 to index
        %swap3A_580 = tpu.vector_load %arg8[%swap3A_579] {strides = array<i32>} : memref<16384xf32, #tpu.memory_space<vmem>>, vector<16xf32>,
        tpu.vector_store %arg8[%swap3A_579], %gather3A_574 {strides = array<i32>} : memref<16384xf32, #tpu.memory_space<vmem>>, vector<16xf32>,
        %add3A_581 = arith.addi %mul3A_317, %broadcast_in_dim3A_476 : vector<16xi32>
        %gather3A_582 = tpu.vector_load_idx %arg6[%add3A_581] : memref<512xf32, #tpu.memory_space<vmem>>[vector<16xi32>], vector<16xf32>,
        %mul3A_583 = arith.constant 256 : i32
        %mul3A_584 = arith.muli %scan3A_475, %mul3A_583 : i32
        %add3A_585 = arith.constant 208 : i32
        %add3A_586 = arith.addi %mul3A_584, %add3A_585 : i32
        %swap3A_587 = arith.index_cast %add3A_586 : i32 to index
        %swap3A_588 = tpu.vector_load %arg8[%swap3A_587] {strides = array<i32>} : memref<16384xf32, #tpu.memory_space<vmem>>, vector<16xf32>,
        tpu.vector_store %arg8[%swap3A_587], %gather3A_582 {strides = array<i32>} : memref<16384xf32, #tpu.memory_space<vmem>>, vector<16xf32>,
        %add3A_589 = arith.addi %mul3A_326, %broadcast_in_dim3A_476 : vector<16xi32>
        %gather3A_590 = tpu.vector_load_idx %arg6[%add3A_589] : memref<512xf32, #tpu.memory_space<vmem>>[vector<16xi32>], vector<16xf32>,
        %mul3A_591 = arith.constant 256 : i32
        %mul3A_592 = arith.muli %scan3A_475, %mul3A_591 : i32
        %add3A_593 = arith.constant 224 : i32
        %add3A_594 = arith.addi %mul3A_592, %add3A_593 : i32
        %swap3A_595 = arith.index_cast %add3A_594 : i32 to index
        %swap3A_596 = tpu.vector_load %arg8[%swap3A_595] {strides = array<i32>} : memref<16384xf32, #tpu.memory_space<vmem>>, vector<16xf32>,
        tpu.vector_store %arg8[%swap3A_595], %gather3A_590 {strides = array<i32>} : memref<16384xf32, #tpu.memory_space<vmem>>, vector<16xf32>,
        %add3A_597 = arith.addi %mul3A_335, %broadcast_in_dim3A_476 : vector<16xi32>
        %gather3A_598 = tpu.vector_load_idx %arg6[%add3A_597] : memref<512xf32, #tpu.memory_space<vmem>>[vector<16xi32>], vector<16xf32>,
        %mul3A_599 = arith.constant 256 : i32
        %mul3A_600 = arith.muli %scan3A_475, %mul3A_599 : i32
        %add3A_601 = arith.constant 240 : i32
        %add3A_602 = arith.addi %mul3A_600, %add3A_601 : i32
        %swap3A_603 = arith.index_cast %add3A_602 : i32 to index
        %swap3A_604 = tpu.vector_load %arg8[%swap3A_603] {strides = array<i32>} : memref<16384xf32, #tpu.memory_space<vmem>>, vector<16xf32>,
        tpu.vector_store %arg8[%swap3A_603], %gather3A_598 {strides = array<i32>} : memref<16384xf32, #tpu.memory_space<vmem>>, vector<16xf32>,
      }
      %scan3A_341 = arith.constant 64 : i32
      %add3A_342 = arith.addi %mul3A_2, %add3A_30 : i32
      %mul3A_343 = arith.constant 16384 : i32
      %mul3A_344 = arith.muli %add3A_342, %mul3A_343 : i32
      %dma_start3A_345 = tpu.memref_slice %arg4[%mul3A_344] : memref<67108864xf32, #tpu.memory_space<hbm>> -> memref<16384xf32, #tpu.memory_space<hbm>>
      %dma_start3A_346 = tpu.memref_slice %arg4[%mul3A_344] : memref<67108864xf32, #tpu.memory_space<hbm>> -> memref<16384xf32, #tpu.memory_space<hbm>>
      tpu.enqueue_dma source(%arg8 : memref<16384xf32, #tpu.memory_space<vmem>>) target(%dma_start3A_346 : memref<16384xf32, #tpu.memory_space<hbm>>) target_semaphore(%arg11 : memref<!tpu.dma_semaphore, #tpu.memory_space<semaphore_mem>>)
    }
    %scan3A_11 = arith.constant 64 : i32
    %add3A_12 = arith.constant 126 : i32
    %add3A_13 = arith.addi %mul3A_2, %add3A_12 : i32
    %mul3A_14 = arith.constant 16384 : i32
    %mul3A_15 = arith.muli %add3A_13, %mul3A_14 : i32
    %dma_wait3A_16 = tpu.memref_slice %arg4[%mul3A_15] : memref<67108864xf32, #tpu.memory_space<hbm>> -> memref<16384xf32, #tpu.memory_space<hbm>>
    %dma_wait3A_17 = tpu.memref_slice %arg4[%mul3A_15] : memref<67108864xf32, #tpu.memory_space<hbm>> -> memref<16384xf32, #tpu.memory_space<hbm>>
    tpu.wait_dma2 semaphore(%arg10 : memref<!tpu.dma_semaphore, #tpu.memory_space<semaphore_mem>>) src(%arg7 : memref<16384xf32, #tpu.memory_space<vmem>>) dst(%dma_wait3A_17 : memref<16384xf32, #tpu.memory_space<hbm>>)
    %add3A_18 = arith.constant 127 : i32
    %add3A_19 = arith.addi %mul3A_2, %add3A_18 : i32
    %mul3A_20 = arith.constant 16384 : i32
    %mul3A_21 = arith.muli %add3A_19, %mul3A_20 : i32
    %dma_wait3A_22 = tpu.memref_slice %arg4[%mul3A_21] : memref<67108864xf32, #tpu.memory_space<hbm>> -> memref<16384xf32, #tpu.memory_space<hbm>>
    %dma_wait3A_23 = tpu.memref_slice %arg4[%mul3A_21] : memref<67108864xf32, #tpu.memory_space<hbm>> -> memref<16384xf32, #tpu.memory_space<hbm>>
    tpu.wait_dma2 semaphore(%arg11 : memref<!tpu.dma_semaphore, #tpu.memory_space<semaphore_mem>>) src(%arg8 : memref<16384xf32, #tpu.memory_space<vmem>>) dst(%dma_wait3A_23 : memref<16384xf32, #tpu.memory_space<hbm>>)
    return
  }
}

module attributes {stable_mosaic.version = 14 : i64} {
  func.func @_invs_body(%arg0: i32, %arg1: memref<32x64xi32, #tpu.memory_space<vmem>>, %arg2: memref<32x64xi32, #tpu.memory_space<vmem>>, %arg3: memref<128x64xf32, #tpu.memory_space<vmem>>, %arg4: memref<8x64xf32, #tpu.memory_space<vmem>>, %arg5: memref<64x256xf32, #tpu.memory_space<vmem>>, %arg6: memref<64x256xf32, #tpu.memory_space<vmem>>, %arg7: memref<1x256xf32, #tpu.memory_space<vmem>>, %arg8: memref<256x256xf32, #tpu.memory_space<vmem>>, %arg9: memref<1x256xf32, #tpu.memory_space<vmem>>, %arg10: memref<32x64x256xf32, #tpu.memory_space<vmem>>) attributes {dimension_semantics = [#tpu.dimension_semantics<arbitrary>], iteration_bounds = array<i64: 8>, scalar_prefetch = 0 : i64, scratch_operands = 0 : i64, tpu.core_type = #tpu.core_type<tc>, window_params = [{transform_indices = @transform_0, window_bounds = array<i64: 32, 64>}, {transform_indices = @transform_1, window_bounds = array<i64: 32, 64>}, {pipeline_mode = #tpu.pipeline_mode<synchronous>, transform_indices = @transform_2, window_bounds = array<i64: 128, 64>}, {pipeline_mode = #tpu.pipeline_mode<synchronous>, transform_indices = @transform_3, window_bounds = array<i64: 8, 64>}, {pipeline_mode = #tpu.pipeline_mode<synchronous>, transform_indices = @transform_4, window_bounds = array<i64: 64, 256>}, {pipeline_mode = #tpu.pipeline_mode<synchronous>, transform_indices = @transform_5, window_bounds = array<i64: 64, 256>}, {pipeline_mode = #tpu.pipeline_mode<synchronous>, transform_indices = @transform_6, window_bounds = array<i64: 1, 256>}, {pipeline_mode = #tpu.pipeline_mode<synchronous>, transform_indices = @transform_7, window_bounds = array<i64: 256, 256>}, {pipeline_mode = #tpu.pipeline_mode<synchronous>, transform_indices = @transform_8, window_bounds = array<i64: 1, 256>}, {transform_indices = @transform_9, window_bounds = array<i64: 32, 64, 256>}]} {
    %get3A = arith.constant 0 : index
    %get3A_0 = arith.constant 0 : index
    %get3A_1 = vector.load %arg1[%get3A, %get3A_0] : memref<32x64xi32, #tpu.memory_space<vmem>>, vector<1x64xi32>
    %iota3A = tpu.iota {dimensions = array<i32: 0>} : vector<128x64xi32>
    %eq3A = vector.broadcast %get3A_1 : vector<1x64xi32> to vector<128x64xi32>
    %eq3A_2 = arith.cmpi eq, %iota3A, %eq3A : vector<128x64xi32>
    %convert_element_type3A = arith.extui %eq3A_2 : vector<128x64xi1> to vector<128x64xi32>
    %convert_element_type3A_3 = arith.sitofp %convert_element_type3A : vector<128x64xi32> to vector<128x64xf32>
    %get3A_4 = arith.constant 0 : index
    %get3A_5 = arith.constant 0 : index
    %get3A_6 = vector.load %arg3[%get3A_4, %get3A_5] : memref<128x64xf32, #tpu.memory_space<vmem>>, vector<128x64xf32>
    %dot_general3A = arith.constant dense<0.000000e+00> : vector<64x64xf32>
    %dot_general3A_7 = tpu.matmul %convert_element_type3A_3, %get3A_6, %dot_general3A {dimension_numbers = #tpu.dot_dimension_numbers<[0], [0], [1], [1], [0, 1, 1, 1], [], []>, transpose_lhs_hint = false} : vector<128x64xf32>, vector<128x64xf32>, vector<64x64xf32> -> vector<64x64xf32>
    %get3A_8 = arith.constant 0 : index
    %get3A_9 = arith.constant 0 : index
    %get3A_10 = vector.load %arg2[%get3A_8, %get3A_9] : memref<32x64xi32, #tpu.memory_space<vmem>>, vector<1x64xi32>
    %iota3A_11 = tpu.iota {dimensions = array<i32: 0>} : vector<8x64xi32>
    %eq3A_12 = vector.broadcast %get3A_10 : vector<1x64xi32> to vector<8x64xi32>
    %eq3A_13 = arith.cmpi eq, %iota3A_11, %eq3A_12 : vector<8x64xi32>
    %convert_element_type3A_14 = arith.extui %eq3A_13 : vector<8x64xi1> to vector<8x64xi32>
    %convert_element_type3A_15 = arith.sitofp %convert_element_type3A_14 : vector<8x64xi32> to vector<8x64xf32>
    %get3A_16 = arith.constant 0 : index
    %get3A_17 = arith.constant 0 : index
    %get3A_18 = vector.load %arg4[%get3A_16, %get3A_17] : memref<8x64xf32, #tpu.memory_space<vmem>>, vector<8x64xf32>
    %dot_general3A_19 = arith.constant dense<0.000000e+00> : vector<64x64xf32>
    %dot_general3A_20 = tpu.matmul %convert_element_type3A_15, %get3A_18, %dot_general3A_19 {dimension_numbers = #tpu.dot_dimension_numbers<[0], [0], [1], [1], [0, 1, 1, 1], [], []>, transpose_lhs_hint = false} : vector<8x64xf32>, vector<8x64xf32>, vector<64x64xf32> -> vector<64x64xf32>
    %get3A_21 = arith.constant 1 : index
    %get3A_22 = arith.constant 0 : index
    %get3A_23 = vector.load %arg1[%get3A_21, %get3A_22] : memref<32x64xi32, #tpu.memory_space<vmem>>, vector<1x64xi32>
    %iota3A_24 = tpu.iota {dimensions = array<i32: 0>} : vector<128x64xi32>
    %eq3A_25 = vector.broadcast %get3A_23 : vector<1x64xi32> to vector<128x64xi32>
    %eq3A_26 = arith.cmpi eq, %iota3A_24, %eq3A_25 : vector<128x64xi32>
    %convert_element_type3A_27 = arith.extui %eq3A_26 : vector<128x64xi1> to vector<128x64xi32>
    %convert_element_type3A_28 = arith.sitofp %convert_element_type3A_27 : vector<128x64xi32> to vector<128x64xf32>
    %get3A_29 = arith.constant 0 : index
    %get3A_30 = arith.constant 0 : index
    %get3A_31 = vector.load %arg3[%get3A_29, %get3A_30] : memref<128x64xf32, #tpu.memory_space<vmem>>, vector<128x64xf32>
    %dot_general3A_32 = arith.constant dense<0.000000e+00> : vector<64x64xf32>
    %dot_general3A_33 = tpu.matmul %convert_element_type3A_28, %get3A_31, %dot_general3A_32 {dimension_numbers = #tpu.dot_dimension_numbers<[0], [0], [1], [1], [0, 1, 1, 1], [], []>, transpose_lhs_hint = false} : vector<128x64xf32>, vector<128x64xf32>, vector<64x64xf32> -> vector<64x64xf32>
    %get3A_34 = arith.constant 1 : index
    %get3A_35 = arith.constant 0 : index
    %get3A_36 = vector.load %arg2[%get3A_34, %get3A_35] : memref<32x64xi32, #tpu.memory_space<vmem>>, vector<1x64xi32>
    %iota3A_37 = tpu.iota {dimensions = array<i32: 0>} : vector<8x64xi32>
    %eq3A_38 = vector.broadcast %get3A_36 : vector<1x64xi32> to vector<8x64xi32>
    %eq3A_39 = arith.cmpi eq, %iota3A_37, %eq3A_38 : vector<8x64xi32>
    %convert_element_type3A_40 = arith.extui %eq3A_39 : vector<8x64xi1> to vector<8x64xi32>
    %convert_element_type3A_41 = arith.sitofp %convert_element_type3A_40 : vector<8x64xi32> to vector<8x64xf32>
    %get3A_42 = arith.constant 0 : index
    %get3A_43 = arith.constant 0 : index
    %get3A_44 = vector.load %arg4[%get3A_42, %get3A_43] : memref<8x64xf32, #tpu.memory_space<vmem>>, vector<8x64xf32>
    %dot_general3A_45 = arith.constant dense<0.000000e+00> : vector<64x64xf32>
    %dot_general3A_46 = tpu.matmul %convert_element_type3A_41, %get3A_44, %dot_general3A_45 {dimension_numbers = #tpu.dot_dimension_numbers<[0], [0], [1], [1], [0, 1, 1, 1], [], []>, transpose_lhs_hint = false} : vector<8x64xf32>, vector<8x64xf32>, vector<64x64xf32> -> vector<64x64xf32>
    %get3A_47 = arith.constant 2 : index
    %get3A_48 = arith.constant 0 : index
    %get3A_49 = vector.load %arg1[%get3A_47, %get3A_48] : memref<32x64xi32, #tpu.memory_space<vmem>>, vector<1x64xi32>
    %iota3A_50 = tpu.iota {dimensions = array<i32: 0>} : vector<128x64xi32>
    %eq3A_51 = vector.broadcast %get3A_49 : vector<1x64xi32> to vector<128x64xi32>
    %eq3A_52 = arith.cmpi eq, %iota3A_50, %eq3A_51 : vector<128x64xi32>
    %convert_element_type3A_53 = arith.extui %eq3A_52 : vector<128x64xi1> to vector<128x64xi32>
    %convert_element_type3A_54 = arith.sitofp %convert_element_type3A_53 : vector<128x64xi32> to vector<128x64xf32>
    %get3A_55 = arith.constant 0 : index
    %get3A_56 = arith.constant 0 : index
    %get3A_57 = vector.load %arg3[%get3A_55, %get3A_56] : memref<128x64xf32, #tpu.memory_space<vmem>>, vector<128x64xf32>
    %dot_general3A_58 = arith.constant dense<0.000000e+00> : vector<64x64xf32>
    %dot_general3A_59 = tpu.matmul %convert_element_type3A_54, %get3A_57, %dot_general3A_58 {dimension_numbers = #tpu.dot_dimension_numbers<[0], [0], [1], [1], [0, 1, 1, 1], [], []>, transpose_lhs_hint = false} : vector<128x64xf32>, vector<128x64xf32>, vector<64x64xf32> -> vector<64x64xf32>
    %get3A_60 = arith.constant 2 : index
    %get3A_61 = arith.constant 0 : index
    %get3A_62 = vector.load %arg2[%get3A_60, %get3A_61] : memref<32x64xi32, #tpu.memory_space<vmem>>, vector<1x64xi32>
    %iota3A_63 = tpu.iota {dimensions = array<i32: 0>} : vector<8x64xi32>
    %eq3A_64 = vector.broadcast %get3A_62 : vector<1x64xi32> to vector<8x64xi32>
    %eq3A_65 = arith.cmpi eq, %iota3A_63, %eq3A_64 : vector<8x64xi32>
    %convert_element_type3A_66 = arith.extui %eq3A_65 : vector<8x64xi1> to vector<8x64xi32>
    %convert_element_type3A_67 = arith.sitofp %convert_element_type3A_66 : vector<8x64xi32> to vector<8x64xf32>
    %get3A_68 = arith.constant 0 : index
    %get3A_69 = arith.constant 0 : index
    %get3A_70 = vector.load %arg4[%get3A_68, %get3A_69] : memref<8x64xf32, #tpu.memory_space<vmem>>, vector<8x64xf32>
    %dot_general3A_71 = arith.constant dense<0.000000e+00> : vector<64x64xf32>
    %dot_general3A_72 = tpu.matmul %convert_element_type3A_67, %get3A_70, %dot_general3A_71 {dimension_numbers = #tpu.dot_dimension_numbers<[0], [0], [1], [1], [0, 1, 1, 1], [], []>, transpose_lhs_hint = false} : vector<8x64xf32>, vector<8x64xf32>, vector<64x64xf32> -> vector<64x64xf32>
    %get3A_73 = arith.constant 3 : index
    %get3A_74 = arith.constant 0 : index
    %get3A_75 = vector.load %arg1[%get3A_73, %get3A_74] : memref<32x64xi32, #tpu.memory_space<vmem>>, vector<1x64xi32>
    %iota3A_76 = tpu.iota {dimensions = array<i32: 0>} : vector<128x64xi32>
    %eq3A_77 = vector.broadcast %get3A_75 : vector<1x64xi32> to vector<128x64xi32>
    %eq3A_78 = arith.cmpi eq, %iota3A_76, %eq3A_77 : vector<128x64xi32>
    %convert_element_type3A_79 = arith.extui %eq3A_78 : vector<128x64xi1> to vector<128x64xi32>
    %convert_element_type3A_80 = arith.sitofp %convert_element_type3A_79 : vector<128x64xi32> to vector<128x64xf32>
    %get3A_81 = arith.constant 0 : index
    %get3A_82 = arith.constant 0 : index
    %get3A_83 = vector.load %arg3[%get3A_81, %get3A_82] : memref<128x64xf32, #tpu.memory_space<vmem>>, vector<128x64xf32>
    %dot_general3A_84 = arith.constant dense<0.000000e+00> : vector<64x64xf32>
    %dot_general3A_85 = tpu.matmul %convert_element_type3A_80, %get3A_83, %dot_general3A_84 {dimension_numbers = #tpu.dot_dimension_numbers<[0], [0], [1], [1], [0, 1, 1, 1], [], []>, transpose_lhs_hint = false} : vector<128x64xf32>, vector<128x64xf32>, vector<64x64xf32> -> vector<64x64xf32>
    %get3A_86 = arith.constant 3 : index
    %get3A_87 = arith.constant 0 : index
    %get3A_88 = vector.load %arg2[%get3A_86, %get3A_87] : memref<32x64xi32, #tpu.memory_space<vmem>>, vector<1x64xi32>
    %iota3A_89 = tpu.iota {dimensions = array<i32: 0>} : vector<8x64xi32>
    %eq3A_90 = vector.broadcast %get3A_88 : vector<1x64xi32> to vector<8x64xi32>
    %eq3A_91 = arith.cmpi eq, %iota3A_89, %eq3A_90 : vector<8x64xi32>
    %convert_element_type3A_92 = arith.extui %eq3A_91 : vector<8x64xi1> to vector<8x64xi32>
    %convert_element_type3A_93 = arith.sitofp %convert_element_type3A_92 : vector<8x64xi32> to vector<8x64xf32>
    %get3A_94 = arith.constant 0 : index
    %get3A_95 = arith.constant 0 : index
    %get3A_96 = vector.load %arg4[%get3A_94, %get3A_95] : memref<8x64xf32, #tpu.memory_space<vmem>>, vector<8x64xf32>
    %dot_general3A_97 = arith.constant dense<0.000000e+00> : vector<64x64xf32>
    %dot_general3A_98 = tpu.matmul %convert_element_type3A_93, %get3A_96, %dot_general3A_97 {dimension_numbers = #tpu.dot_dimension_numbers<[0], [0], [1], [1], [0, 1, 1, 1], [], []>, transpose_lhs_hint = false} : vector<8x64xf32>, vector<8x64xf32>, vector<64x64xf32> -> vector<64x64xf32>
    %get3A_99 = arith.constant 4 : index
    %get3A_100 = arith.constant 0 : index
    %get3A_101 = vector.load %arg1[%get3A_99, %get3A_100] : memref<32x64xi32, #tpu.memory_space<vmem>>, vector<1x64xi32>
    %iota3A_102 = tpu.iota {dimensions = array<i32: 0>} : vector<128x64xi32>
    %eq3A_103 = vector.broadcast %get3A_101 : vector<1x64xi32> to vector<128x64xi32>
    %eq3A_104 = arith.cmpi eq, %iota3A_102, %eq3A_103 : vector<128x64xi32>
    %convert_element_type3A_105 = arith.extui %eq3A_104 : vector<128x64xi1> to vector<128x64xi32>
    %convert_element_type3A_106 = arith.sitofp %convert_element_type3A_105 : vector<128x64xi32> to vector<128x64xf32>
    %get3A_107 = arith.constant 0 : index
    %get3A_108 = arith.constant 0 : index
    %get3A_109 = vector.load %arg3[%get3A_107, %get3A_108] : memref<128x64xf32, #tpu.memory_space<vmem>>, vector<128x64xf32>
    %dot_general3A_110 = arith.constant dense<0.000000e+00> : vector<64x64xf32>
    %dot_general3A_111 = tpu.matmul %convert_element_type3A_106, %get3A_109, %dot_general3A_110 {dimension_numbers = #tpu.dot_dimension_numbers<[0], [0], [1], [1], [0, 1, 1, 1], [], []>, transpose_lhs_hint = false} : vector<128x64xf32>, vector<128x64xf32>, vector<64x64xf32> -> vector<64x64xf32>
    %get3A_112 = arith.constant 4 : index
    %get3A_113 = arith.constant 0 : index
    %get3A_114 = vector.load %arg2[%get3A_112, %get3A_113] : memref<32x64xi32, #tpu.memory_space<vmem>>, vector<1x64xi32>
    %iota3A_115 = tpu.iota {dimensions = array<i32: 0>} : vector<8x64xi32>
    %eq3A_116 = vector.broadcast %get3A_114 : vector<1x64xi32> to vector<8x64xi32>
    %eq3A_117 = arith.cmpi eq, %iota3A_115, %eq3A_116 : vector<8x64xi32>
    %convert_element_type3A_118 = arith.extui %eq3A_117 : vector<8x64xi1> to vector<8x64xi32>
    %convert_element_type3A_119 = arith.sitofp %convert_element_type3A_118 : vector<8x64xi32> to vector<8x64xf32>
    %get3A_120 = arith.constant 0 : index
    %get3A_121 = arith.constant 0 : index
    %get3A_122 = vector.load %arg4[%get3A_120, %get3A_121] : memref<8x64xf32, #tpu.memory_space<vmem>>, vector<8x64xf32>
    %dot_general3A_123 = arith.constant dense<0.000000e+00> : vector<64x64xf32>
    %dot_general3A_124 = tpu.matmul %convert_element_type3A_119, %get3A_122, %dot_general3A_123 {dimension_numbers = #tpu.dot_dimension_numbers<[0], [0], [1], [1], [0, 1, 1, 1], [], []>, transpose_lhs_hint = false} : vector<8x64xf32>, vector<8x64xf32>, vector<64x64xf32> -> vector<64x64xf32>
    %get3A_125 = arith.constant 5 : index
    %get3A_126 = arith.constant 0 : index
    %get3A_127 = vector.load %arg1[%get3A_125, %get3A_126] : memref<32x64xi32, #tpu.memory_space<vmem>>, vector<1x64xi32>
    %iota3A_128 = tpu.iota {dimensions = array<i32: 0>} : vector<128x64xi32>
    %eq3A_129 = vector.broadcast %get3A_127 : vector<1x64xi32> to vector<128x64xi32>
    %eq3A_130 = arith.cmpi eq, %iota3A_128, %eq3A_129 : vector<128x64xi32>
    %convert_element_type3A_131 = arith.extui %eq3A_130 : vector<128x64xi1> to vector<128x64xi32>
    %convert_element_type3A_132 = arith.sitofp %convert_element_type3A_131 : vector<128x64xi32> to vector<128x64xf32>
    %get3A_133 = arith.constant 0 : index
    %get3A_134 = arith.constant 0 : index
    %get3A_135 = vector.load %arg3[%get3A_133, %get3A_134] : memref<128x64xf32, #tpu.memory_space<vmem>>, vector<128x64xf32>
    %dot_general3A_136 = arith.constant dense<0.000000e+00> : vector<64x64xf32>
    %dot_general3A_137 = tpu.matmul %convert_element_type3A_132, %get3A_135, %dot_general3A_136 {dimension_numbers = #tpu.dot_dimension_numbers<[0], [0], [1], [1], [0, 1, 1, 1], [], []>, transpose_lhs_hint = false} : vector<128x64xf32>, vector<128x64xf32>, vector<64x64xf32> -> vector<64x64xf32>
    %get3A_138 = arith.constant 5 : index
    %get3A_139 = arith.constant 0 : index
    %get3A_140 = vector.load %arg2[%get3A_138, %get3A_139] : memref<32x64xi32, #tpu.memory_space<vmem>>, vector<1x64xi32>
    %iota3A_141 = tpu.iota {dimensions = array<i32: 0>} : vector<8x64xi32>
    %eq3A_142 = vector.broadcast %get3A_140 : vector<1x64xi32> to vector<8x64xi32>
    %eq3A_143 = arith.cmpi eq, %iota3A_141, %eq3A_142 : vector<8x64xi32>
    %convert_element_type3A_144 = arith.extui %eq3A_143 : vector<8x64xi1> to vector<8x64xi32>
    %convert_element_type3A_145 = arith.sitofp %convert_element_type3A_144 : vector<8x64xi32> to vector<8x64xf32>
    %get3A_146 = arith.constant 0 : index
    %get3A_147 = arith.constant 0 : index
    %get3A_148 = vector.load %arg4[%get3A_146, %get3A_147] : memref<8x64xf32, #tpu.memory_space<vmem>>, vector<8x64xf32>
    %dot_general3A_149 = arith.constant dense<0.000000e+00> : vector<64x64xf32>
    %dot_general3A_150 = tpu.matmul %convert_element_type3A_145, %get3A_148, %dot_general3A_149 {dimension_numbers = #tpu.dot_dimension_numbers<[0], [0], [1], [1], [0, 1, 1, 1], [], []>, transpose_lhs_hint = false} : vector<8x64xf32>, vector<8x64xf32>, vector<64x64xf32> -> vector<64x64xf32>
    %get3A_151 = arith.constant 6 : index
    %get3A_152 = arith.constant 0 : index
    %get3A_153 = vector.load %arg1[%get3A_151, %get3A_152] : memref<32x64xi32, #tpu.memory_space<vmem>>, vector<1x64xi32>
    %iota3A_154 = tpu.iota {dimensions = array<i32: 0>} : vector<128x64xi32>
    %eq3A_155 = vector.broadcast %get3A_153 : vector<1x64xi32> to vector<128x64xi32>
    %eq3A_156 = arith.cmpi eq, %iota3A_154, %eq3A_155 : vector<128x64xi32>
    %convert_element_type3A_157 = arith.extui %eq3A_156 : vector<128x64xi1> to vector<128x64xi32>
    %convert_element_type3A_158 = arith.sitofp %convert_element_type3A_157 : vector<128x64xi32> to vector<128x64xf32>
    %get3A_159 = arith.constant 0 : index
    %get3A_160 = arith.constant 0 : index
    %get3A_161 = vector.load %arg3[%get3A_159, %get3A_160] : memref<128x64xf32, #tpu.memory_space<vmem>>, vector<128x64xf32>
    %dot_general3A_162 = arith.constant dense<0.000000e+00> : vector<64x64xf32>
    %dot_general3A_163 = tpu.matmul %convert_element_type3A_158, %get3A_161, %dot_general3A_162 {dimension_numbers = #tpu.dot_dimension_numbers<[0], [0], [1], [1], [0, 1, 1, 1], [], []>, transpose_lhs_hint = false} : vector<128x64xf32>, vector<128x64xf32>, vector<64x64xf32> -> vector<64x64xf32>
    %get3A_164 = arith.constant 6 : index
    %get3A_165 = arith.constant 0 : index
    %get3A_166 = vector.load %arg2[%get3A_164, %get3A_165] : memref<32x64xi32, #tpu.memory_space<vmem>>, vector<1x64xi32>
    %iota3A_167 = tpu.iota {dimensions = array<i32: 0>} : vector<8x64xi32>
    %eq3A_168 = vector.broadcast %get3A_166 : vector<1x64xi32> to vector<8x64xi32>
    %eq3A_169 = arith.cmpi eq, %iota3A_167, %eq3A_168 : vector<8x64xi32>
    %convert_element_type3A_170 = arith.extui %eq3A_169 : vector<8x64xi1> to vector<8x64xi32>
    %convert_element_type3A_171 = arith.sitofp %convert_element_type3A_170 : vector<8x64xi32> to vector<8x64xf32>
    %get3A_172 = arith.constant 0 : index
    %get3A_173 = arith.constant 0 : index
    %get3A_174 = vector.load %arg4[%get3A_172, %get3A_173] : memref<8x64xf32, #tpu.memory_space<vmem>>, vector<8x64xf32>
    %dot_general3A_175 = arith.constant dense<0.000000e+00> : vector<64x64xf32>
    %dot_general3A_176 = tpu.matmul %convert_element_type3A_171, %get3A_174, %dot_general3A_175 {dimension_numbers = #tpu.dot_dimension_numbers<[0], [0], [1], [1], [0, 1, 1, 1], [], []>, transpose_lhs_hint = false} : vector<8x64xf32>, vector<8x64xf32>, vector<64x64xf32> -> vector<64x64xf32>
    %get3A_177 = arith.constant 7 : index
    %get3A_178 = arith.constant 0 : index
    %get3A_179 = vector.load %arg1[%get3A_177, %get3A_178] : memref<32x64xi32, #tpu.memory_space<vmem>>, vector<1x64xi32>
    %iota3A_180 = tpu.iota {dimensions = array<i32: 0>} : vector<128x64xi32>
    %eq3A_181 = vector.broadcast %get3A_179 : vector<1x64xi32> to vector<128x64xi32>
    %eq3A_182 = arith.cmpi eq, %iota3A_180, %eq3A_181 : vector<128x64xi32>
    %convert_element_type3A_183 = arith.extui %eq3A_182 : vector<128x64xi1> to vector<128x64xi32>
    %convert_element_type3A_184 = arith.sitofp %convert_element_type3A_183 : vector<128x64xi32> to vector<128x64xf32>
    %get3A_185 = arith.constant 0 : index
    %get3A_186 = arith.constant 0 : index
    %get3A_187 = vector.load %arg3[%get3A_185, %get3A_186] : memref<128x64xf32, #tpu.memory_space<vmem>>, vector<128x64xf32>
    %dot_general3A_188 = arith.constant dense<0.000000e+00> : vector<64x64xf32>
    %dot_general3A_189 = tpu.matmul %convert_element_type3A_184, %get3A_187, %dot_general3A_188 {dimension_numbers = #tpu.dot_dimension_numbers<[0], [0], [1], [1], [0, 1, 1, 1], [], []>, transpose_lhs_hint = false} : vector<128x64xf32>, vector<128x64xf32>, vector<64x64xf32> -> vector<64x64xf32>
    %get3A_190 = arith.constant 7 : index
    %get3A_191 = arith.constant 0 : index
    %get3A_192 = vector.load %arg2[%get3A_190, %get3A_191] : memref<32x64xi32, #tpu.memory_space<vmem>>, vector<1x64xi32>
    %iota3A_193 = tpu.iota {dimensions = array<i32: 0>} : vector<8x64xi32>
    %eq3A_194 = vector.broadcast %get3A_192 : vector<1x64xi32> to vector<8x64xi32>
    %eq3A_195 = arith.cmpi eq, %iota3A_193, %eq3A_194 : vector<8x64xi32>
    %convert_element_type3A_196 = arith.extui %eq3A_195 : vector<8x64xi1> to vector<8x64xi32>
    %convert_element_type3A_197 = arith.sitofp %convert_element_type3A_196 : vector<8x64xi32> to vector<8x64xf32>
    %get3A_198 = arith.constant 0 : index
    %get3A_199 = arith.constant 0 : index
    %get3A_200 = vector.load %arg4[%get3A_198, %get3A_199] : memref<8x64xf32, #tpu.memory_space<vmem>>, vector<8x64xf32>
    %dot_general3A_201 = arith.constant dense<0.000000e+00> : vector<64x64xf32>
    %dot_general3A_202 = tpu.matmul %convert_element_type3A_197, %get3A_200, %dot_general3A_201 {dimension_numbers = #tpu.dot_dimension_numbers<[0], [0], [1], [1], [0, 1, 1, 1], [], []>, transpose_lhs_hint = false} : vector<8x64xf32>, vector<8x64xf32>, vector<64x64xf32> -> vector<64x64xf32>
    %get3A_203 = arith.constant 8 : index
    %get3A_204 = arith.constant 0 : index
    %get3A_205 = vector.load %arg1[%get3A_203, %get3A_204] : memref<32x64xi32, #tpu.memory_space<vmem>>, vector<1x64xi32>
    %iota3A_206 = tpu.iota {dimensions = array<i32: 0>} : vector<128x64xi32>
    %eq3A_207 = vector.broadcast %get3A_205 : vector<1x64xi32> to vector<128x64xi32>
    %eq3A_208 = arith.cmpi eq, %iota3A_206, %eq3A_207 : vector<128x64xi32>
    %convert_element_type3A_209 = arith.extui %eq3A_208 : vector<128x64xi1> to vector<128x64xi32>
    %convert_element_type3A_210 = arith.sitofp %convert_element_type3A_209 : vector<128x64xi32> to vector<128x64xf32>
    %get3A_211 = arith.constant 0 : index
    %get3A_212 = arith.constant 0 : index
    %get3A_213 = vector.load %arg3[%get3A_211, %get3A_212] : memref<128x64xf32, #tpu.memory_space<vmem>>, vector<128x64xf32>
    %dot_general3A_214 = arith.constant dense<0.000000e+00> : vector<64x64xf32>
    %dot_general3A_215 = tpu.matmul %convert_element_type3A_210, %get3A_213, %dot_general3A_214 {dimension_numbers = #tpu.dot_dimension_numbers<[0], [0], [1], [1], [0, 1, 1, 1], [], []>, transpose_lhs_hint = false} : vector<128x64xf32>, vector<128x64xf32>, vector<64x64xf32> -> vector<64x64xf32>
    %get3A_216 = arith.constant 8 : index
    %get3A_217 = arith.constant 0 : index
    %get3A_218 = vector.load %arg2[%get3A_216, %get3A_217] : memref<32x64xi32, #tpu.memory_space<vmem>>, vector<1x64xi32>
    %iota3A_219 = tpu.iota {dimensions = array<i32: 0>} : vector<8x64xi32>
    %eq3A_220 = vector.broadcast %get3A_218 : vector<1x64xi32> to vector<8x64xi32>
    %eq3A_221 = arith.cmpi eq, %iota3A_219, %eq3A_220 : vector<8x64xi32>
    %convert_element_type3A_222 = arith.extui %eq3A_221 : vector<8x64xi1> to vector<8x64xi32>
    %convert_element_type3A_223 = arith.sitofp %convert_element_type3A_222 : vector<8x64xi32> to vector<8x64xf32>
    %get3A_224 = arith.constant 0 : index
    %get3A_225 = arith.constant 0 : index
    %get3A_226 = vector.load %arg4[%get3A_224, %get3A_225] : memref<8x64xf32, #tpu.memory_space<vmem>>, vector<8x64xf32>
    %dot_general3A_227 = arith.constant dense<0.000000e+00> : vector<64x64xf32>
    %dot_general3A_228 = tpu.matmul %convert_element_type3A_223, %get3A_226, %dot_general3A_227 {dimension_numbers = #tpu.dot_dimension_numbers<[0], [0], [1], [1], [0, 1, 1, 1], [], []>, transpose_lhs_hint = false} : vector<8x64xf32>, vector<8x64xf32>, vector<64x64xf32> -> vector<64x64xf32>
    %get3A_229 = arith.constant 9 : index
    %get3A_230 = arith.constant 0 : index
    %get3A_231 = vector.load %arg1[%get3A_229, %get3A_230] : memref<32x64xi32, #tpu.memory_space<vmem>>, vector<1x64xi32>
    %iota3A_232 = tpu.iota {dimensions = array<i32: 0>} : vector<128x64xi32>
    %eq3A_233 = vector.broadcast %get3A_231 : vector<1x64xi32> to vector<128x64xi32>
    %eq3A_234 = arith.cmpi eq, %iota3A_232, %eq3A_233 : vector<128x64xi32>
    %convert_element_type3A_235 = arith.extui %eq3A_234 : vector<128x64xi1> to vector<128x64xi32>
    %convert_element_type3A_236 = arith.sitofp %convert_element_type3A_235 : vector<128x64xi32> to vector<128x64xf32>
    %get3A_237 = arith.constant 0 : index
    %get3A_238 = arith.constant 0 : index
    %get3A_239 = vector.load %arg3[%get3A_237, %get3A_238] : memref<128x64xf32, #tpu.memory_space<vmem>>, vector<128x64xf32>
    %dot_general3A_240 = arith.constant dense<0.000000e+00> : vector<64x64xf32>
    %dot_general3A_241 = tpu.matmul %convert_element_type3A_236, %get3A_239, %dot_general3A_240 {dimension_numbers = #tpu.dot_dimension_numbers<[0], [0], [1], [1], [0, 1, 1, 1], [], []>, transpose_lhs_hint = false} : vector<128x64xf32>, vector<128x64xf32>, vector<64x64xf32> -> vector<64x64xf32>
    %get3A_242 = arith.constant 9 : index
    %get3A_243 = arith.constant 0 : index
    %get3A_244 = vector.load %arg2[%get3A_242, %get3A_243] : memref<32x64xi32, #tpu.memory_space<vmem>>, vector<1x64xi32>
    %iota3A_245 = tpu.iota {dimensions = array<i32: 0>} : vector<8x64xi32>
    %eq3A_246 = vector.broadcast %get3A_244 : vector<1x64xi32> to vector<8x64xi32>
    %eq3A_247 = arith.cmpi eq, %iota3A_245, %eq3A_246 : vector<8x64xi32>
    %convert_element_type3A_248 = arith.extui %eq3A_247 : vector<8x64xi1> to vector<8x64xi32>
    %convert_element_type3A_249 = arith.sitofp %convert_element_type3A_248 : vector<8x64xi32> to vector<8x64xf32>
    %get3A_250 = arith.constant 0 : index
    %get3A_251 = arith.constant 0 : index
    %get3A_252 = vector.load %arg4[%get3A_250, %get3A_251] : memref<8x64xf32, #tpu.memory_space<vmem>>, vector<8x64xf32>
    %dot_general3A_253 = arith.constant dense<0.000000e+00> : vector<64x64xf32>
    %dot_general3A_254 = tpu.matmul %convert_element_type3A_249, %get3A_252, %dot_general3A_253 {dimension_numbers = #tpu.dot_dimension_numbers<[0], [0], [1], [1], [0, 1, 1, 1], [], []>, transpose_lhs_hint = false} : vector<8x64xf32>, vector<8x64xf32>, vector<64x64xf32> -> vector<64x64xf32>
    %get3A_255 = arith.constant 10 : index
    %get3A_256 = arith.constant 0 : index
    %get3A_257 = vector.load %arg1[%get3A_255, %get3A_256] : memref<32x64xi32, #tpu.memory_space<vmem>>, vector<1x64xi32>
    %iota3A_258 = tpu.iota {dimensions = array<i32: 0>} : vector<128x64xi32>
    %eq3A_259 = vector.broadcast %get3A_257 : vector<1x64xi32> to vector<128x64xi32>
    %eq3A_260 = arith.cmpi eq, %iota3A_258, %eq3A_259 : vector<128x64xi32>
    %convert_element_type3A_261 = arith.extui %eq3A_260 : vector<128x64xi1> to vector<128x64xi32>
    %convert_element_type3A_262 = arith.sitofp %convert_element_type3A_261 : vector<128x64xi32> to vector<128x64xf32>
    %get3A_263 = arith.constant 0 : index
    %get3A_264 = arith.constant 0 : index
    %get3A_265 = vector.load %arg3[%get3A_263, %get3A_264] : memref<128x64xf32, #tpu.memory_space<vmem>>, vector<128x64xf32>
    %dot_general3A_266 = arith.constant dense<0.000000e+00> : vector<64x64xf32>
    %dot_general3A_267 = tpu.matmul %convert_element_type3A_262, %get3A_265, %dot_general3A_266 {dimension_numbers = #tpu.dot_dimension_numbers<[0], [0], [1], [1], [0, 1, 1, 1], [], []>, transpose_lhs_hint = false} : vector<128x64xf32>, vector<128x64xf32>, vector<64x64xf32> -> vector<64x64xf32>
    %get3A_268 = arith.constant 10 : index
    %get3A_269 = arith.constant 0 : index
    %get3A_270 = vector.load %arg2[%get3A_268, %get3A_269] : memref<32x64xi32, #tpu.memory_space<vmem>>, vector<1x64xi32>
    %iota3A_271 = tpu.iota {dimensions = array<i32: 0>} : vector<8x64xi32>
    %eq3A_272 = vector.broadcast %get3A_270 : vector<1x64xi32> to vector<8x64xi32>
    %eq3A_273 = arith.cmpi eq, %iota3A_271, %eq3A_272 : vector<8x64xi32>
    %convert_element_type3A_274 = arith.extui %eq3A_273 : vector<8x64xi1> to vector<8x64xi32>
    %convert_element_type3A_275 = arith.sitofp %convert_element_type3A_274 : vector<8x64xi32> to vector<8x64xf32>
    %get3A_276 = arith.constant 0 : index
    %get3A_277 = arith.constant 0 : index
    %get3A_278 = vector.load %arg4[%get3A_276, %get3A_277] : memref<8x64xf32, #tpu.memory_space<vmem>>, vector<8x64xf32>
    %dot_general3A_279 = arith.constant dense<0.000000e+00> : vector<64x64xf32>
    %dot_general3A_280 = tpu.matmul %convert_element_type3A_275, %get3A_278, %dot_general3A_279 {dimension_numbers = #tpu.dot_dimension_numbers<[0], [0], [1], [1], [0, 1, 1, 1], [], []>, transpose_lhs_hint = false} : vector<8x64xf32>, vector<8x64xf32>, vector<64x64xf32> -> vector<64x64xf32>
    %get3A_281 = arith.constant 11 : index
    %get3A_282 = arith.constant 0 : index
    %get3A_283 = vector.load %arg1[%get3A_281, %get3A_282] : memref<32x64xi32, #tpu.memory_space<vmem>>, vector<1x64xi32>
    %iota3A_284 = tpu.iota {dimensions = array<i32: 0>} : vector<128x64xi32>
    %eq3A_285 = vector.broadcast %get3A_283 : vector<1x64xi32> to vector<128x64xi32>
    %eq3A_286 = arith.cmpi eq, %iota3A_284, %eq3A_285 : vector<128x64xi32>
    %convert_element_type3A_287 = arith.extui %eq3A_286 : vector<128x64xi1> to vector<128x64xi32>
    %convert_element_type3A_288 = arith.sitofp %convert_element_type3A_287 : vector<128x64xi32> to vector<128x64xf32>
    %get3A_289 = arith.constant 0 : index
    %get3A_290 = arith.constant 0 : index
    %get3A_291 = vector.load %arg3[%get3A_289, %get3A_290] : memref<128x64xf32, #tpu.memory_space<vmem>>, vector<128x64xf32>
    %dot_general3A_292 = arith.constant dense<0.000000e+00> : vector<64x64xf32>
    %dot_general3A_293 = tpu.matmul %convert_element_type3A_288, %get3A_291, %dot_general3A_292 {dimension_numbers = #tpu.dot_dimension_numbers<[0], [0], [1], [1], [0, 1, 1, 1], [], []>, transpose_lhs_hint = false} : vector<128x64xf32>, vector<128x64xf32>, vector<64x64xf32> -> vector<64x64xf32>
    %get3A_294 = arith.constant 11 : index
    %get3A_295 = arith.constant 0 : index
    %get3A_296 = vector.load %arg2[%get3A_294, %get3A_295] : memref<32x64xi32, #tpu.memory_space<vmem>>, vector<1x64xi32>
    %iota3A_297 = tpu.iota {dimensions = array<i32: 0>} : vector<8x64xi32>
    %eq3A_298 = vector.broadcast %get3A_296 : vector<1x64xi32> to vector<8x64xi32>
    %eq3A_299 = arith.cmpi eq, %iota3A_297, %eq3A_298 : vector<8x64xi32>
    %convert_element_type3A_300 = arith.extui %eq3A_299 : vector<8x64xi1> to vector<8x64xi32>
    %convert_element_type3A_301 = arith.sitofp %convert_element_type3A_300 : vector<8x64xi32> to vector<8x64xf32>
    %get3A_302 = arith.constant 0 : index
    %get3A_303 = arith.constant 0 : index
    %get3A_304 = vector.load %arg4[%get3A_302, %get3A_303] : memref<8x64xf32, #tpu.memory_space<vmem>>, vector<8x64xf32>
    %dot_general3A_305 = arith.constant dense<0.000000e+00> : vector<64x64xf32>
    %dot_general3A_306 = tpu.matmul %convert_element_type3A_301, %get3A_304, %dot_general3A_305 {dimension_numbers = #tpu.dot_dimension_numbers<[0], [0], [1], [1], [0, 1, 1, 1], [], []>, transpose_lhs_hint = false} : vector<8x64xf32>, vector<8x64xf32>, vector<64x64xf32> -> vector<64x64xf32>
    %get3A_307 = arith.constant 12 : index
    %get3A_308 = arith.constant 0 : index
    %get3A_309 = vector.load %arg1[%get3A_307, %get3A_308] : memref<32x64xi32, #tpu.memory_space<vmem>>, vector<1x64xi32>
    %iota3A_310 = tpu.iota {dimensions = array<i32: 0>} : vector<128x64xi32>
    %eq3A_311 = vector.broadcast %get3A_309 : vector<1x64xi32> to vector<128x64xi32>
    %eq3A_312 = arith.cmpi eq, %iota3A_310, %eq3A_311 : vector<128x64xi32>
    %convert_element_type3A_313 = arith.extui %eq3A_312 : vector<128x64xi1> to vector<128x64xi32>
    %convert_element_type3A_314 = arith.sitofp %convert_element_type3A_313 : vector<128x64xi32> to vector<128x64xf32>
    %get3A_315 = arith.constant 0 : index
    %get3A_316 = arith.constant 0 : index
    %get3A_317 = vector.load %arg3[%get3A_315, %get3A_316] : memref<128x64xf32, #tpu.memory_space<vmem>>, vector<128x64xf32>
    %dot_general3A_318 = arith.constant dense<0.000000e+00> : vector<64x64xf32>
    %dot_general3A_319 = tpu.matmul %convert_element_type3A_314, %get3A_317, %dot_general3A_318 {dimension_numbers = #tpu.dot_dimension_numbers<[0], [0], [1], [1], [0, 1, 1, 1], [], []>, transpose_lhs_hint = false} : vector<128x64xf32>, vector<128x64xf32>, vector<64x64xf32> -> vector<64x64xf32>
    %get3A_320 = arith.constant 12 : index
    %get3A_321 = arith.constant 0 : index
    %get3A_322 = vector.load %arg2[%get3A_320, %get3A_321] : memref<32x64xi32, #tpu.memory_space<vmem>>, vector<1x64xi32>
    %iota3A_323 = tpu.iota {dimensions = array<i32: 0>} : vector<8x64xi32>
    %eq3A_324 = vector.broadcast %get3A_322 : vector<1x64xi32> to vector<8x64xi32>
    %eq3A_325 = arith.cmpi eq, %iota3A_323, %eq3A_324 : vector<8x64xi32>
    %convert_element_type3A_326 = arith.extui %eq3A_325 : vector<8x64xi1> to vector<8x64xi32>
    %convert_element_type3A_327 = arith.sitofp %convert_element_type3A_326 : vector<8x64xi32> to vector<8x64xf32>
    %get3A_328 = arith.constant 0 : index
    %get3A_329 = arith.constant 0 : index
    %get3A_330 = vector.load %arg4[%get3A_328, %get3A_329] : memref<8x64xf32, #tpu.memory_space<vmem>>, vector<8x64xf32>
    %dot_general3A_331 = arith.constant dense<0.000000e+00> : vector<64x64xf32>
    %dot_general3A_332 = tpu.matmul %convert_element_type3A_327, %get3A_330, %dot_general3A_331 {dimension_numbers = #tpu.dot_dimension_numbers<[0], [0], [1], [1], [0, 1, 1, 1], [], []>, transpose_lhs_hint = false} : vector<8x64xf32>, vector<8x64xf32>, vector<64x64xf32> -> vector<64x64xf32>
    %get3A_333 = arith.constant 13 : index
    %get3A_334 = arith.constant 0 : index
    %get3A_335 = vector.load %arg1[%get3A_333, %get3A_334] : memref<32x64xi32, #tpu.memory_space<vmem>>, vector<1x64xi32>
    %iota3A_336 = tpu.iota {dimensions = array<i32: 0>} : vector<128x64xi32>
    %eq3A_337 = vector.broadcast %get3A_335 : vector<1x64xi32> to vector<128x64xi32>
    %eq3A_338 = arith.cmpi eq, %iota3A_336, %eq3A_337 : vector<128x64xi32>
    %convert_element_type3A_339 = arith.extui %eq3A_338 : vector<128x64xi1> to vector<128x64xi32>
    %convert_element_type3A_340 = arith.sitofp %convert_element_type3A_339 : vector<128x64xi32> to vector<128x64xf32>
    %get3A_341 = arith.constant 0 : index
    %get3A_342 = arith.constant 0 : index
    %get3A_343 = vector.load %arg3[%get3A_341, %get3A_342] : memref<128x64xf32, #tpu.memory_space<vmem>>, vector<128x64xf32>
    %dot_general3A_344 = arith.constant dense<0.000000e+00> : vector<64x64xf32>
    %dot_general3A_345 = tpu.matmul %convert_element_type3A_340, %get3A_343, %dot_general3A_344 {dimension_numbers = #tpu.dot_dimension_numbers<[0], [0], [1], [1], [0, 1, 1, 1], [], []>, transpose_lhs_hint = false} : vector<128x64xf32>, vector<128x64xf32>, vector<64x64xf32> -> vector<64x64xf32>
    %get3A_346 = arith.constant 13 : index
    %get3A_347 = arith.constant 0 : index
    %get3A_348 = vector.load %arg2[%get3A_346, %get3A_347] : memref<32x64xi32, #tpu.memory_space<vmem>>, vector<1x64xi32>
    %iota3A_349 = tpu.iota {dimensions = array<i32: 0>} : vector<8x64xi32>
    %eq3A_350 = vector.broadcast %get3A_348 : vector<1x64xi32> to vector<8x64xi32>
    %eq3A_351 = arith.cmpi eq, %iota3A_349, %eq3A_350 : vector<8x64xi32>
    %convert_element_type3A_352 = arith.extui %eq3A_351 : vector<8x64xi1> to vector<8x64xi32>
    %convert_element_type3A_353 = arith.sitofp %convert_element_type3A_352 : vector<8x64xi32> to vector<8x64xf32>
    %get3A_354 = arith.constant 0 : index
    %get3A_355 = arith.constant 0 : index
    %get3A_356 = vector.load %arg4[%get3A_354, %get3A_355] : memref<8x64xf32, #tpu.memory_space<vmem>>, vector<8x64xf32>
    %dot_general3A_357 = arith.constant dense<0.000000e+00> : vector<64x64xf32>
    %dot_general3A_358 = tpu.matmul %convert_element_type3A_353, %get3A_356, %dot_general3A_357 {dimension_numbers = #tpu.dot_dimension_numbers<[0], [0], [1], [1], [0, 1, 1, 1], [], []>, transpose_lhs_hint = false} : vector<8x64xf32>, vector<8x64xf32>, vector<64x64xf32> -> vector<64x64xf32>
    %get3A_359 = arith.constant 14 : index
    %get3A_360 = arith.constant 0 : index
    %get3A_361 = vector.load %arg1[%get3A_359, %get3A_360] : memref<32x64xi32, #tpu.memory_space<vmem>>, vector<1x64xi32>
    %iota3A_362 = tpu.iota {dimensions = array<i32: 0>} : vector<128x64xi32>
    %eq3A_363 = vector.broadcast %get3A_361 : vector<1x64xi32> to vector<128x64xi32>
    %eq3A_364 = arith.cmpi eq, %iota3A_362, %eq3A_363 : vector<128x64xi32>
    %convert_element_type3A_365 = arith.extui %eq3A_364 : vector<128x64xi1> to vector<128x64xi32>
    %convert_element_type3A_366 = arith.sitofp %convert_element_type3A_365 : vector<128x64xi32> to vector<128x64xf32>
    %get3A_367 = arith.constant 0 : index
    %get3A_368 = arith.constant 0 : index
    %get3A_369 = vector.load %arg3[%get3A_367, %get3A_368] : memref<128x64xf32, #tpu.memory_space<vmem>>, vector<128x64xf32>
    %dot_general3A_370 = arith.constant dense<0.000000e+00> : vector<64x64xf32>
    %dot_general3A_371 = tpu.matmul %convert_element_type3A_366, %get3A_369, %dot_general3A_370 {dimension_numbers = #tpu.dot_dimension_numbers<[0], [0], [1], [1], [0, 1, 1, 1], [], []>, transpose_lhs_hint = false} : vector<128x64xf32>, vector<128x64xf32>, vector<64x64xf32> -> vector<64x64xf32>
    %get3A_372 = arith.constant 14 : index
    %get3A_373 = arith.constant 0 : index
    %get3A_374 = vector.load %arg2[%get3A_372, %get3A_373] : memref<32x64xi32, #tpu.memory_space<vmem>>, vector<1x64xi32>
    %iota3A_375 = tpu.iota {dimensions = array<i32: 0>} : vector<8x64xi32>
    %eq3A_376 = vector.broadcast %get3A_374 : vector<1x64xi32> to vector<8x64xi32>
    %eq3A_377 = arith.cmpi eq, %iota3A_375, %eq3A_376 : vector<8x64xi32>
    %convert_element_type3A_378 = arith.extui %eq3A_377 : vector<8x64xi1> to vector<8x64xi32>
    %convert_element_type3A_379 = arith.sitofp %convert_element_type3A_378 : vector<8x64xi32> to vector<8x64xf32>
    %get3A_380 = arith.constant 0 : index
    %get3A_381 = arith.constant 0 : index
    %get3A_382 = vector.load %arg4[%get3A_380, %get3A_381] : memref<8x64xf32, #tpu.memory_space<vmem>>, vector<8x64xf32>
    %dot_general3A_383 = arith.constant dense<0.000000e+00> : vector<64x64xf32>
    %dot_general3A_384 = tpu.matmul %convert_element_type3A_379, %get3A_382, %dot_general3A_383 {dimension_numbers = #tpu.dot_dimension_numbers<[0], [0], [1], [1], [0, 1, 1, 1], [], []>, transpose_lhs_hint = false} : vector<8x64xf32>, vector<8x64xf32>, vector<64x64xf32> -> vector<64x64xf32>
    %get3A_385 = arith.constant 15 : index
    %get3A_386 = arith.constant 0 : index
    %get3A_387 = vector.load %arg1[%get3A_385, %get3A_386] : memref<32x64xi32, #tpu.memory_space<vmem>>, vector<1x64xi32>
    %iota3A_388 = tpu.iota {dimensions = array<i32: 0>} : vector<128x64xi32>
    %eq3A_389 = vector.broadcast %get3A_387 : vector<1x64xi32> to vector<128x64xi32>
    %eq3A_390 = arith.cmpi eq, %iota3A_388, %eq3A_389 : vector<128x64xi32>
    %convert_element_type3A_391 = arith.extui %eq3A_390 : vector<128x64xi1> to vector<128x64xi32>
    %convert_element_type3A_392 = arith.sitofp %convert_element_type3A_391 : vector<128x64xi32> to vector<128x64xf32>
    %get3A_393 = arith.constant 0 : index
    %get3A_394 = arith.constant 0 : index
    %get3A_395 = vector.load %arg3[%get3A_393, %get3A_394] : memref<128x64xf32, #tpu.memory_space<vmem>>, vector<128x64xf32>
    %dot_general3A_396 = arith.constant dense<0.000000e+00> : vector<64x64xf32>
    %dot_general3A_397 = tpu.matmul %convert_element_type3A_392, %get3A_395, %dot_general3A_396 {dimension_numbers = #tpu.dot_dimension_numbers<[0], [0], [1], [1], [0, 1, 1, 1], [], []>, transpose_lhs_hint = false} : vector<128x64xf32>, vector<128x64xf32>, vector<64x64xf32> -> vector<64x64xf32>
    %get3A_398 = arith.constant 15 : index
    %get3A_399 = arith.constant 0 : index
    %get3A_400 = vector.load %arg2[%get3A_398, %get3A_399] : memref<32x64xi32, #tpu.memory_space<vmem>>, vector<1x64xi32>
    %iota3A_401 = tpu.iota {dimensions = array<i32: 0>} : vector<8x64xi32>
    %eq3A_402 = vector.broadcast %get3A_400 : vector<1x64xi32> to vector<8x64xi32>
    %eq3A_403 = arith.cmpi eq, %iota3A_401, %eq3A_402 : vector<8x64xi32>
    %convert_element_type3A_404 = arith.extui %eq3A_403 : vector<8x64xi1> to vector<8x64xi32>
    %convert_element_type3A_405 = arith.sitofp %convert_element_type3A_404 : vector<8x64xi32> to vector<8x64xf32>
    %get3A_406 = arith.constant 0 : index
    %get3A_407 = arith.constant 0 : index
    %get3A_408 = vector.load %arg4[%get3A_406, %get3A_407] : memref<8x64xf32, #tpu.memory_space<vmem>>, vector<8x64xf32>
    %dot_general3A_409 = arith.constant dense<0.000000e+00> : vector<64x64xf32>
    %dot_general3A_410 = tpu.matmul %convert_element_type3A_405, %get3A_408, %dot_general3A_409 {dimension_numbers = #tpu.dot_dimension_numbers<[0], [0], [1], [1], [0, 1, 1, 1], [], []>, transpose_lhs_hint = false} : vector<8x64xf32>, vector<8x64xf32>, vector<64x64xf32> -> vector<64x64xf32>
    %get3A_411 = arith.constant 16 : index
    %get3A_412 = arith.constant 0 : index
    %get3A_413 = vector.load %arg1[%get3A_411, %get3A_412] : memref<32x64xi32, #tpu.memory_space<vmem>>, vector<1x64xi32>
    %iota3A_414 = tpu.iota {dimensions = array<i32: 0>} : vector<128x64xi32>
    %eq3A_415 = vector.broadcast %get3A_413 : vector<1x64xi32> to vector<128x64xi32>
    %eq3A_416 = arith.cmpi eq, %iota3A_414, %eq3A_415 : vector<128x64xi32>
    %convert_element_type3A_417 = arith.extui %eq3A_416 : vector<128x64xi1> to vector<128x64xi32>
    %convert_element_type3A_418 = arith.sitofp %convert_element_type3A_417 : vector<128x64xi32> to vector<128x64xf32>
    %get3A_419 = arith.constant 0 : index
    %get3A_420 = arith.constant 0 : index
    %get3A_421 = vector.load %arg3[%get3A_419, %get3A_420] : memref<128x64xf32, #tpu.memory_space<vmem>>, vector<128x64xf32>
    %dot_general3A_422 = arith.constant dense<0.000000e+00> : vector<64x64xf32>
    %dot_general3A_423 = tpu.matmul %convert_element_type3A_418, %get3A_421, %dot_general3A_422 {dimension_numbers = #tpu.dot_dimension_numbers<[0], [0], [1], [1], [0, 1, 1, 1], [], []>, transpose_lhs_hint = false} : vector<128x64xf32>, vector<128x64xf32>, vector<64x64xf32> -> vector<64x64xf32>
    %get3A_424 = arith.constant 16 : index
    %get3A_425 = arith.constant 0 : index
    %get3A_426 = vector.load %arg2[%get3A_424, %get3A_425] : memref<32x64xi32, #tpu.memory_space<vmem>>, vector<1x64xi32>
    %iota3A_427 = tpu.iota {dimensions = array<i32: 0>} : vector<8x64xi32>
    %eq3A_428 = vector.broadcast %get3A_426 : vector<1x64xi32> to vector<8x64xi32>
    %eq3A_429 = arith.cmpi eq, %iota3A_427, %eq3A_428 : vector<8x64xi32>
    %convert_element_type3A_430 = arith.extui %eq3A_429 : vector<8x64xi1> to vector<8x64xi32>
    %convert_element_type3A_431 = arith.sitofp %convert_element_type3A_430 : vector<8x64xi32> to vector<8x64xf32>
    %get3A_432 = arith.constant 0 : index
    %get3A_433 = arith.constant 0 : index
    %get3A_434 = vector.load %arg4[%get3A_432, %get3A_433] : memref<8x64xf32, #tpu.memory_space<vmem>>, vector<8x64xf32>
    %dot_general3A_435 = arith.constant dense<0.000000e+00> : vector<64x64xf32>
    %dot_general3A_436 = tpu.matmul %convert_element_type3A_431, %get3A_434, %dot_general3A_435 {dimension_numbers = #tpu.dot_dimension_numbers<[0], [0], [1], [1], [0, 1, 1, 1], [], []>, transpose_lhs_hint = false} : vector<8x64xf32>, vector<8x64xf32>, vector<64x64xf32> -> vector<64x64xf32>
    %get3A_437 = arith.constant 17 : index
    %get3A_438 = arith.constant 0 : index
    %get3A_439 = vector.load %arg1[%get3A_437, %get3A_438] : memref<32x64xi32, #tpu.memory_space<vmem>>, vector<1x64xi32>
    %iota3A_440 = tpu.iota {dimensions = array<i32: 0>} : vector<128x64xi32>
    %eq3A_441 = vector.broadcast %get3A_439 : vector<1x64xi32> to vector<128x64xi32>
    %eq3A_442 = arith.cmpi eq, %iota3A_440, %eq3A_441 : vector<128x64xi32>
    %convert_element_type3A_443 = arith.extui %eq3A_442 : vector<128x64xi1> to vector<128x64xi32>
    %convert_element_type3A_444 = arith.sitofp %convert_element_type3A_443 : vector<128x64xi32> to vector<128x64xf32>
    %get3A_445 = arith.constant 0 : index
    %get3A_446 = arith.constant 0 : index
    %get3A_447 = vector.load %arg3[%get3A_445, %get3A_446] : memref<128x64xf32, #tpu.memory_space<vmem>>, vector<128x64xf32>
    %dot_general3A_448 = arith.constant dense<0.000000e+00> : vector<64x64xf32>
    %dot_general3A_449 = tpu.matmul %convert_element_type3A_444, %get3A_447, %dot_general3A_448 {dimension_numbers = #tpu.dot_dimension_numbers<[0], [0], [1], [1], [0, 1, 1, 1], [], []>, transpose_lhs_hint = false} : vector<128x64xf32>, vector<128x64xf32>, vector<64x64xf32> -> vector<64x64xf32>
    %get3A_450 = arith.constant 17 : index
    %get3A_451 = arith.constant 0 : index
    %get3A_452 = vector.load %arg2[%get3A_450, %get3A_451] : memref<32x64xi32, #tpu.memory_space<vmem>>, vector<1x64xi32>
    %iota3A_453 = tpu.iota {dimensions = array<i32: 0>} : vector<8x64xi32>
    %eq3A_454 = vector.broadcast %get3A_452 : vector<1x64xi32> to vector<8x64xi32>
    %eq3A_455 = arith.cmpi eq, %iota3A_453, %eq3A_454 : vector<8x64xi32>
    %convert_element_type3A_456 = arith.extui %eq3A_455 : vector<8x64xi1> to vector<8x64xi32>
    %convert_element_type3A_457 = arith.sitofp %convert_element_type3A_456 : vector<8x64xi32> to vector<8x64xf32>
    %get3A_458 = arith.constant 0 : index
    %get3A_459 = arith.constant 0 : index
    %get3A_460 = vector.load %arg4[%get3A_458, %get3A_459] : memref<8x64xf32, #tpu.memory_space<vmem>>, vector<8x64xf32>
    %dot_general3A_461 = arith.constant dense<0.000000e+00> : vector<64x64xf32>
    %dot_general3A_462 = tpu.matmul %convert_element_type3A_457, %get3A_460, %dot_general3A_461 {dimension_numbers = #tpu.dot_dimension_numbers<[0], [0], [1], [1], [0, 1, 1, 1], [], []>, transpose_lhs_hint = false} : vector<8x64xf32>, vector<8x64xf32>, vector<64x64xf32> -> vector<64x64xf32>
    %get3A_463 = arith.constant 18 : index
    %get3A_464 = arith.constant 0 : index
    %get3A_465 = vector.load %arg1[%get3A_463, %get3A_464] : memref<32x64xi32, #tpu.memory_space<vmem>>, vector<1x64xi32>
    %iota3A_466 = tpu.iota {dimensions = array<i32: 0>} : vector<128x64xi32>
    %eq3A_467 = vector.broadcast %get3A_465 : vector<1x64xi32> to vector<128x64xi32>
    %eq3A_468 = arith.cmpi eq, %iota3A_466, %eq3A_467 : vector<128x64xi32>
    %convert_element_type3A_469 = arith.extui %eq3A_468 : vector<128x64xi1> to vector<128x64xi32>
    %convert_element_type3A_470 = arith.sitofp %convert_element_type3A_469 : vector<128x64xi32> to vector<128x64xf32>
    %get3A_471 = arith.constant 0 : index
    %get3A_472 = arith.constant 0 : index
    %get3A_473 = vector.load %arg3[%get3A_471, %get3A_472] : memref<128x64xf32, #tpu.memory_space<vmem>>, vector<128x64xf32>
    %dot_general3A_474 = arith.constant dense<0.000000e+00> : vector<64x64xf32>
    %dot_general3A_475 = tpu.matmul %convert_element_type3A_470, %get3A_473, %dot_general3A_474 {dimension_numbers = #tpu.dot_dimension_numbers<[0], [0], [1], [1], [0, 1, 1, 1], [], []>, transpose_lhs_hint = false} : vector<128x64xf32>, vector<128x64xf32>, vector<64x64xf32> -> vector<64x64xf32>
    %get3A_476 = arith.constant 18 : index
    %get3A_477 = arith.constant 0 : index
    %get3A_478 = vector.load %arg2[%get3A_476, %get3A_477] : memref<32x64xi32, #tpu.memory_space<vmem>>, vector<1x64xi32>
    %iota3A_479 = tpu.iota {dimensions = array<i32: 0>} : vector<8x64xi32>
    %eq3A_480 = vector.broadcast %get3A_478 : vector<1x64xi32> to vector<8x64xi32>
    %eq3A_481 = arith.cmpi eq, %iota3A_479, %eq3A_480 : vector<8x64xi32>
    %convert_element_type3A_482 = arith.extui %eq3A_481 : vector<8x64xi1> to vector<8x64xi32>
    %convert_element_type3A_483 = arith.sitofp %convert_element_type3A_482 : vector<8x64xi32> to vector<8x64xf32>
    %get3A_484 = arith.constant 0 : index
    %get3A_485 = arith.constant 0 : index
    %get3A_486 = vector.load %arg4[%get3A_484, %get3A_485] : memref<8x64xf32, #tpu.memory_space<vmem>>, vector<8x64xf32>
    %dot_general3A_487 = arith.constant dense<0.000000e+00> : vector<64x64xf32>
    %dot_general3A_488 = tpu.matmul %convert_element_type3A_483, %get3A_486, %dot_general3A_487 {dimension_numbers = #tpu.dot_dimension_numbers<[0], [0], [1], [1], [0, 1, 1, 1], [], []>, transpose_lhs_hint = false} : vector<8x64xf32>, vector<8x64xf32>, vector<64x64xf32> -> vector<64x64xf32>
    %get3A_489 = arith.constant 19 : index
    %get3A_490 = arith.constant 0 : index
    %get3A_491 = vector.load %arg1[%get3A_489, %get3A_490] : memref<32x64xi32, #tpu.memory_space<vmem>>, vector<1x64xi32>
    %iota3A_492 = tpu.iota {dimensions = array<i32: 0>} : vector<128x64xi32>
    %eq3A_493 = vector.broadcast %get3A_491 : vector<1x64xi32> to vector<128x64xi32>
    %eq3A_494 = arith.cmpi eq, %iota3A_492, %eq3A_493 : vector<128x64xi32>
    %convert_element_type3A_495 = arith.extui %eq3A_494 : vector<128x64xi1> to vector<128x64xi32>
    %convert_element_type3A_496 = arith.sitofp %convert_element_type3A_495 : vector<128x64xi32> to vector<128x64xf32>
    %get3A_497 = arith.constant 0 : index
    %get3A_498 = arith.constant 0 : index
    %get3A_499 = vector.load %arg3[%get3A_497, %get3A_498] : memref<128x64xf32, #tpu.memory_space<vmem>>, vector<128x64xf32>
    %dot_general3A_500 = arith.constant dense<0.000000e+00> : vector<64x64xf32>
    %dot_general3A_501 = tpu.matmul %convert_element_type3A_496, %get3A_499, %dot_general3A_500 {dimension_numbers = #tpu.dot_dimension_numbers<[0], [0], [1], [1], [0, 1, 1, 1], [], []>, transpose_lhs_hint = false} : vector<128x64xf32>, vector<128x64xf32>, vector<64x64xf32> -> vector<64x64xf32>
    %get3A_502 = arith.constant 19 : index
    %get3A_503 = arith.constant 0 : index
    %get3A_504 = vector.load %arg2[%get3A_502, %get3A_503] : memref<32x64xi32, #tpu.memory_space<vmem>>, vector<1x64xi32>
    %iota3A_505 = tpu.iota {dimensions = array<i32: 0>} : vector<8x64xi32>
    %eq3A_506 = vector.broadcast %get3A_504 : vector<1x64xi32> to vector<8x64xi32>
    %eq3A_507 = arith.cmpi eq, %iota3A_505, %eq3A_506 : vector<8x64xi32>
    %convert_element_type3A_508 = arith.extui %eq3A_507 : vector<8x64xi1> to vector<8x64xi32>
    %convert_element_type3A_509 = arith.sitofp %convert_element_type3A_508 : vector<8x64xi32> to vector<8x64xf32>
    %get3A_510 = arith.constant 0 : index
    %get3A_511 = arith.constant 0 : index
    %get3A_512 = vector.load %arg4[%get3A_510, %get3A_511] : memref<8x64xf32, #tpu.memory_space<vmem>>, vector<8x64xf32>
    %dot_general3A_513 = arith.constant dense<0.000000e+00> : vector<64x64xf32>
    %dot_general3A_514 = tpu.matmul %convert_element_type3A_509, %get3A_512, %dot_general3A_513 {dimension_numbers = #tpu.dot_dimension_numbers<[0], [0], [1], [1], [0, 1, 1, 1], [], []>, transpose_lhs_hint = false} : vector<8x64xf32>, vector<8x64xf32>, vector<64x64xf32> -> vector<64x64xf32>
    %get3A_515 = arith.constant 20 : index
    %get3A_516 = arith.constant 0 : index
    %get3A_517 = vector.load %arg1[%get3A_515, %get3A_516] : memref<32x64xi32, #tpu.memory_space<vmem>>, vector<1x64xi32>
    %iota3A_518 = tpu.iota {dimensions = array<i32: 0>} : vector<128x64xi32>
    %eq3A_519 = vector.broadcast %get3A_517 : vector<1x64xi32> to vector<128x64xi32>
    %eq3A_520 = arith.cmpi eq, %iota3A_518, %eq3A_519 : vector<128x64xi32>
    %convert_element_type3A_521 = arith.extui %eq3A_520 : vector<128x64xi1> to vector<128x64xi32>
    %convert_element_type3A_522 = arith.sitofp %convert_element_type3A_521 : vector<128x64xi32> to vector<128x64xf32>
    %get3A_523 = arith.constant 0 : index
    %get3A_524 = arith.constant 0 : index
    %get3A_525 = vector.load %arg3[%get3A_523, %get3A_524] : memref<128x64xf32, #tpu.memory_space<vmem>>, vector<128x64xf32>
    %dot_general3A_526 = arith.constant dense<0.000000e+00> : vector<64x64xf32>
    %dot_general3A_527 = tpu.matmul %convert_element_type3A_522, %get3A_525, %dot_general3A_526 {dimension_numbers = #tpu.dot_dimension_numbers<[0], [0], [1], [1], [0, 1, 1, 1], [], []>, transpose_lhs_hint = false} : vector<128x64xf32>, vector<128x64xf32>, vector<64x64xf32> -> vector<64x64xf32>
    %get3A_528 = arith.constant 20 : index
    %get3A_529 = arith.constant 0 : index
    %get3A_530 = vector.load %arg2[%get3A_528, %get3A_529] : memref<32x64xi32, #tpu.memory_space<vmem>>, vector<1x64xi32>
    %iota3A_531 = tpu.iota {dimensions = array<i32: 0>} : vector<8x64xi32>
    %eq3A_532 = vector.broadcast %get3A_530 : vector<1x64xi32> to vector<8x64xi32>
    %eq3A_533 = arith.cmpi eq, %iota3A_531, %eq3A_532 : vector<8x64xi32>
    %convert_element_type3A_534 = arith.extui %eq3A_533 : vector<8x64xi1> to vector<8x64xi32>
    %convert_element_type3A_535 = arith.sitofp %convert_element_type3A_534 : vector<8x64xi32> to vector<8x64xf32>
    %get3A_536 = arith.constant 0 : index
    %get3A_537 = arith.constant 0 : index
    %get3A_538 = vector.load %arg4[%get3A_536, %get3A_537] : memref<8x64xf32, #tpu.memory_space<vmem>>, vector<8x64xf32>
    %dot_general3A_539 = arith.constant dense<0.000000e+00> : vector<64x64xf32>
    %dot_general3A_540 = tpu.matmul %convert_element_type3A_535, %get3A_538, %dot_general3A_539 {dimension_numbers = #tpu.dot_dimension_numbers<[0], [0], [1], [1], [0, 1, 1, 1], [], []>, transpose_lhs_hint = false} : vector<8x64xf32>, vector<8x64xf32>, vector<64x64xf32> -> vector<64x64xf32>
    %get3A_541 = arith.constant 21 : index
    %get3A_542 = arith.constant 0 : index
    %get3A_543 = vector.load %arg1[%get3A_541, %get3A_542] : memref<32x64xi32, #tpu.memory_space<vmem>>, vector<1x64xi32>
    %iota3A_544 = tpu.iota {dimensions = array<i32: 0>} : vector<128x64xi32>
    %eq3A_545 = vector.broadcast %get3A_543 : vector<1x64xi32> to vector<128x64xi32>
    %eq3A_546 = arith.cmpi eq, %iota3A_544, %eq3A_545 : vector<128x64xi32>
    %convert_element_type3A_547 = arith.extui %eq3A_546 : vector<128x64xi1> to vector<128x64xi32>
    %convert_element_type3A_548 = arith.sitofp %convert_element_type3A_547 : vector<128x64xi32> to vector<128x64xf32>
    %get3A_549 = arith.constant 0 : index
    %get3A_550 = arith.constant 0 : index
    %get3A_551 = vector.load %arg3[%get3A_549, %get3A_550] : memref<128x64xf32, #tpu.memory_space<vmem>>, vector<128x64xf32>
    %dot_general3A_552 = arith.constant dense<0.000000e+00> : vector<64x64xf32>
    %dot_general3A_553 = tpu.matmul %convert_element_type3A_548, %get3A_551, %dot_general3A_552 {dimension_numbers = #tpu.dot_dimension_numbers<[0], [0], [1], [1], [0, 1, 1, 1], [], []>, transpose_lhs_hint = false} : vector<128x64xf32>, vector<128x64xf32>, vector<64x64xf32> -> vector<64x64xf32>
    %get3A_554 = arith.constant 21 : index
    %get3A_555 = arith.constant 0 : index
    %get3A_556 = vector.load %arg2[%get3A_554, %get3A_555] : memref<32x64xi32, #tpu.memory_space<vmem>>, vector<1x64xi32>
    %iota3A_557 = tpu.iota {dimensions = array<i32: 0>} : vector<8x64xi32>
    %eq3A_558 = vector.broadcast %get3A_556 : vector<1x64xi32> to vector<8x64xi32>
    %eq3A_559 = arith.cmpi eq, %iota3A_557, %eq3A_558 : vector<8x64xi32>
    %convert_element_type3A_560 = arith.extui %eq3A_559 : vector<8x64xi1> to vector<8x64xi32>
    %convert_element_type3A_561 = arith.sitofp %convert_element_type3A_560 : vector<8x64xi32> to vector<8x64xf32>
    %get3A_562 = arith.constant 0 : index
    %get3A_563 = arith.constant 0 : index
    %get3A_564 = vector.load %arg4[%get3A_562, %get3A_563] : memref<8x64xf32, #tpu.memory_space<vmem>>, vector<8x64xf32>
    %dot_general3A_565 = arith.constant dense<0.000000e+00> : vector<64x64xf32>
    %dot_general3A_566 = tpu.matmul %convert_element_type3A_561, %get3A_564, %dot_general3A_565 {dimension_numbers = #tpu.dot_dimension_numbers<[0], [0], [1], [1], [0, 1, 1, 1], [], []>, transpose_lhs_hint = false} : vector<8x64xf32>, vector<8x64xf32>, vector<64x64xf32> -> vector<64x64xf32>
    %get3A_567 = arith.constant 22 : index
    %get3A_568 = arith.constant 0 : index
    %get3A_569 = vector.load %arg1[%get3A_567, %get3A_568] : memref<32x64xi32, #tpu.memory_space<vmem>>, vector<1x64xi32>
    %iota3A_570 = tpu.iota {dimensions = array<i32: 0>} : vector<128x64xi32>
    %eq3A_571 = vector.broadcast %get3A_569 : vector<1x64xi32> to vector<128x64xi32>
    %eq3A_572 = arith.cmpi eq, %iota3A_570, %eq3A_571 : vector<128x64xi32>
    %convert_element_type3A_573 = arith.extui %eq3A_572 : vector<128x64xi1> to vector<128x64xi32>
    %convert_element_type3A_574 = arith.sitofp %convert_element_type3A_573 : vector<128x64xi32> to vector<128x64xf32>
    %get3A_575 = arith.constant 0 : index
    %get3A_576 = arith.constant 0 : index
    %get3A_577 = vector.load %arg3[%get3A_575, %get3A_576] : memref<128x64xf32, #tpu.memory_space<vmem>>, vector<128x64xf32>
    %dot_general3A_578 = arith.constant dense<0.000000e+00> : vector<64x64xf32>
    %dot_general3A_579 = tpu.matmul %convert_element_type3A_574, %get3A_577, %dot_general3A_578 {dimension_numbers = #tpu.dot_dimension_numbers<[0], [0], [1], [1], [0, 1, 1, 1], [], []>, transpose_lhs_hint = false} : vector<128x64xf32>, vector<128x64xf32>, vector<64x64xf32> -> vector<64x64xf32>
    %get3A_580 = arith.constant 22 : index
    %get3A_581 = arith.constant 0 : index
    %get3A_582 = vector.load %arg2[%get3A_580, %get3A_581] : memref<32x64xi32, #tpu.memory_space<vmem>>, vector<1x64xi32>
    %iota3A_583 = tpu.iota {dimensions = array<i32: 0>} : vector<8x64xi32>
    %eq3A_584 = vector.broadcast %get3A_582 : vector<1x64xi32> to vector<8x64xi32>
    %eq3A_585 = arith.cmpi eq, %iota3A_583, %eq3A_584 : vector<8x64xi32>
    %convert_element_type3A_586 = arith.extui %eq3A_585 : vector<8x64xi1> to vector<8x64xi32>
    %convert_element_type3A_587 = arith.sitofp %convert_element_type3A_586 : vector<8x64xi32> to vector<8x64xf32>
    %get3A_588 = arith.constant 0 : index
    %get3A_589 = arith.constant 0 : index
    %get3A_590 = vector.load %arg4[%get3A_588, %get3A_589] : memref<8x64xf32, #tpu.memory_space<vmem>>, vector<8x64xf32>
    %dot_general3A_591 = arith.constant dense<0.000000e+00> : vector<64x64xf32>
    %dot_general3A_592 = tpu.matmul %convert_element_type3A_587, %get3A_590, %dot_general3A_591 {dimension_numbers = #tpu.dot_dimension_numbers<[0], [0], [1], [1], [0, 1, 1, 1], [], []>, transpose_lhs_hint = false} : vector<8x64xf32>, vector<8x64xf32>, vector<64x64xf32> -> vector<64x64xf32>
    %get3A_593 = arith.constant 23 : index
    %get3A_594 = arith.constant 0 : index
    %get3A_595 = vector.load %arg1[%get3A_593, %get3A_594] : memref<32x64xi32, #tpu.memory_space<vmem>>, vector<1x64xi32>
    %iota3A_596 = tpu.iota {dimensions = array<i32: 0>} : vector<128x64xi32>
    %eq3A_597 = vector.broadcast %get3A_595 : vector<1x64xi32> to vector<128x64xi32>
    %eq3A_598 = arith.cmpi eq, %iota3A_596, %eq3A_597 : vector<128x64xi32>
    %convert_element_type3A_599 = arith.extui %eq3A_598 : vector<128x64xi1> to vector<128x64xi32>
    %convert_element_type3A_600 = arith.sitofp %convert_element_type3A_599 : vector<128x64xi32> to vector<128x64xf32>
    %get3A_601 = arith.constant 0 : index
    %get3A_602 = arith.constant 0 : index
    %get3A_603 = vector.load %arg3[%get3A_601, %get3A_602] : memref<128x64xf32, #tpu.memory_space<vmem>>, vector<128x64xf32>
    %dot_general3A_604 = arith.constant dense<0.000000e+00> : vector<64x64xf32>
    %dot_general3A_605 = tpu.matmul %convert_element_type3A_600, %get3A_603, %dot_general3A_604 {dimension_numbers = #tpu.dot_dimension_numbers<[0], [0], [1], [1], [0, 1, 1, 1], [], []>, transpose_lhs_hint = false} : vector<128x64xf32>, vector<128x64xf32>, vector<64x64xf32> -> vector<64x64xf32>
    %get3A_606 = arith.constant 23 : index
    %get3A_607 = arith.constant 0 : index
    %get3A_608 = vector.load %arg2[%get3A_606, %get3A_607] : memref<32x64xi32, #tpu.memory_space<vmem>>, vector<1x64xi32>
    %iota3A_609 = tpu.iota {dimensions = array<i32: 0>} : vector<8x64xi32>
    %eq3A_610 = vector.broadcast %get3A_608 : vector<1x64xi32> to vector<8x64xi32>
    %eq3A_611 = arith.cmpi eq, %iota3A_609, %eq3A_610 : vector<8x64xi32>
    %convert_element_type3A_612 = arith.extui %eq3A_611 : vector<8x64xi1> to vector<8x64xi32>
    %convert_element_type3A_613 = arith.sitofp %convert_element_type3A_612 : vector<8x64xi32> to vector<8x64xf32>
    %get3A_614 = arith.constant 0 : index
    %get3A_615 = arith.constant 0 : index
    %get3A_616 = vector.load %arg4[%get3A_614, %get3A_615] : memref<8x64xf32, #tpu.memory_space<vmem>>, vector<8x64xf32>
    %dot_general3A_617 = arith.constant dense<0.000000e+00> : vector<64x64xf32>
    %dot_general3A_618 = tpu.matmul %convert_element_type3A_613, %get3A_616, %dot_general3A_617 {dimension_numbers = #tpu.dot_dimension_numbers<[0], [0], [1], [1], [0, 1, 1, 1], [], []>, transpose_lhs_hint = false} : vector<8x64xf32>, vector<8x64xf32>, vector<64x64xf32> -> vector<64x64xf32>
    %get3A_619 = arith.constant 24 : index
    %get3A_620 = arith.constant 0 : index
    %get3A_621 = vector.load %arg1[%get3A_619, %get3A_620] : memref<32x64xi32, #tpu.memory_space<vmem>>, vector<1x64xi32>
    %iota3A_622 = tpu.iota {dimensions = array<i32: 0>} : vector<128x64xi32>
    %eq3A_623 = vector.broadcast %get3A_621 : vector<1x64xi32> to vector<128x64xi32>
    %eq3A_624 = arith.cmpi eq, %iota3A_622, %eq3A_623 : vector<128x64xi32>
    %convert_element_type3A_625 = arith.extui %eq3A_624 : vector<128x64xi1> to vector<128x64xi32>
    %convert_element_type3A_626 = arith.sitofp %convert_element_type3A_625 : vector<128x64xi32> to vector<128x64xf32>
    %get3A_627 = arith.constant 0 : index
    %get3A_628 = arith.constant 0 : index
    %get3A_629 = vector.load %arg3[%get3A_627, %get3A_628] : memref<128x64xf32, #tpu.memory_space<vmem>>, vector<128x64xf32>
    %dot_general3A_630 = arith.constant dense<0.000000e+00> : vector<64x64xf32>
    %dot_general3A_631 = tpu.matmul %convert_element_type3A_626, %get3A_629, %dot_general3A_630 {dimension_numbers = #tpu.dot_dimension_numbers<[0], [0], [1], [1], [0, 1, 1, 1], [], []>, transpose_lhs_hint = false} : vector<128x64xf32>, vector<128x64xf32>, vector<64x64xf32> -> vector<64x64xf32>
    %get3A_632 = arith.constant 24 : index
    %get3A_633 = arith.constant 0 : index
    %get3A_634 = vector.load %arg2[%get3A_632, %get3A_633] : memref<32x64xi32, #tpu.memory_space<vmem>>, vector<1x64xi32>
    %iota3A_635 = tpu.iota {dimensions = array<i32: 0>} : vector<8x64xi32>
    %eq3A_636 = vector.broadcast %get3A_634 : vector<1x64xi32> to vector<8x64xi32>
    %eq3A_637 = arith.cmpi eq, %iota3A_635, %eq3A_636 : vector<8x64xi32>
    %convert_element_type3A_638 = arith.extui %eq3A_637 : vector<8x64xi1> to vector<8x64xi32>
    %convert_element_type3A_639 = arith.sitofp %convert_element_type3A_638 : vector<8x64xi32> to vector<8x64xf32>
    %get3A_640 = arith.constant 0 : index
    %get3A_641 = arith.constant 0 : index
    %get3A_642 = vector.load %arg4[%get3A_640, %get3A_641] : memref<8x64xf32, #tpu.memory_space<vmem>>, vector<8x64xf32>
    %dot_general3A_643 = arith.constant dense<0.000000e+00> : vector<64x64xf32>
    %dot_general3A_644 = tpu.matmul %convert_element_type3A_639, %get3A_642, %dot_general3A_643 {dimension_numbers = #tpu.dot_dimension_numbers<[0], [0], [1], [1], [0, 1, 1, 1], [], []>, transpose_lhs_hint = false} : vector<8x64xf32>, vector<8x64xf32>, vector<64x64xf32> -> vector<64x64xf32>
    %get3A_645 = arith.constant 25 : index
    %get3A_646 = arith.constant 0 : index
    %get3A_647 = vector.load %arg1[%get3A_645, %get3A_646] : memref<32x64xi32, #tpu.memory_space<vmem>>, vector<1x64xi32>
    %iota3A_648 = tpu.iota {dimensions = array<i32: 0>} : vector<128x64xi32>
    %eq3A_649 = vector.broadcast %get3A_647 : vector<1x64xi32> to vector<128x64xi32>
    %eq3A_650 = arith.cmpi eq, %iota3A_648, %eq3A_649 : vector<128x64xi32>
    %convert_element_type3A_651 = arith.extui %eq3A_650 : vector<128x64xi1> to vector<128x64xi32>
    %convert_element_type3A_652 = arith.sitofp %convert_element_type3A_651 : vector<128x64xi32> to vector<128x64xf32>
    %get3A_653 = arith.constant 0 : index
    %get3A_654 = arith.constant 0 : index
    %get3A_655 = vector.load %arg3[%get3A_653, %get3A_654] : memref<128x64xf32, #tpu.memory_space<vmem>>, vector<128x64xf32>
    %dot_general3A_656 = arith.constant dense<0.000000e+00> : vector<64x64xf32>
    %dot_general3A_657 = tpu.matmul %convert_element_type3A_652, %get3A_655, %dot_general3A_656 {dimension_numbers = #tpu.dot_dimension_numbers<[0], [0], [1], [1], [0, 1, 1, 1], [], []>, transpose_lhs_hint = false} : vector<128x64xf32>, vector<128x64xf32>, vector<64x64xf32> -> vector<64x64xf32>
    %get3A_658 = arith.constant 25 : index
    %get3A_659 = arith.constant 0 : index
    %get3A_660 = vector.load %arg2[%get3A_658, %get3A_659] : memref<32x64xi32, #tpu.memory_space<vmem>>, vector<1x64xi32>
    %iota3A_661 = tpu.iota {dimensions = array<i32: 0>} : vector<8x64xi32>
    %eq3A_662 = vector.broadcast %get3A_660 : vector<1x64xi32> to vector<8x64xi32>
    %eq3A_663 = arith.cmpi eq, %iota3A_661, %eq3A_662 : vector<8x64xi32>
    %convert_element_type3A_664 = arith.extui %eq3A_663 : vector<8x64xi1> to vector<8x64xi32>
    %convert_element_type3A_665 = arith.sitofp %convert_element_type3A_664 : vector<8x64xi32> to vector<8x64xf32>
    %get3A_666 = arith.constant 0 : index
    %get3A_667 = arith.constant 0 : index
    %get3A_668 = vector.load %arg4[%get3A_666, %get3A_667] : memref<8x64xf32, #tpu.memory_space<vmem>>, vector<8x64xf32>
    %dot_general3A_669 = arith.constant dense<0.000000e+00> : vector<64x64xf32>
    %dot_general3A_670 = tpu.matmul %convert_element_type3A_665, %get3A_668, %dot_general3A_669 {dimension_numbers = #tpu.dot_dimension_numbers<[0], [0], [1], [1], [0, 1, 1, 1], [], []>, transpose_lhs_hint = false} : vector<8x64xf32>, vector<8x64xf32>, vector<64x64xf32> -> vector<64x64xf32>
    %get3A_671 = arith.constant 26 : index
    %get3A_672 = arith.constant 0 : index
    %get3A_673 = vector.load %arg1[%get3A_671, %get3A_672] : memref<32x64xi32, #tpu.memory_space<vmem>>, vector<1x64xi32>
    %iota3A_674 = tpu.iota {dimensions = array<i32: 0>} : vector<128x64xi32>
    %eq3A_675 = vector.broadcast %get3A_673 : vector<1x64xi32> to vector<128x64xi32>
    %eq3A_676 = arith.cmpi eq, %iota3A_674, %eq3A_675 : vector<128x64xi32>
    %convert_element_type3A_677 = arith.extui %eq3A_676 : vector<128x64xi1> to vector<128x64xi32>
    %convert_element_type3A_678 = arith.sitofp %convert_element_type3A_677 : vector<128x64xi32> to vector<128x64xf32>
    %get3A_679 = arith.constant 0 : index
    %get3A_680 = arith.constant 0 : index
    %get3A_681 = vector.load %arg3[%get3A_679, %get3A_680] : memref<128x64xf32, #tpu.memory_space<vmem>>, vector<128x64xf32>
    %dot_general3A_682 = arith.constant dense<0.000000e+00> : vector<64x64xf32>
    %dot_general3A_683 = tpu.matmul %convert_element_type3A_678, %get3A_681, %dot_general3A_682 {dimension_numbers = #tpu.dot_dimension_numbers<[0], [0], [1], [1], [0, 1, 1, 1], [], []>, transpose_lhs_hint = false} : vector<128x64xf32>, vector<128x64xf32>, vector<64x64xf32> -> vector<64x64xf32>
    %get3A_684 = arith.constant 26 : index
    %get3A_685 = arith.constant 0 : index
    %get3A_686 = vector.load %arg2[%get3A_684, %get3A_685] : memref<32x64xi32, #tpu.memory_space<vmem>>, vector<1x64xi32>
    %iota3A_687 = tpu.iota {dimensions = array<i32: 0>} : vector<8x64xi32>
    %eq3A_688 = vector.broadcast %get3A_686 : vector<1x64xi32> to vector<8x64xi32>
    %eq3A_689 = arith.cmpi eq, %iota3A_687, %eq3A_688 : vector<8x64xi32>
    %convert_element_type3A_690 = arith.extui %eq3A_689 : vector<8x64xi1> to vector<8x64xi32>
    %convert_element_type3A_691 = arith.sitofp %convert_element_type3A_690 : vector<8x64xi32> to vector<8x64xf32>
    %get3A_692 = arith.constant 0 : index
    %get3A_693 = arith.constant 0 : index
    %get3A_694 = vector.load %arg4[%get3A_692, %get3A_693] : memref<8x64xf32, #tpu.memory_space<vmem>>, vector<8x64xf32>
    %dot_general3A_695 = arith.constant dense<0.000000e+00> : vector<64x64xf32>
    %dot_general3A_696 = tpu.matmul %convert_element_type3A_691, %get3A_694, %dot_general3A_695 {dimension_numbers = #tpu.dot_dimension_numbers<[0], [0], [1], [1], [0, 1, 1, 1], [], []>, transpose_lhs_hint = false} : vector<8x64xf32>, vector<8x64xf32>, vector<64x64xf32> -> vector<64x64xf32>
    %get3A_697 = arith.constant 27 : index
    %get3A_698 = arith.constant 0 : index
    %get3A_699 = vector.load %arg1[%get3A_697, %get3A_698] : memref<32x64xi32, #tpu.memory_space<vmem>>, vector<1x64xi32>
    %iota3A_700 = tpu.iota {dimensions = array<i32: 0>} : vector<128x64xi32>
    %eq3A_701 = vector.broadcast %get3A_699 : vector<1x64xi32> to vector<128x64xi32>
    %eq3A_702 = arith.cmpi eq, %iota3A_700, %eq3A_701 : vector<128x64xi32>
    %convert_element_type3A_703 = arith.extui %eq3A_702 : vector<128x64xi1> to vector<128x64xi32>
    %convert_element_type3A_704 = arith.sitofp %convert_element_type3A_703 : vector<128x64xi32> to vector<128x64xf32>
    %get3A_705 = arith.constant 0 : index
    %get3A_706 = arith.constant 0 : index
    %get3A_707 = vector.load %arg3[%get3A_705, %get3A_706] : memref<128x64xf32, #tpu.memory_space<vmem>>, vector<128x64xf32>
    %dot_general3A_708 = arith.constant dense<0.000000e+00> : vector<64x64xf32>
    %dot_general3A_709 = tpu.matmul %convert_element_type3A_704, %get3A_707, %dot_general3A_708 {dimension_numbers = #tpu.dot_dimension_numbers<[0], [0], [1], [1], [0, 1, 1, 1], [], []>, transpose_lhs_hint = false} : vector<128x64xf32>, vector<128x64xf32>, vector<64x64xf32> -> vector<64x64xf32>
    %get3A_710 = arith.constant 27 : index
    %get3A_711 = arith.constant 0 : index
    %get3A_712 = vector.load %arg2[%get3A_710, %get3A_711] : memref<32x64xi32, #tpu.memory_space<vmem>>, vector<1x64xi32>
    %iota3A_713 = tpu.iota {dimensions = array<i32: 0>} : vector<8x64xi32>
    %eq3A_714 = vector.broadcast %get3A_712 : vector<1x64xi32> to vector<8x64xi32>
    %eq3A_715 = arith.cmpi eq, %iota3A_713, %eq3A_714 : vector<8x64xi32>
    %convert_element_type3A_716 = arith.extui %eq3A_715 : vector<8x64xi1> to vector<8x64xi32>
    %convert_element_type3A_717 = arith.sitofp %convert_element_type3A_716 : vector<8x64xi32> to vector<8x64xf32>
    %get3A_718 = arith.constant 0 : index
    %get3A_719 = arith.constant 0 : index
    %get3A_720 = vector.load %arg4[%get3A_718, %get3A_719] : memref<8x64xf32, #tpu.memory_space<vmem>>, vector<8x64xf32>
    %dot_general3A_721 = arith.constant dense<0.000000e+00> : vector<64x64xf32>
    %dot_general3A_722 = tpu.matmul %convert_element_type3A_717, %get3A_720, %dot_general3A_721 {dimension_numbers = #tpu.dot_dimension_numbers<[0], [0], [1], [1], [0, 1, 1, 1], [], []>, transpose_lhs_hint = false} : vector<8x64xf32>, vector<8x64xf32>, vector<64x64xf32> -> vector<64x64xf32>
    %get3A_723 = arith.constant 28 : index
    %get3A_724 = arith.constant 0 : index
    %get3A_725 = vector.load %arg1[%get3A_723, %get3A_724] : memref<32x64xi32, #tpu.memory_space<vmem>>, vector<1x64xi32>
    %iota3A_726 = tpu.iota {dimensions = array<i32: 0>} : vector<128x64xi32>
    %eq3A_727 = vector.broadcast %get3A_725 : vector<1x64xi32> to vector<128x64xi32>
    %eq3A_728 = arith.cmpi eq, %iota3A_726, %eq3A_727 : vector<128x64xi32>
    %convert_element_type3A_729 = arith.extui %eq3A_728 : vector<128x64xi1> to vector<128x64xi32>
    %convert_element_type3A_730 = arith.sitofp %convert_element_type3A_729 : vector<128x64xi32> to vector<128x64xf32>
    %get3A_731 = arith.constant 0 : index
    %get3A_732 = arith.constant 0 : index
    %get3A_733 = vector.load %arg3[%get3A_731, %get3A_732] : memref<128x64xf32, #tpu.memory_space<vmem>>, vector<128x64xf32>
    %dot_general3A_734 = arith.constant dense<0.000000e+00> : vector<64x64xf32>
    %dot_general3A_735 = tpu.matmul %convert_element_type3A_730, %get3A_733, %dot_general3A_734 {dimension_numbers = #tpu.dot_dimension_numbers<[0], [0], [1], [1], [0, 1, 1, 1], [], []>, transpose_lhs_hint = false} : vector<128x64xf32>, vector<128x64xf32>, vector<64x64xf32> -> vector<64x64xf32>
    %get3A_736 = arith.constant 28 : index
    %get3A_737 = arith.constant 0 : index
    %get3A_738 = vector.load %arg2[%get3A_736, %get3A_737] : memref<32x64xi32, #tpu.memory_space<vmem>>, vector<1x64xi32>
    %iota3A_739 = tpu.iota {dimensions = array<i32: 0>} : vector<8x64xi32>
    %eq3A_740 = vector.broadcast %get3A_738 : vector<1x64xi32> to vector<8x64xi32>
    %eq3A_741 = arith.cmpi eq, %iota3A_739, %eq3A_740 : vector<8x64xi32>
    %convert_element_type3A_742 = arith.extui %eq3A_741 : vector<8x64xi1> to vector<8x64xi32>
    %convert_element_type3A_743 = arith.sitofp %convert_element_type3A_742 : vector<8x64xi32> to vector<8x64xf32>
    %get3A_744 = arith.constant 0 : index
    %get3A_745 = arith.constant 0 : index
    %get3A_746 = vector.load %arg4[%get3A_744, %get3A_745] : memref<8x64xf32, #tpu.memory_space<vmem>>, vector<8x64xf32>
    %dot_general3A_747 = arith.constant dense<0.000000e+00> : vector<64x64xf32>
    %dot_general3A_748 = tpu.matmul %convert_element_type3A_743, %get3A_746, %dot_general3A_747 {dimension_numbers = #tpu.dot_dimension_numbers<[0], [0], [1], [1], [0, 1, 1, 1], [], []>, transpose_lhs_hint = false} : vector<8x64xf32>, vector<8x64xf32>, vector<64x64xf32> -> vector<64x64xf32>
    %get3A_749 = arith.constant 29 : index
    %get3A_750 = arith.constant 0 : index
    %get3A_751 = vector.load %arg1[%get3A_749, %get3A_750] : memref<32x64xi32, #tpu.memory_space<vmem>>, vector<1x64xi32>
    %iota3A_752 = tpu.iota {dimensions = array<i32: 0>} : vector<128x64xi32>
    %eq3A_753 = vector.broadcast %get3A_751 : vector<1x64xi32> to vector<128x64xi32>
    %eq3A_754 = arith.cmpi eq, %iota3A_752, %eq3A_753 : vector<128x64xi32>
    %convert_element_type3A_755 = arith.extui %eq3A_754 : vector<128x64xi1> to vector<128x64xi32>
    %convert_element_type3A_756 = arith.sitofp %convert_element_type3A_755 : vector<128x64xi32> to vector<128x64xf32>
    %get3A_757 = arith.constant 0 : index
    %get3A_758 = arith.constant 0 : index
    %get3A_759 = vector.load %arg3[%get3A_757, %get3A_758] : memref<128x64xf32, #tpu.memory_space<vmem>>, vector<128x64xf32>
    %dot_general3A_760 = arith.constant dense<0.000000e+00> : vector<64x64xf32>
    %dot_general3A_761 = tpu.matmul %convert_element_type3A_756, %get3A_759, %dot_general3A_760 {dimension_numbers = #tpu.dot_dimension_numbers<[0], [0], [1], [1], [0, 1, 1, 1], [], []>, transpose_lhs_hint = false} : vector<128x64xf32>, vector<128x64xf32>, vector<64x64xf32> -> vector<64x64xf32>
    %get3A_762 = arith.constant 29 : index
    %get3A_763 = arith.constant 0 : index
    %get3A_764 = vector.load %arg2[%get3A_762, %get3A_763] : memref<32x64xi32, #tpu.memory_space<vmem>>, vector<1x64xi32>
    %iota3A_765 = tpu.iota {dimensions = array<i32: 0>} : vector<8x64xi32>
    %eq3A_766 = vector.broadcast %get3A_764 : vector<1x64xi32> to vector<8x64xi32>
    %eq3A_767 = arith.cmpi eq, %iota3A_765, %eq3A_766 : vector<8x64xi32>
    %convert_element_type3A_768 = arith.extui %eq3A_767 : vector<8x64xi1> to vector<8x64xi32>
    %convert_element_type3A_769 = arith.sitofp %convert_element_type3A_768 : vector<8x64xi32> to vector<8x64xf32>
    %get3A_770 = arith.constant 0 : index
    %get3A_771 = arith.constant 0 : index
    %get3A_772 = vector.load %arg4[%get3A_770, %get3A_771] : memref<8x64xf32, #tpu.memory_space<vmem>>, vector<8x64xf32>
    %dot_general3A_773 = arith.constant dense<0.000000e+00> : vector<64x64xf32>
    %dot_general3A_774 = tpu.matmul %convert_element_type3A_769, %get3A_772, %dot_general3A_773 {dimension_numbers = #tpu.dot_dimension_numbers<[0], [0], [1], [1], [0, 1, 1, 1], [], []>, transpose_lhs_hint = false} : vector<8x64xf32>, vector<8x64xf32>, vector<64x64xf32> -> vector<64x64xf32>
    %get3A_775 = arith.constant 30 : index
    %get3A_776 = arith.constant 0 : index
    %get3A_777 = vector.load %arg1[%get3A_775, %get3A_776] : memref<32x64xi32, #tpu.memory_space<vmem>>, vector<1x64xi32>
    %iota3A_778 = tpu.iota {dimensions = array<i32: 0>} : vector<128x64xi32>
    %eq3A_779 = vector.broadcast %get3A_777 : vector<1x64xi32> to vector<128x64xi32>
    %eq3A_780 = arith.cmpi eq, %iota3A_778, %eq3A_779 : vector<128x64xi32>
    %convert_element_type3A_781 = arith.extui %eq3A_780 : vector<128x64xi1> to vector<128x64xi32>
    %convert_element_type3A_782 = arith.sitofp %convert_element_type3A_781 : vector<128x64xi32> to vector<128x64xf32>
    %get3A_783 = arith.constant 0 : index
    %get3A_784 = arith.constant 0 : index
    %get3A_785 = vector.load %arg3[%get3A_783, %get3A_784] : memref<128x64xf32, #tpu.memory_space<vmem>>, vector<128x64xf32>
    %dot_general3A_786 = arith.constant dense<0.000000e+00> : vector<64x64xf32>
    %dot_general3A_787 = tpu.matmul %convert_element_type3A_782, %get3A_785, %dot_general3A_786 {dimension_numbers = #tpu.dot_dimension_numbers<[0], [0], [1], [1], [0, 1, 1, 1], [], []>, transpose_lhs_hint = false} : vector<128x64xf32>, vector<128x64xf32>, vector<64x64xf32> -> vector<64x64xf32>
    %get3A_788 = arith.constant 30 : index
    %get3A_789 = arith.constant 0 : index
    %get3A_790 = vector.load %arg2[%get3A_788, %get3A_789] : memref<32x64xi32, #tpu.memory_space<vmem>>, vector<1x64xi32>
    %iota3A_791 = tpu.iota {dimensions = array<i32: 0>} : vector<8x64xi32>
    %eq3A_792 = vector.broadcast %get3A_790 : vector<1x64xi32> to vector<8x64xi32>
    %eq3A_793 = arith.cmpi eq, %iota3A_791, %eq3A_792 : vector<8x64xi32>
    %convert_element_type3A_794 = arith.extui %eq3A_793 : vector<8x64xi1> to vector<8x64xi32>
    %convert_element_type3A_795 = arith.sitofp %convert_element_type3A_794 : vector<8x64xi32> to vector<8x64xf32>
    %get3A_796 = arith.constant 0 : index
    %get3A_797 = arith.constant 0 : index
    %get3A_798 = vector.load %arg4[%get3A_796, %get3A_797] : memref<8x64xf32, #tpu.memory_space<vmem>>, vector<8x64xf32>
    %dot_general3A_799 = arith.constant dense<0.000000e+00> : vector<64x64xf32>
    %dot_general3A_800 = tpu.matmul %convert_element_type3A_795, %get3A_798, %dot_general3A_799 {dimension_numbers = #tpu.dot_dimension_numbers<[0], [0], [1], [1], [0, 1, 1, 1], [], []>, transpose_lhs_hint = false} : vector<8x64xf32>, vector<8x64xf32>, vector<64x64xf32> -> vector<64x64xf32>
    %get3A_801 = arith.constant 31 : index
    %get3A_802 = arith.constant 0 : index
    %get3A_803 = vector.load %arg1[%get3A_801, %get3A_802] : memref<32x64xi32, #tpu.memory_space<vmem>>, vector<1x64xi32>
    %iota3A_804 = tpu.iota {dimensions = array<i32: 0>} : vector<128x64xi32>
    %eq3A_805 = vector.broadcast %get3A_803 : vector<1x64xi32> to vector<128x64xi32>
    %eq3A_806 = arith.cmpi eq, %iota3A_804, %eq3A_805 : vector<128x64xi32>
    %convert_element_type3A_807 = arith.extui %eq3A_806 : vector<128x64xi1> to vector<128x64xi32>
    %convert_element_type3A_808 = arith.sitofp %convert_element_type3A_807 : vector<128x64xi32> to vector<128x64xf32>
    %get3A_809 = arith.constant 0 : index
    %get3A_810 = arith.constant 0 : index
    %get3A_811 = vector.load %arg3[%get3A_809, %get3A_810] : memref<128x64xf32, #tpu.memory_space<vmem>>, vector<128x64xf32>
    %dot_general3A_812 = arith.constant dense<0.000000e+00> : vector<64x64xf32>
    %dot_general3A_813 = tpu.matmul %convert_element_type3A_808, %get3A_811, %dot_general3A_812 {dimension_numbers = #tpu.dot_dimension_numbers<[0], [0], [1], [1], [0, 1, 1, 1], [], []>, transpose_lhs_hint = false} : vector<128x64xf32>, vector<128x64xf32>, vector<64x64xf32> -> vector<64x64xf32>
    %get3A_814 = arith.constant 31 : index
    %get3A_815 = arith.constant 0 : index
    %get3A_816 = vector.load %arg2[%get3A_814, %get3A_815] : memref<32x64xi32, #tpu.memory_space<vmem>>, vector<1x64xi32>
    %iota3A_817 = tpu.iota {dimensions = array<i32: 0>} : vector<8x64xi32>
    %eq3A_818 = vector.broadcast %get3A_816 : vector<1x64xi32> to vector<8x64xi32>
    %eq3A_819 = arith.cmpi eq, %iota3A_817, %eq3A_818 : vector<8x64xi32>
    %convert_element_type3A_820 = arith.extui %eq3A_819 : vector<8x64xi1> to vector<8x64xi32>
    %convert_element_type3A_821 = arith.sitofp %convert_element_type3A_820 : vector<8x64xi32> to vector<8x64xf32>
    %get3A_822 = arith.constant 0 : index
    %get3A_823 = arith.constant 0 : index
    %get3A_824 = vector.load %arg4[%get3A_822, %get3A_823] : memref<8x64xf32, #tpu.memory_space<vmem>>, vector<8x64xf32>
    %dot_general3A_825 = arith.constant dense<0.000000e+00> : vector<64x64xf32>
    %dot_general3A_826 = tpu.matmul %convert_element_type3A_821, %get3A_824, %dot_general3A_825 {dimension_numbers = #tpu.dot_dimension_numbers<[0], [0], [1], [1], [0, 1, 1, 1], [], []>, transpose_lhs_hint = false} : vector<8x64xf32>, vector<8x64xf32>, vector<64x64xf32> -> vector<64x64xf32>
    %concatenate3A = tpu.concatenate %dot_general3A_7, %dot_general3A_33, %dot_general3A_59, %dot_general3A_85, %dot_general3A_111, %dot_general3A_137, %dot_general3A_163, %dot_general3A_189, %dot_general3A_215, %dot_general3A_241, %dot_general3A_267, %dot_general3A_293, %dot_general3A_319, %dot_general3A_345, %dot_general3A_371, %dot_general3A_397, %dot_general3A_423, %dot_general3A_449, %dot_general3A_475, %dot_general3A_501, %dot_general3A_527, %dot_general3A_553, %dot_general3A_579, %dot_general3A_605, %dot_general3A_631, %dot_general3A_657, %dot_general3A_683, %dot_general3A_709, %dot_general3A_735, %dot_general3A_761, %dot_general3A_787, %dot_general3A_813 in 0 : vector<64x64xf32>, vector<64x64xf32>, vector<64x64xf32>, vector<64x64xf32>, vector<64x64xf32>, vector<64x64xf32>, vector<64x64xf32>, vector<64x64xf32>, vector<64x64xf32>, vector<64x64xf32>, vector<64x64xf32>, vector<64x64xf32>, vector<64x64xf32>, vector<64x64xf32>, vector<64x64xf32>, vector<64x64xf32>, vector<64x64xf32>, vector<64x64xf32>, vector<64x64xf32>, vector<64x64xf32>, vector<64x64xf32>, vector<64x64xf32>, vector<64x64xf32>, vector<64x64xf32>, vector<64x64xf32>, vector<64x64xf32>, vector<64x64xf32>, vector<64x64xf32>, vector<64x64xf32>, vector<64x64xf32>, vector<64x64xf32>, vector<64x64xf32> -> vector<2048x64xf32>
    %concatenate3A_827 = tpu.concatenate %dot_general3A_20, %dot_general3A_46, %dot_general3A_72, %dot_general3A_98, %dot_general3A_124, %dot_general3A_150, %dot_general3A_176, %dot_general3A_202, %dot_general3A_228, %dot_general3A_254, %dot_general3A_280, %dot_general3A_306, %dot_general3A_332, %dot_general3A_358, %dot_general3A_384, %dot_general3A_410, %dot_general3A_436, %dot_general3A_462, %dot_general3A_488, %dot_general3A_514, %dot_general3A_540, %dot_general3A_566, %dot_general3A_592, %dot_general3A_618, %dot_general3A_644, %dot_general3A_670, %dot_general3A_696, %dot_general3A_722, %dot_general3A_748, %dot_general3A_774, %dot_general3A_800, %dot_general3A_826 in 0 : vector<64x64xf32>, vector<64x64xf32>, vector<64x64xf32>, vector<64x64xf32>, vector<64x64xf32>, vector<64x64xf32>, vector<64x64xf32>, vector<64x64xf32>, vector<64x64xf32>, vector<64x64xf32>, vector<64x64xf32>, vector<64x64xf32>, vector<64x64xf32>, vector<64x64xf32>, vector<64x64xf32>, vector<64x64xf32>, vector<64x64xf32>, vector<64x64xf32>, vector<64x64xf32>, vector<64x64xf32>, vector<64x64xf32>, vector<64x64xf32>, vector<64x64xf32>, vector<64x64xf32>, vector<64x64xf32>, vector<64x64xf32>, vector<64x64xf32>, vector<64x64xf32>, vector<64x64xf32>, vector<64x64xf32>, vector<64x64xf32>, vector<64x64xf32> -> vector<2048x64xf32>
    %get3A_828 = arith.constant 0 : index
    %get3A_829 = arith.constant 0 : index
    %get3A_830 = vector.load %arg5[%get3A_828, %get3A_829] : memref<64x256xf32, #tpu.memory_space<vmem>>, vector<64x256xf32>
    %dot_general3A_831 = arith.constant dense<0.000000e+00> : vector<2048x256xf32>
    %dot_general3A_832 = tpu.matmul %concatenate3A, %get3A_830, %dot_general3A_831 {dimension_numbers = #tpu.dot_dimension_numbers<[1], [0], [0], [1], [0, 0, 1, 1], [], []>, transpose_lhs_hint = false} : vector<2048x64xf32>, vector<64x256xf32>, vector<2048x256xf32> -> vector<2048x256xf32>
    %get3A_833 = arith.constant 0 : index
    %get3A_834 = arith.constant 0 : index
    %get3A_835 = vector.load %arg6[%get3A_833, %get3A_834] : memref<64x256xf32, #tpu.memory_space<vmem>>, vector<64x256xf32>
    %dot_general3A_836 = arith.constant dense<0.000000e+00> : vector<2048x256xf32>
    %dot_general3A_837 = tpu.matmul %concatenate3A_827, %get3A_835, %dot_general3A_836 {dimension_numbers = #tpu.dot_dimension_numbers<[1], [0], [0], [1], [0, 0, 1, 1], [], []>, transpose_lhs_hint = false} : vector<2048x64xf32>, vector<64x256xf32>, vector<2048x256xf32> -> vector<2048x256xf32>
    %add3A = arith.addf %dot_general3A_832, %dot_general3A_837 : vector<2048x256xf32>
    %get3A_838 = arith.constant 0 : index
    %get3A_839 = arith.constant 0 : index
    %get3A_840 = vector.load %arg7[%get3A_838, %get3A_839] : memref<1x256xf32, #tpu.memory_space<vmem>>, vector<1x256xf32>
    %add3A_841 = vector.broadcast %get3A_840 : vector<1x256xf32> to vector<2048x256xf32>
    %add3A_842 = arith.addf %add3A, %add3A_841 : vector<2048x256xf32>
    %logistic3A = arith.negf %add3A_842 : vector<2048x256xf32>
    %logistic3A_843 = math.exp %logistic3A : vector<2048x256xf32>
    %logistic3A_844 = arith.constant 1.000000e+00 : f32
    %logistic3A_845 = vector.broadcast %logistic3A_844 : f32 to vector<2048x256xf32>
    %logistic3A_846 = arith.addf %logistic3A_845, %logistic3A_843 : vector<2048x256xf32>
    %logistic3A_847 = arith.divf %logistic3A_845, %logistic3A_846 : vector<2048x256xf32>
    %mul3A = arith.mulf %add3A_842, %logistic3A_847 : vector<2048x256xf32>
    %get3A_848 = arith.constant 0 : index
    %get3A_849 = arith.constant 0 : index
    %get3A_850 = vector.load %arg8[%get3A_848, %get3A_849] : memref<256x256xf32, #tpu.memory_space<vmem>>, vector<256x256xf32>
    %dot_general3A_851 = arith.constant dense<0.000000e+00> : vector<2048x256xf32>
    %dot_general3A_852 = tpu.matmul %mul3A, %get3A_850, %dot_general3A_851 {dimension_numbers = #tpu.dot_dimension_numbers<[1], [0], [0], [1], [0, 0, 1, 1], [], []>, transpose_lhs_hint = false} : vector<2048x256xf32>, vector<256x256xf32>, vector<2048x256xf32> -> vector<2048x256xf32>
    %get3A_853 = arith.constant 0 : index
    %get3A_854 = arith.constant 0 : index
    %get3A_855 = vector.load %arg9[%get3A_853, %get3A_854] : memref<1x256xf32, #tpu.memory_space<vmem>>, vector<1x256xf32>
    %add3A_856 = vector.broadcast %get3A_855 : vector<1x256xf32> to vector<2048x256xf32>
    %add3A_857 = arith.addf %dot_general3A_852, %add3A_856 : vector<2048x256xf32>
    %reshape3A = vector.shape_cast %add3A_857 : vector<2048x256xf32> to vector<32x64x256xf32>
    %swap3A = arith.constant 0 : index
    %swap3A_858 = arith.constant 0 : index
    %swap3A_859 = arith.constant 0 : index
    %swap3A_860 = vector.load %arg10[%swap3A, %swap3A_858, %swap3A_859] : memref<32x64x256xf32, #tpu.memory_space<vmem>>, vector<32x64x256xf32>
    tpu.vector_store %arg10[%swap3A, %swap3A_858, %swap3A_859], %reshape3A {strides = array<i32>} : memref<32x64x256xf32, #tpu.memory_space<vmem>>, vector<32x64x256xf32>,
    return
  }
  func.func @transform_0(%arg0: i32) -> (i32, i32) {
    %c0_i32 = arith.constant 0 : i32
    %c0_i32_0 = arith.constant 0 : i32
    return %arg0, %c0_i32 : i32, i32
  }
  func.func @transform_1(%arg0: i32) -> (i32, i32) {
    %c0_i32 = arith.constant 0 : i32
    %c0_i32_0 = arith.constant 0 : i32
    return %arg0, %c0_i32 : i32, i32
  }
  func.func @transform_2(%arg0: i32) -> (i32, i32) {
    %c0_i32 = arith.constant 0 : i32
    %c0_i32_0 = arith.constant 0 : i32
    %c0_i32_1 = arith.constant 0 : i32
    return %c0_i32, %c0_i32_0 : i32, i32
  }
  func.func @transform_3(%arg0: i32) -> (i32, i32) {
    %c0_i32 = arith.constant 0 : i32
    %c0_i32_0 = arith.constant 0 : i32
    %c0_i32_1 = arith.constant 0 : i32
    return %c0_i32, %c0_i32_0 : i32, i32
  }
  func.func @transform_4(%arg0: i32) -> (i32, i32) {
    %c0_i32 = arith.constant 0 : i32
    %c0_i32_0 = arith.constant 0 : i32
    %c0_i32_1 = arith.constant 0 : i32
    return %c0_i32, %c0_i32_0 : i32, i32
  }
  func.func @transform_5(%arg0: i32) -> (i32, i32) {
    %c0_i32 = arith.constant 0 : i32
    %c0_i32_0 = arith.constant 0 : i32
    %c0_i32_1 = arith.constant 0 : i32
    return %c0_i32, %c0_i32_0 : i32, i32
  }
  func.func @transform_6(%arg0: i32) -> (i32, i32) {
    %c0_i32 = arith.constant 0 : i32
    %c0_i32_0 = arith.constant 0 : i32
    %c0_i32_1 = arith.constant 0 : i32
    return %c0_i32, %c0_i32_0 : i32, i32
  }
  func.func @transform_7(%arg0: i32) -> (i32, i32) {
    %c0_i32 = arith.constant 0 : i32
    %c0_i32_0 = arith.constant 0 : i32
    %c0_i32_1 = arith.constant 0 : i32
    return %c0_i32, %c0_i32_0 : i32, i32
  }
  func.func @transform_8(%arg0: i32) -> (i32, i32) {
    %c0_i32 = arith.constant 0 : i32
    %c0_i32_0 = arith.constant 0 : i32
    %c0_i32_1 = arith.constant 0 : i32
    return %c0_i32, %c0_i32_0 : i32, i32
  }
  func.func @transform_9(%arg0: i32) -> (i32, i32, i32) {
    %c0_i32 = arith.constant 0 : i32
    %c0_i32_0 = arith.constant 0 : i32
    %c0_i32_1 = arith.constant 0 : i32
    return %arg0, %c0_i32, %c0_i32_0 : i32, i32, i32
  }
}

</mosaic_0001>

<sc_bundles>
// kernel: kernel.4.cloned.1.call-start
scs
__scs_entry_jumppad:
0x0: {  	(pc) =	sbr.rel $0x88, $3  }
0x1: {  	(tag) =	ssettag $0x0;
	lr =	simm.s32 $0x1  }
0x2: {  	[smem:$0x3F97] =	sst lr;
	_ =	strace $0xD0000000  }
0x3: {  	_ = 	snop  }
0x4: {  	_ = 	snop  }
0x5: {  	_ = 	snop  }
0x6: {  	_ = 	snop  }
0x7: {  	_ = 	snop  }
__scs_overlays_trampoline_lowered:
0x8: {  	[smem:$0x3FA6] =	sst s0  }
0x9: {  	[smem:$0x3FA7] =	sst s1  }
0xa: {  	[smem:$0x3FA8] =	sst s2  }
0xb: {  	[smem:$0x3FA9] =	sst s3  }
0xc: {  	[smem:$0x3FAA] =	sst s4  }
0xd: {  	[smem:$0x3FAB] =	sst s5  }
0xe: {  	[smem:$0x3FAC] =	sst s6  }
0xf: {  	[smem:$0x3FAD] =	sst s7  }
0x10: {  	[smem:$0x3FAE] =	sst s8  }
0x11: {  	[smem:$0x3FAF] =	sst s9;
	s0 =	simm.s32 @!p0 $0x0  }
0x12: {  	s1 =	sld [smem:$0x3F95];
	s0 =	simm.s32 @p0 $0x1  }
0x13: {  	[smem:$0x3FB0] =	sst s0;
	s0 =	simm.s32 @!p1 $0x0  }
0x14: {  	s2 =	sld [smem:$0x3F94];
	s0 =	simm.s32 @p1 $0x1  }
0x15: {  	[smem:$0x3FB1] =	sst s0;
	s0 =	simm.s32 @!p2 $0x0  }
0x16: {  	s3 =	sld [smem:$0x3FDB];
	s0 =	simm.s32 @p2 $0x1  }
0x17: {  	s4 =	simm.s32 $0x1BF5;
	[smem:$0x3FB3] =	sst s0  }
0x18: {  	s0 =	sld [smem:$0x3F96];
	_ =	swait.ge [sflag:s4], $0x0  }
0x19: {  	s7 =	sld [smem:$0x3F97]  }
0x1a: {  	s8 =	sadd.s32 $0xFFFFE003, lr  }
0x1b: {  	s9 =	sadd.s32 $0xFFFFFEF7, lr;
	s5 =	simm.s32 $0xFFFFFFFF;
	p2 =	slt.u32 s8, $0xFFFFF086  }
0x1c: {  	p1 =	slt.u32 s9, $0xF7A;
	s5 =	simm.s32 @!p2 $0x0  }
0x1d: {  	s5 =	simm.s32 @p1 $0x1;
	p0 =	seq.s32 s7, s2  }
0x1e: {  	s7 =	smul.u32 @!p0 $0xF7A, s2;
	p2 =	seq.s32 @!p0 s5, $0x0  }
0x1f: {  	s9 =	smul.u32 $0xF7A, s1;
	s8 =	simm.s32 @!p0 $0x1BF5;
	p2 =	por !p2, p0  }
0x20: {  	[sflag:s8] =	ssyncset.s32 @!p0 $0xFFFFF086;
	s6 =	sadd.s32 @!p0 s3, s7;
	s7 =	simm.s32 @!p0 $0x108  }
0x21: {  	s3 =	sadd.s32 s3, s9;
	s6 =	sadd.s32 @!p0 $0x88, s6;
	s7 =	simm.s32 @p2 $0x1082  }
0x22: {  	[simem:s7], [sflag:s8] =	dma.local @!p0 [hbm:s6], $0xF7A  }
0x23: {  	s9 =	sor.u32 $0xD0000000, s2;
	s6 =	simm.s32 $0x108;
	_ =	swait.ge @!p0 [sflag:s8], $0x0  }
0x24: {  	s3 =	sadd.s32 $0x88, s3;
	s6 =	simm.s32 @!p1 $0x1082;
	[sflag:s4] =	ssyncset.s32 $0xFFFFF086  }
0x25: {  	[simem:s6], [sflag:s4] =	dma.local [hbm:s3], $0xF7A  }
0x26: {  	[smem:$0x3F97] =	sst s1;
	(tag) =	ssettag s2;
	_ =	strace s9  }
0x27: {  	s1 =	sld [smem:$0x3FA7]  }
0x28: {  	s2 =	sld [smem:$0x3FA8]  }
0x29: {  	s4 =	sld [smem:$0x3FAA]  }
0x2a: {  	p0 =	seq.s32 s5, $0x0;
	s5 =	sld [smem:$0x3FAB]  }
0x2b: {  	s6 =	sld [smem:$0x3FAC]  }
0x2c: {  	s7 =	sld [smem:$0x3FAD]  }
0x2d: {  	s3 =	simm.s32 $0x108;
	s8 =	sld [smem:$0x3FAE]  }
0x2e: {  	s3 =	simm.s32 @!p0 $0x1082;
	s9 =	sld [smem:$0x3FAF]  }
0x2f: {  	lr =	sadd.s32 s0, s3;
	s0 =	sld [smem:$0x3FA6]  }
0x30: {  	s3 =	sld [smem:$0x3FA9]  }
0x31: {  	[smem:$0x3FB2] =	sst s10  }
0x32: {  	s10 =	sld [smem:$0x3FB0];
	_ =	sdelay $0x3  }
0x33: {  	p0 =	seq.s32 s10, $0x1;
	s10 =	sld [smem:$0x3FB2];
	_ =	sdelay $0x3  }
0x34: {  	[smem:$0x3FB2] =	sst s10  }
0x35: {  	s10 =	sld [smem:$0x3FB1];
	_ =	sdelay $0x3  }
0x36: {  	p1 =	seq.s32 s10, $0x1;
	s10 =	sld [smem:$0x3FB2];
	_ =	sdelay $0x3  }
0x37: {  	[smem:$0x3FB2] =	sst s10  }
0x38: {  	s10 =	sld [smem:$0x3FB3]  }
0x39: {  	_ = 	snop;
	(pc) =	sbr.ind lr, $3  }
0x3a: {  	_ = 	snop  }
0x3b: {  	_ = 	snop  }
0x3c: {  	p2 =	seq.s32 s10, $0x1;
	s10 =	sld [smem:$0x3FB2]  }
0x3d: {  	_ =	shalt  }
0x3e: {  	_ =	shalt  }
0x3f: {  	_ =	shalt  }
0x40: {  	_ =	shalt  }
0x41: {  	_ =	shalt  }
0x42: {  	_ =	shalt  }
0x43: {  	_ =	shalt  }
0x44: {  	_ =	shalt  }
0x45: {  	_ =	shalt  }
0x46: {  	_ =	shalt  }
0x47: {  	_ =	shalt  }
0x48: {  	_ =	shalt  }
0x49: {  	_ =	shalt  }
0x4a: {  	_ =	shalt  }
0x4b: {  	_ =	shalt  }
0x4c: {  	_ =	shalt  }
0x4d: {  	_ =	shalt  }
0x4e: {  	_ =	shalt  }
0x4f: {  	_ =	shalt  }
0x50: {  	_ =	shalt  }
0x51: {  	_ =	shalt  }
0x52: {  	_ =	shalt  }
0x53: {  	_ =	shalt  }
0x54: {  	_ =	shalt  }
0x55: {  	_ =	shalt  }
0x56: {  	_ =	shalt  }
0x57: {  	_ =	shalt  }
0x58: {  	_ =	shalt  }
0x59: {  	_ =	shalt  }
0x5a: {  	_ =	shalt  }
0x5b: {  	_ =	shalt  }
0x5c: {  	_ =	shalt  }
0x5d: {  	_ =	shalt  }
0x5e: {  	_ =	shalt  }
0x5f: {  	_ =	shalt  }
0x60: {  	_ =	shalt  }
0x61: {  	_ =	shalt  }
0x62: {  	_ =	shalt  }
0x63: {  	_ =	shalt  }
0x64: {  	_ =	shalt  }
0x65: {  	_ =	shalt  }
0x66: {  	_ =	shalt  }
0x67: {  	_ =	shalt  }
0x68: {  	_ =	shalt  }
0x69: {  	_ =	shalt  }
0x6a: {  	_ =	shalt  }
0x6b: {  	_ =	shalt  }
0x6c: {  	_ =	shalt  }
0x6d: {  	_ =	shalt  }
0x6e: {  	_ =	shalt  }
0x6f: {  	_ =	shalt  }
0x70: {  	_ =	shalt  }
0x71: {  	_ =	shalt  }
0x72: {  	_ =	shalt  }
0x73: {  	_ =	shalt  }
0x74: {  	_ =	shalt  }
0x75: {  	_ =	shalt  }
0x76: {  	_ =	shalt  }
0x77: {  	_ =	shalt  }
0x78: {  	_ =	shalt  }
0x79: {  	_ =	shalt  }
0x7a: {  	_ =	shalt  }
0x7b: {  	_ =	shalt  }
0x7c: {  	_ =	shalt  }
0x7d: {  	_ =	shalt  }
0x7e: {  	_ =	shalt  }
0x7f: {  	_ =	shalt  }
0x80: {  	_ =	shalt  }
0x81: {  	_ =	shalt  }
0x82: {  	_ =	shalt  }
0x83: {  	_ =	shalt  }
0x84: {  	_ =	shalt  }
0x85: {  	_ =	shalt  }
0x86: {  	_ =	shalt  }
0x87: {  	_ =	shalt  }
.Lfunc_end0:
.L_simem_size_0:
called_computation_lowered:
.L_overlay_start_0:
0x88: {  	s2 =	sld [smem:$0x3FD9]  }
0x89: {  	s3 =	sld [smem:$0x3FFE];
	_ =	sdelay $0x1  }
0x8a: {  	s1 =	srdreg.scid  }
0x8b: {  	s0 =	sand.u32 $0x1, s1  }
0x8c: {  	s14 =	sshll.u32 s0, $0xA;
	s2 =	sadd.s32 s3, s2  }
0x8d: {  	s2 =	sadd.s32 s2, s14  }
0x8e: {  	[smem:$0x3FBE] =	sst s2  }
0x8f: {  	_ = 	snop  }
0x90: {  	s2 =	sld [smem:$0x3FD0];
	_ =	sdelay $0x2  }
0x91: {  	s15 =	simm.s32 $0xA;
	s4 =	simm.s32 $0x10  }
0x92: {  	[smem:s4], [sflag:s15] =	dma.local [hbm:s2], $0x1  }
0x93: {  	_ =	swait.eq [sflag:s15], $0x1  }
0x94: {  	[sflag:s15] =	ssyncset.done $0x0  }
0x95: {  	[sflag:s15] =	ssyncadd.s32 $0xFFFFFFFF  }
0x96: {  	s16 =	sld [smem:$0x11];
	(tm) =	ssettm $0x1  }
0x97: {  	s17 =	sld [smem:$0x3FFB];
	_ =	sdelay $0x3  }
0x98: {  	_ =	strace s17  }
0x99: {  	s3 =	sld [smem:$0x3FFC];
	_ =	sdelay $0x3  }
0x9a: {  	_ =	strace s3  }
0x9b: {  	s3 =	sld [smem:$0x3FFD];
	_ =	sdelay $0x3  }
0x9c: {  	_ =	strace s3  }
0x9d: {  	_ =	strace $0x8FFFFFFF  }
0x9e: {  	s18 =	sld [smem:$0x3FDB];
	_ =	sdelay $0x1  }
0x9f: {  	s19 =	simm.s32 $_scs_section_size  }
0xa0: {  	s5 =	simm.s32 $_size__tile_overlayer_lowered;
	s6 =	simm.s32 $_tile_overlayer_lowered  }
0xa1: {  	s22 =	simm.s32 $0x1BFF;
	s21 =	sshll.u32 s6, $0x1;
	s3 =	sadd.s32 s19, s18  }
0xa2: {  	s7 =	simm.s32 $0x0;
	s20 =	sshll.u32 s5, $0x1;
	s5 =	sadd.s32 s21, s3  }
0xa3: {  	[timem:s7], [sflag:s22] =	dma.local [hbm:s5], s20  }
0xa4: {  	_ =	swait.ge [sflag:s22], s20  }
0xa5: {  	s4 =	ssub.s32 $0x0, s20;
	[sflag:s22] =	ssyncset.done $0x0  }
0xa6: {  	[sflag:s22] =	ssyncadd.s32 s4;
	_ =	sdelay $0x1  }
0xa7: {  	s23 =	simm.s32 $0x1B8B  }
0xa8: {  	_ =	swait.ge [sflag:s23], $0x1  }
0xa9: {  	[sflag:s23] =	ssyncset.done $0x0  }
0xaa: {  	s25 =	simm.s32 $0x1B8E;
	s24 =	sld [smem:$0x3FFE];
	[sflag:s23] =	ssyncadd.s32 $0xFFFFFFFF  }
0xab: {  	s26 =	simm.s32 $execute0_lowered;
	[smem:$0x3FD2] =	sst s25  }
0xac: {  	s5 =	sshll.u32 s26, $0x1;
	_ =	strace $0x80000046;
	[dreg:$0x1] =	wrdreg $0xFFFFFFFF  }
0xad: {  	s28 =	simm.s32 $_size_execute0_lowered;
	s3 =	sadd.s32 s3, s5;
	[dreg:$0x0] =	wrdreg $0x0  }
0xae: {  	s5 =	sshll.u32 s28, $0x1;
	[dreg:$0x2] =	wrdreg s3  }
0xaf: {  	[dreg:$0x3] =	wrdreg s5  }
0xb0: {  	[dreg:$0x4] =	wrdreg $0xC0  }
0xb1: {  	_ =	task [dreg:s7], $0x5FFFF  }
0xb2: {  	[dreg:$0x1] =	wrdreg $0xFFFFFFFF  }
0xb3: {  	[dreg:$0x0] =	wrdreg $0x60  }
0xb4: {  	[dreg:$0x2] =	wrdreg s16  }
0xb5: {  	[dreg:$0x3] =	wrdreg s24  }
0xb6: {  	[dreg:$0x4] =	wrdreg $0x9  }
0xb7: {  	_ =	task.clear_ibuf [dreg:s7], $0x5FFFF;
	_ =	strace $0x90000046  }
0xb8: {  	s29 =	simm.s32 $0x9;
	_ =	strace $0x80000048  }
0xb9: {  	_ =	swait.ge [sflag:s29], $0x1  }
0xba: {  	[sflag:s29] =	ssyncadd.s32 $0xFFFFFFFF  }
0xbb: {  	_ =	strace $0x90000048  }
0xbc: {  	_ =	sfence  }
0xbd: {  	s30 =	sld [smem:$0x0];
	_ =	sdelay $0x2  }
0xbe: {  	s31 =	sshll.u32 s1, $0xD;
	s1 =	sshrl.u32 s1, $0x2  }
0xbf: {  	s3 =	sand.u32 $0x4000, s31;
	s1 =	sadd.s32 s1, s30  }
0xc0: {  	s0 =	sor.u32 s3, s0;
	s1 =	sshll.u32 s1, $0x11  }
0xc1: {  	s0 =	sor.u32 s1, s0  }
0xc2: {  	s0 =	sadd.s32 $0x8F2B, s0  }
0xc3: {  	[sflag:s0] =	ssyncadd.remote.s32 $0x1  }
0xc4: {  	_ =	sfence.sel $0xFFFF  }
0xc5: {  	[dreg:$0x0] =	wrdreg $0xFFFFFFFF;
	(pc) =	sbr.abs _section_cstart, $3  }
0xc6: {  	[dreg:$0x1] =	wrdreg $0xFFFFFFFF  }
0xc7: {  	_ =	task.clear_ibuf [dreg:s7], $0x2FFFF;
	_ =	strace $0x9FFFFFFF  }
0xc8: {  	(tm) =	ssettm $0x7FFFFFFF  }
0xc9: {  	_ =	shalt  }
tec
execute0_lowered:
.L_overlay_start_1:
0x0: {  	(tag) =	ssettag $0x1  }
0x1: {  	s6 =	rddreg [dreg:$0x0]  }
0x2: {  	s4 =	rddreg [dreg:$0x1]  }
0x3: {  	s0 =	rddreg [dreg:$0x2]  }
0x4: {  	s2 =	simm.s32 $0x0;
	s3 =	srdreg.scid;
	s1 =	stileid.u32  }
0x5: {  	s10 =	simm.s32 $0x8200;
	s11 =	simm.s32 $0xC200;
	s12 =	simm.s32 $0x2  }
0x6: {  	s13 =	simm.s32 $0x3;
	s14 =	simm.s32 $0x0;
	[smem:$0x7FF] =	sst s2  }
0x7: {  	s5 =	sand.u32 $0x1, s3;
	s3 =	sadd.s32 $0x1600, s4;
	s8 =	sshll.u32 s1, $0x1  }
0x8: {  	s4 =	sadd.s32 $0x1800, s4;
	s7 =	ssub.s32 $0x2, s5;
	s8 =	sor.u32 s5, s8  }
0x9: {  	s9 =	sshrl.u32 s7, $0x1;
	s5 =	sshll.u32 s8, $0x7;
	s8 =	sshll.u32 s8, $0xC  }
0xa: {  	_ =	strace $0x80000047;
	s7 =	ssub.s32 s7, s9;
	s6 =	sadd.s32 s6, s8  }
0xb: {  	s8 =	simm.s32 $0x8000;
	s9 =	simm.s32 $0x1;
	s7 =	smax.u32 s7, $0x1  }
.LBB2_1:
0xc: {  	[tilespmem:s8], [sflag:$0x1] =	stream.linear.gather [hbm4b:s3+s2], $0x200, $0x38;
	[tilespmem:$0x10200] =	vst v63  }
0xd: {  	_ =	swait.ge [sflag:s9], $0x200  }
0xe: {  	[sflag:s9] =	ssyncset.done $0x0  }
0xf: {  	[sflag:s9] =	ssyncadd.s32 $0xFFFFFE00  }
0x10: {  	[tilespmem:s2], [sflag:$0x1] =	stream.linear.gather [hbm4b:s6+s2], $0x8000, $0x38;
	[tilespmem:$0x10200] =	vst v63  }
0x11: {  	_ =	swait.ge [sflag:s9], $0x8000  }
0x12: {  	[sflag:s9] =	ssyncset.done $0x0  }
0x13: {  	s15 =	simm.s32 $0x0;
	[sflag:s9] =	ssyncadd.s32 $0xFFFF8000  }
.LBB2_2:
0x14: {  	p0 =	seq.s32 s15, $0x0  }
0x15: {  	s16 =	simm.s32 @!p0 $0x2  }
0x16: {  	_ =	swait.ge @!p0 [sflag:s16], $0x4000  }
0x17: {  	s17 =	sshll.u32 s15, $0x9;
	[sflag:s16] =	ssyncset.done @!p0 $0x0  }
0x18: {  	s17 =	sand.u32 $0x3FFFFE00, s17;
	[sflag:s16] =	ssyncadd.s32 @!p0 $0xFFFFC000  }
0x19: {  	v0 =	vld [tilespmem:s17+$0x0]  }
0x1a: {  	v1 =	vld [tilespmem:s17+$0x10]  }
0x1b: {  	v2 =	vld [tilespmem:s17+$0x20]  }
0x1c: {  	v3 =	vld [tilespmem:s17+$0x30]  }
0x1d: {  	v4 =	vld [tilespmem:s17+$0x40]  }
0x1e: {  	v5 =	vld [tilespmem:s17+$0x50]  }
0x1f: {  	s30 =	simm.s32 $0x0;
	v6 =	vld [tilespmem:s17+$0x60];
	v0 =	vshll.u32 v0, $0x6  }
0x20: {  	v7 =	vld [tilespmem:s17+$0x70];
	v8 =	vor.u32 s30, v0  }
0x21: {  	v9 =	vld [tilespmem:s17+$0x80]  }
0x22: {  	v10 =	vld [tilespmem:s17+$0x90]  }
0x23: {  	v11 =	vld [tilespmem:s17+$0xA0]  }
0x24: {  	v12 =	vld [tilespmem:s17+$0xB0]  }
0x25: {  	v1 =	vshll.u32 v1, $0x6;
	v8 =	vld.idx.msk [tilespmem:v8+s8+$0x0], $0xffff  }
0x26: {  	v13 =	vld [tilespmem:s17+$0xC0];
	v14 =	vor.u32 s30, v1  }
0x27: {  	v15 =	vld [tilespmem:s17+$0xD0]  }
0x28: {  	v16 =	vld [tilespmem:s17+$0xE0]  }
0x29: {  	v17 =	vld [tilespmem:s17+$0xF0];
	s17 =	simm.s32 $0x8300  }
0x2a: {  	[tilespmem:s17+$0xFFFFFF00] =	vst v8  }
0x2b: {  	v2 =	vshll.u32 v2, $0x6;
	v8 =	vld.idx.msk [tilespmem:v14+s8+$0x0], $0xffff  }
0x2c: {  	v14 =	vor.u32 s30, v2;
	_ =	sdelay $0x3  }
0x2d: {  	[tilespmem:s17+$0xFFFFFF10] =	vst v8  }
0x2e: {  	v3 =	vshll.u32 v3, $0x6;
	v8 =	vld.idx.msk [tilespmem:v14+s8+$0x0], $0xffff  }
0x2f: {  	v14 =	vor.u32 s30, v3;
	_ =	sdelay $0x3  }
0x30: {  	[tilespmem:s17+$0xFFFFFF20] =	vst v8  }
0x31: {  	v4 =	vshll.u32 v4, $0x6;
	v8 =	vld.idx.msk [tilespmem:v14+s8+$0x0], $0xffff  }
0x32: {  	v14 =	vor.u32 s30, v4;
	_ =	sdelay $0x3  }
0x33: {  	[tilespmem:s17+$0xFFFFFF30] =	vst v8  }
0x34: {  	v5 =	vshll.u32 v5, $0x6;
	v8 =	vld.idx.msk [tilespmem:v14+s8+$0x0], $0xffff  }
0x35: {  	v14 =	vor.u32 s30, v5;
	_ =	sdelay $0x3  }
0x36: {  	[tilespmem:s17+$0xFFFFFF40] =	vst v8  }
0x37: {  	v6 =	vshll.u32 v6, $0x6;
	v8 =	vld.idx.msk [tilespmem:v14+s8+$0x0], $0xffff  }
0x38: {  	v14 =	vor.u32 s30, v6;
	_ =	sdelay $0x3  }
0x39: {  	[tilespmem:s17+$0xFFFFFF50] =	vst v8  }
0x3a: {  	v7 =	vshll.u32 v7, $0x6;
	v8 =	vld.idx.msk [tilespmem:v14+s8+$0x0], $0xffff  }
0x3b: {  	v14 =	vor.u32 s30, v7;
	_ =	sdelay $0x3  }
0x3c: {  	[tilespmem:s17+$0xFFFFFF60] =	vst v8  }
0x3d: {  	v8 =	vshll.u32 v9, $0x6;
	v9 =	vld.idx.msk [tilespmem:v14+s8+$0x0], $0xffff  }
0x3e: {  	v14 =	vor.u32 s30, v8;
	_ =	sdelay $0x3  }
0x3f: {  	[tilespmem:s17+$0xFFFFFF70] =	vst v9  }
0x40: {  	v9 =	vshll.u32 v10, $0x6;
	v10 =	vld.idx.msk [tilespmem:v14+s8+$0x0], $0xffff  }
0x41: {  	v14 =	vor.u32 s30, v9;
	_ =	sdelay $0x3  }
0x42: {  	[tilespmem:s17+$0xFFFFFF80] =	vst v10  }
0x43: {  	v10 =	vshll.u32 v11, $0x6;
	v11 =	vld.idx.msk [tilespmem:v14+s8+$0x0], $0xffff  }
0x44: {  	v14 =	vor.u32 s30, v10;
	_ =	sdelay $0x3  }
0x45: {  	[tilespmem:s17+$0xFFFFFF90] =	vst v11  }
0x46: {  	v11 =	vshll.u32 v12, $0x6;
	v12 =	vld.idx.msk [tilespmem:v14+s8+$0x0], $0xffff  }
0x47: {  	v14 =	vor.u32 s30, v11;
	_ =	sdelay $0x3  }
0x48: {  	[tilespmem:s17+$0xFFFFFFA0] =	vst v12  }
0x49: {  	v12 =	vshll.u32 v13, $0x6;
	v13 =	vld.idx.msk [tilespmem:v14+s8+$0x0], $0xffff  }
0x4a: {  	v14 =	vor.u32 s30, v12;
	_ =	sdelay $0x3  }
0x4b: {  	[tilespmem:s17+$0xFFFFFFB0] =	vst v13  }
0x4c: {  	v13 =	vshll.u32 v15, $0x6;
	v14 =	vld.idx.msk [tilespmem:v14+s8+$0x0], $0xffff  }
0x4d: {  	v15 =	vor.u32 s30, v13;
	_ =	sdelay $0x3  }
0x4e: {  	[tilespmem:s17+$0xFFFFFFC0] =	vst v14  }
0x4f: {  	v14 =	vshll.u32 v16, $0x6;
	v15 =	vld.idx.msk [tilespmem:v15+s8+$0x0], $0xffff  }
0x50: {  	v16 =	vor.u32 s30, v14;
	_ =	sdelay $0x3  }
0x51: {  	[tilespmem:s17+$0xFFFFFFD0] =	vst v15  }
0x52: {  	v15 =	vshll.u32 v17, $0x6;
	v16 =	vld.idx.msk [tilespmem:v16+s8+$0x0], $0xffff  }
0x53: {  	v17 =	vor.u32 s30, v15;
	_ =	sdelay $0x3  }
0x54: {  	[tilespmem:s17+$0xFFFFFFE0] =	vst v16  }
0x55: {  	s31 =	simm.s32 $0x1;
	v16 =	vld.idx.msk [tilespmem:v17+s8+$0x0], $0xffff  }
0x56: {  	v17 =	vor.u32 s31, v0;
	_ =	sdelay $0x3  }
0x57: {  	[tilespmem:s17+$0xFFFFFFF0] =	vst v16  }
0x58: {  	v16 =	vld.idx.msk [tilespmem:v17+s8+$0x0], $0xffff  }
0x59: {  	v17 =	vor.u32 s31, v1;
	_ =	sdelay $0x3  }
0x5a: {  	[tilespmem:s17+$0x0] =	vst v16  }
0x5b: {  	v16 =	vld.idx.msk [tilespmem:v17+s8+$0x0], $0xffff  }
0x5c: {  	v17 =	vor.u32 s31, v2;
	_ =	sdelay $0x3  }
0x5d: {  	[tilespmem:s17+$0x10] =	vst v16  }
0x5e: {  	v16 =	vld.idx.msk [tilespmem:v17+s8+$0x0], $0xffff  }
0x5f: {  	v17 =	vor.u32 s31, v3;
	_ =	sdelay $0x3  }
0x60: {  	[tilespmem:s17+$0x20] =	vst v16  }
0x61: {  	v16 =	vld.idx.msk [tilespmem:v17+s8+$0x0], $0xffff  }
0x62: {  	v17 =	vor.u32 s31, v4;
	_ =	sdelay $0x3  }
0x63: {  	[tilespmem:s17+$0x30] =	vst v16  }
0x64: {  	v16 =	vld.idx.msk [tilespmem:v17+s8+$0x0], $0xffff  }
0x65: {  	v17 =	vor.u32 s31, v5;
	_ =	sdelay $0x3  }
0x66: {  	[tilespmem:s17+$0x40] =	vst v16  }
0x67: {  	v16 =	vld.idx.msk [tilespmem:v17+s8+$0x0], $0xffff  }
0x68: {  	v17 =	vor.u32 s31, v6;
	_ =	sdelay $0x3  }
0x69: {  	[tilespmem:s17+$0x50] =	vst v16  }
0x6a: {  	v16 =	vld.idx.msk [tilespmem:v17+s8+$0x0], $0xffff  }
0x6b: {  	v17 =	vor.u32 s31, v7;
	_ =	sdelay $0x3  }
0x6c: {  	[tilespmem:s17+$0x60] =	vst v16  }
0x6d: {  	v16 =	vld.idx.msk [tilespmem:v17+s8+$0x0], $0xffff  }
0x6e: {  	v17 =	vor.u32 s31, v8;
	_ =	sdelay $0x3  }
0x6f: {  	[tilespmem:s17+$0x70] =	vst v16  }
0x70: {  	v16 =	vld.idx.msk [tilespmem:v17+s8+$0x0], $0xffff  }
0x71: {  	v17 =	vor.u32 s31, v9;
	_ =	sdelay $0x3  }
0x72: {  	[tilespmem:s17+$0x80] =	vst v16  }
0x73: {  	v16 =	vld.idx.msk [tilespmem:v17+s8+$0x0], $0xffff  }
0x74: {  	v17 =	vor.u32 s31, v10;
	_ =	sdelay $0x3  }
0x75: {  	[tilespmem:s17+$0x90] =	vst v16  }
0x76: {  	v16 =	vld.idx.msk [tilespmem:v17+s8+$0x0], $0xffff  }
0x77: {  	v17 =	vor.u32 s31, v11;
	_ =	sdelay $0x3  }
0x78: {  	[tilespmem:s17+$0xA0] =	vst v16  }
0x79: {  	v16 =	vld.idx.msk [tilespmem:v17+s8+$0x0], $0xffff  }
0x7a: {  	v17 =	vor.u32 s31, v12;
	_ =	sdelay $0x3  }
0x7b: {  	[tilespmem:s17+$0xB0] =	vst v16  }
0x7c: {  	v16 =	vld.idx.msk [tilespmem:v17+s8+$0x0], $0xffff  }
0x7d: {  	v17 =	vor.u32 s31, v13;
	_ =	sdelay $0x3  }
0x7e: {  	[tilespmem:s17+$0xC0] =	vst v16  }
0x7f: {  	v16 =	vld.idx.msk [tilespmem:v17+s8+$0x0], $0xffff  }
0x80: {  	v17 =	vor.u32 s31, v14;
	_ =	sdelay $0x3  }
0x81: {  	[tilespmem:s17+$0xD0] =	vst v16  }
0x82: {  	v16 =	vld.idx.msk [tilespmem:v17+s8+$0x0], $0xffff  }
0x83: {  	v17 =	vor.u32 s31, v15;
	_ =	sdelay $0x3  }
0x84: {  	[tilespmem:s17+$0xE0] =	vst v16  }
0x85: {  	s19 =	simm.s32 $0x2;
	v16 =	vld.idx.msk [tilespmem:v17+s8+$0x0], $0xffff  }
0x86: {  	s18 =	sshll.u32 s15, $0x1;
	s20 =	simm.s32 $0x4;
	s16 =	sshllo.u32 s15, $0x1;
	v17 =	vor.u32 s19, v0  }
.LBB2_3:
0x87: {  	p1 =	slt.u32 s20, $0x3E;
	_ =	sdelay $0x2  }
0x88: {  	[tilespmem:s17+$0xF0] =	vst v16  }
0x89: {  	v16 =	vld.idx.msk [tilespmem:v17+s8+$0x0], $0xffff;
	_ =	sdelay $0x1  }
0x8a: {  	v17 =	vor.u32 s19, v1;
	_ =	sdelay $0x2  }
0x8b: {  	s17 =	sadd.s32 $0x200, s17  }
0x8c: {  	[tilespmem:s17+$0xFFFFFF00] =	vst v16  }
0x8d: {  	v16 =	vld.idx.msk [tilespmem:v17+s8+$0x0], $0xffff;
	_ =	sdelay $0x1  }
0x8e: {  	v17 =	vor.u32 s19, v2;
	_ =	sdelay $0x3  }
0x8f: {  	[tilespmem:s17+$0xFFFFFF10] =	vst v16  }
0x90: {  	v16 =	vld.idx.msk [tilespmem:v17+s8+$0x0], $0xffff;
	_ =	sdelay $0x1  }
0x91: {  	v17 =	vor.u32 s19, v3;
	_ =	sdelay $0x3  }
0x92: {  	[tilespmem:s17+$0xFFFFFF20] =	vst v16  }
0x93: {  	v16 =	vld.idx.msk [tilespmem:v17+s8+$0x0], $0xffff;
	_ =	sdelay $0x1  }
0x94: {  	v17 =	vor.u32 s19, v4;
	_ =	sdelay $0x3  }
0x95: {  	[tilespmem:s17+$0xFFFFFF30] =	vst v16  }
0x96: {  	v16 =	vld.idx.msk [tilespmem:v17+s8+$0x0], $0xffff;
	_ =	sdelay $0x1  }
0x97: {  	v17 =	vor.u32 s19, v5;
	_ =	sdelay $0x3  }
0x98: {  	[tilespmem:s17+$0xFFFFFF40] =	vst v16  }
0x99: {  	v16 =	vld.idx.msk [tilespmem:v17+s8+$0x0], $0xffff;
	_ =	sdelay $0x1  }
0x9a: {  	v17 =	vor.u32 s19, v6;
	_ =	sdelay $0x3  }
0x9b: {  	[tilespmem:s17+$0xFFFFFF50] =	vst v16  }
0x9c: {  	v16 =	vld.idx.msk [tilespmem:v17+s8+$0x0], $0xffff;
	_ =	sdelay $0x1  }
0x9d: {  	v17 =	vor.u32 s19, v7;
	_ =	sdelay $0x3  }
0x9e: {  	[tilespmem:s17+$0xFFFFFF60] =	vst v16  }
0x9f: {  	v16 =	vld.idx.msk [tilespmem:v17+s8+$0x0], $0xffff;
	_ =	sdelay $0x1  }
0xa0: {  	v17 =	vor.u32 s19, v8;
	_ =	sdelay $0x3  }
0xa1: {  	[tilespmem:s17+$0xFFFFFF70] =	vst v16  }
0xa2: {  	v16 =	vld.idx.msk [tilespmem:v17+s8+$0x0], $0xffff;
	_ =	sdelay $0x1  }
0xa3: {  	v17 =	vor.u32 s19, v9;
	_ =	sdelay $0x3  }
0xa4: {  	[tilespmem:s17+$0xFFFFFF80] =	vst v16  }
0xa5: {  	v16 =	vld.idx.msk [tilespmem:v17+s8+$0x0], $0xffff;
	_ =	sdelay $0x1  }
0xa6: {  	v17 =	vor.u32 s19, v10;
	_ =	sdelay $0x3  }
0xa7: {  	[tilespmem:s17+$0xFFFFFF90] =	vst v16  }
0xa8: {  	v16 =	vld.idx.msk [tilespmem:v17+s8+$0x0], $0xffff;
	_ =	sdelay $0x1  }
0xa9: {  	v17 =	vor.u32 s19, v11;
	_ =	sdelay $0x3  }
0xaa: {  	[tilespmem:s17+$0xFFFFFFA0] =	vst v16  }
0xab: {  	v16 =	vld.idx.msk [tilespmem:v17+s8+$0x0], $0xffff;
	_ =	sdelay $0x1  }
0xac: {  	v17 =	vor.u32 s19, v12;
	_ =	sdelay $0x3  }
0xad: {  	[tilespmem:s17+$0xFFFFFFB0] =	vst v16  }
0xae: {  	v16 =	vld.idx.msk [tilespmem:v17+s8+$0x0], $0xffff;
	_ =	sdelay $0x1  }
0xaf: {  	v17 =	vor.u32 s19, v13;
	_ =	sdelay $0x3  }
0xb0: {  	[tilespmem:s17+$0xFFFFFFC0] =	vst v16  }
0xb1: {  	v16 =	vld.idx.msk [tilespmem:v17+s8+$0x0], $0xffff;
	_ =	sdelay $0x1  }
0xb2: {  	v17 =	vor.u32 s19, v14;
	_ =	sdelay $0x3  }
0xb3: {  	[tilespmem:s17+$0xFFFFFFD0] =	vst v16  }
0xb4: {  	v16 =	vld.idx.msk [tilespmem:v17+s8+$0x0], $0xffff;
	_ =	sdelay $0x1  }
0xb5: {  	v17 =	vor.u32 s19, v15;
	_ =	sdelay $0x3  }
0xb6: {  	[tilespmem:s17+$0xFFFFFFE0] =	vst v16  }
0xb7: {  	v16 =	vld.idx.msk [tilespmem:v17+s8+$0x0], $0xffff  }
0xb8: {  	s21 =	sadd.s32 $0x1, s19;
	s19 =	smov.u32 s20  }
0xb9: {  	v17 =	vor.u32 s21, v0;
	_ =	sdelay $0x3  }
0xba: {  	[tilespmem:s17+$0xFFFFFFF0] =	vst v16  }
0xbb: {  	v16 =	vld.idx.msk [tilespmem:v17+s8+$0x0], $0xffff;
	_ =	sdelay $0x1  }
0xbc: {  	v17 =	vor.u32 s21, v1;
	_ =	sdelay $0x3  }
0xbd: {  	[tilespmem:s17+$0x0] =	vst v16  }
0xbe: {  	v16 =	vld.idx.msk [tilespmem:v17+s8+$0x0], $0xffff;
	_ =	sdelay $0x1  }
0xbf: {  	v17 =	vor.u32 s21, v2;
	_ =	sdelay $0x3  }
0xc0: {  	[tilespmem:s17+$0x10] =	vst v16  }
0xc1: {  	v16 =	vld.idx.msk [tilespmem:v17+s8+$0x0], $0xffff;
	_ =	sdelay $0x1  }
0xc2: {  	v17 =	vor.u32 s21, v3;
	_ =	sdelay $0x3  }
0xc3: {  	[tilespmem:s17+$0x20] =	vst v16  }
0xc4: {  	v16 =	vld.idx.msk [tilespmem:v17+s8+$0x0], $0xffff;
	_ =	sdelay $0x1  }
0xc5: {  	v17 =	vor.u32 s21, v4;
	_ =	sdelay $0x3  }
0xc6: {  	[tilespmem:s17+$0x30] =	vst v16  }
0xc7: {  	v16 =	vld.idx.msk [tilespmem:v17+s8+$0x0], $0xffff;
	_ =	sdelay $0x1  }
0xc8: {  	v17 =	vor.u32 s21, v5;
	_ =	sdelay $0x3  }
0xc9: {  	[tilespmem:s17+$0x40] =	vst v16  }
0xca: {  	v16 =	vld.idx.msk [tilespmem:v17+s8+$0x0], $0xffff;
	_ =	sdelay $0x1  }
0xcb: {  	v17 =	vor.u32 s21, v6;
	_ =	sdelay $0x3  }
0xcc: {  	[tilespmem:s17+$0x50] =	vst v16  }
0xcd: {  	v16 =	vld.idx.msk [tilespmem:v17+s8+$0x0], $0xffff;
	_ =	sdelay $0x1  }
0xce: {  	v17 =	vor.u32 s21, v7;
	_ =	sdelay $0x3  }
0xcf: {  	[tilespmem:s17+$0x60] =	vst v16  }
0xd0: {  	v16 =	vld.idx.msk [tilespmem:v17+s8+$0x0], $0xffff;
	_ =	sdelay $0x1  }
0xd1: {  	v17 =	vor.u32 s21, v8;
	_ =	sdelay $0x3  }
0xd2: {  	[tilespmem:s17+$0x70] =	vst v16  }
0xd3: {  	v16 =	vld.idx.msk [tilespmem:v17+s8+$0x0], $0xffff;
	_ =	sdelay $0x1  }
0xd4: {  	v17 =	vor.u32 s21, v9;
	_ =	sdelay $0x3  }
0xd5: {  	[tilespmem:s17+$0x80] =	vst v16  }
0xd6: {  	v16 =	vld.idx.msk [tilespmem:v17+s8+$0x0], $0xffff;
	_ =	sdelay $0x1  }
0xd7: {  	v17 =	vor.u32 s21, v10;
	_ =	sdelay $0x3  }
0xd8: {  	[tilespmem:s17+$0x90] =	vst v16  }
0xd9: {  	v16 =	vld.idx.msk [tilespmem:v17+s8+$0x0], $0xffff;
	_ =	sdelay $0x1  }
0xda: {  	v17 =	vor.u32 s21, v11;
	_ =	sdelay $0x3  }
0xdb: {  	[tilespmem:s17+$0xA0] =	vst v16  }
0xdc: {  	v16 =	vld.idx.msk [tilespmem:v17+s8+$0x0], $0xffff;
	_ =	sdelay $0x1  }
0xdd: {  	v17 =	vor.u32 s21, v12;
	_ =	sdelay $0x3  }
0xde: {  	[tilespmem:s17+$0xB0] =	vst v16  }
0xdf: {  	v16 =	vld.idx.msk [tilespmem:v17+s8+$0x0], $0xffff;
	_ =	sdelay $0x1  }
0xe0: {  	v17 =	vor.u32 s21, v13;
	_ =	sdelay $0x3  }
0xe1: {  	[tilespmem:s17+$0xC0] =	vst v16  }
0xe2: {  	v16 =	vld.idx.msk [tilespmem:v17+s8+$0x0], $0xffff;
	_ =	sdelay $0x1  }
0xe3: {  	v17 =	vor.u32 s21, v14;
	_ =	sdelay $0x3  }
0xe4: {  	[tilespmem:s17+$0xD0] =	vst v16  }
0xe5: {  	v16 =	vld.idx.msk [tilespmem:v17+s8+$0x0], $0xffff;
	_ =	sdelay $0x1  }
0xe6: {  	v17 =	vor.u32 s21, v15;
	_ =	sdelay $0x2  }
.Ltmp0:
0xe7: {  	(pc) =	sbr.rel @p1 .LBB2_3-.Ltmp0, $3  }
0xe8: {  	[tilespmem:s17+$0xE0] =	vst v16  }
0xe9: {  	v16 =	vld.idx.msk [tilespmem:v17+s8+$0x0], $0xffff;
	_ =	sdelay $0x1  }
0xea: {  	s20 =	sadd.s32 $0x2, s20;
	v17 =	vor.u32 s19, v0  }
0xeb: {  	_ =	sdelay $0x2  }
0xec: {  	[tilespmem:s17+$0xF0] =	vst v16  }
0xed: {  	v16 =	vld.idx.msk [tilespmem:v17+s8+$0x0], $0xffff  }
0xee: {  	v17 =	vor.u32 s19, v1;
	_ =	sdelay $0x2  }
0xef: {  	s24 =	sadd.s32 $0x200, s17  }
0xf0: {  	[tilespmem:s24+$0xFFFFFF00] =	vst v16  }
0xf1: {  	v16 =	vld.idx.msk [tilespmem:v17+s8+$0x0], $0xffff  }
0xf2: {  	v17 =	vor.u32 s19, v2;
	_ =	sdelay $0x3  }
0xf3: {  	[tilespmem:s24+$0xFFFFFF10] =	vst v16  }
0xf4: {  	v16 =	vld.idx.msk [tilespmem:v17+s8+$0x0], $0xffff  }
0xf5: {  	v17 =	vor.u32 s19, v3;
	_ =	sdelay $0x3  }
0xf6: {  	[tilespmem:s24+$0xFFFFFF20] =	vst v16  }
0xf7: {  	v16 =	vld.idx.msk [tilespmem:v17+s8+$0x0], $0xffff  }
0xf8: {  	v17 =	vor.u32 s19, v4;
	_ =	sdelay $0x3  }
0xf9: {  	[tilespmem:s24+$0xFFFFFF30] =	vst v16  }
0xfa: {  	v16 =	vld.idx.msk [tilespmem:v17+s8+$0x0], $0xffff  }
0xfb: {  	v17 =	vor.u32 s19, v5;
	_ =	sdelay $0x3  }
0xfc: {  	[tilespmem:s24+$0xFFFFFF40] =	vst v16  }
0xfd: {  	v16 =	vld.idx.msk [tilespmem:v17+s8+$0x0], $0xffff  }
0xfe: {  	v17 =	vor.u32 s19, v6;
	_ =	sdelay $0x3  }
0xff: {  	[tilespmem:s24+$0xFFFFFF50] =	vst v16  }
0x100: {  	v16 =	vld.idx.msk [tilespmem:v17+s8+$0x0], $0xffff  }
0x101: {  	v17 =	vor.u32 s19, v7;
	_ =	sdelay $0x3  }
0x102: {  	[tilespmem:s24+$0xFFFFFF60] =	vst v16  }
0x103: {  	v16 =	vld.idx.msk [tilespmem:v17+s8+$0x0], $0xffff  }
0x104: {  	v17 =	vor.u32 s19, v8;
	_ =	sdelay $0x3  }
0x105: {  	[tilespmem:s24+$0xFFFFFF70] =	vst v16  }
0x106: {  	v16 =	vld.idx.msk [tilespmem:v17+s8+$0x0], $0xffff  }
0x107: {  	v17 =	vor.u32 s19, v9;
	_ =	sdelay $0x3  }
0x108: {  	[tilespmem:s24+$0xFFFFFF80] =	vst v16  }
0x109: {  	v16 =	vld.idx.msk [tilespmem:v17+s8+$0x0], $0xffff  }
0x10a: {  	v17 =	vor.u32 s19, v10;
	_ =	sdelay $0x3  }
0x10b: {  	[tilespmem:s24+$0xFFFFFF90] =	vst v16  }
0x10c: {  	v16 =	vld.idx.msk [tilespmem:v17+s8+$0x0], $0xffff  }
0x10d: {  	v17 =	vor.u32 s19, v11;
	_ =	sdelay $0x3  }
0x10e: {  	[tilespmem:s24+$0xFFFFFFA0] =	vst v16  }
0x10f: {  	v16 =	vld.idx.msk [tilespmem:v17+s8+$0x0], $0xffff  }
0x110: {  	v17 =	vor.u32 s19, v12;
	_ =	sdelay $0x3  }
0x111: {  	[tilespmem:s24+$0xFFFFFFB0] =	vst v16  }
0x112: {  	v16 =	vld.idx.msk [tilespmem:v17+s8+$0x0], $0xffff  }
0x113: {  	v17 =	vor.u32 s19, v13;
	_ =	sdelay $0x3  }
0x114: {  	[tilespmem:s24+$0xFFFFFFC0] =	vst v16  }
0x115: {  	v16 =	vld.idx.msk [tilespmem:v17+s8+$0x0], $0xffff  }
0x116: {  	v17 =	vor.u32 s19, v14;
	_ =	sdelay $0x3  }
0x117: {  	[tilespmem:s24+$0xFFFFFFD0] =	vst v16  }
0x118: {  	v16 =	vld.idx.msk [tilespmem:v17+s8+$0x0], $0xffff  }
0x119: {  	v17 =	vor.u32 s19, v15;
	_ =	sdelay $0x3  }
0x11a: {  	[tilespmem:s24+$0xFFFFFFE0] =	vst v16  }
0x11b: {  	s25 =	sadd.s32 $0x1, s19;
	v16 =	vld.idx.msk [tilespmem:v17+s8+$0x0], $0xffff  }
0x11c: {  	v0 =	vor.u32 s25, v0;
	_ =	sdelay $0x3  }
0x11d: {  	[tilespmem:s24+$0xFFFFFFF0] =	vst v16  }
0x11e: {  	v0 =	vld.idx.msk [tilespmem:v0+s8+$0x0], $0xffff  }
0x11f: {  	v1 =	vor.u32 s25, v1;
	_ =	sdelay $0x3  }
0x120: {  	[tilespmem:s24+$0x0] =	vst v0  }
0x121: {  	v0 =	vld.idx.msk [tilespmem:v1+s8+$0x0], $0xffff  }
0x122: {  	v1 =	vor.u32 s25, v2;
	_ =	sdelay $0x3  }
0x123: {  	[tilespmem:s24+$0x10] =	vst v0  }
0x124: {  	v0 =	vld.idx.msk [tilespmem:v1+s8+$0x0], $0xffff  }
0x125: {  	v1 =	vor.u32 s25, v3;
	_ =	sdelay $0x3  }
0x126: {  	[tilespmem:s24+$0x20] =	vst v0  }
0x127: {  	v0 =	vld.idx.msk [tilespmem:v1+s8+$0x0], $0xffff  }
0x128: {  	v1 =	vor.u32 s25, v4;
	_ =	sdelay $0x3  }
0x129: {  	[tilespmem:s24+$0x30] =	vst v0  }
0x12a: {  	v0 =	vld.idx.msk [tilespmem:v1+s8+$0x0], $0xffff  }
0x12b: {  	v1 =	vor.u32 s25, v5;
	_ =	sdelay $0x3  }
0x12c: {  	[tilespmem:s24+$0x40] =	vst v0  }
0x12d: {  	v0 =	vld.idx.msk [tilespmem:v1+s8+$0x0], $0xffff  }
0x12e: {  	v1 =	vor.u32 s25, v6;
	_ =	sdelay $0x3  }
0x12f: {  	[tilespmem:s24+$0x50] =	vst v0  }
0x130: {  	v0 =	vld.idx.msk [tilespmem:v1+s8+$0x0], $0xffff  }
0x131: {  	v1 =	vor.u32 s25, v7;
	_ =	sdelay $0x3  }
0x132: {  	[tilespmem:s24+$0x60] =	vst v0  }
0x133: {  	v0 =	vld.idx.msk [tilespmem:v1+s8+$0x0], $0xffff  }
0x134: {  	v1 =	vor.u32 s25, v8;
	_ =	sdelay $0x3  }
0x135: {  	[tilespmem:s24+$0x70] =	vst v0  }
0x136: {  	v0 =	vld.idx.msk [tilespmem:v1+s8+$0x0], $0xffff  }
0x137: {  	v1 =	vor.u32 s25, v9;
	_ =	sdelay $0x3  }
0x138: {  	[tilespmem:s24+$0x80] =	vst v0  }
0x139: {  	v0 =	vld.idx.msk [tilespmem:v1+s8+$0x0], $0xffff  }
0x13a: {  	v1 =	vor.u32 s25, v10;
	_ =	sdelay $0x3  }
0x13b: {  	[tilespmem:s24+$0x90] =	vst v0  }
0x13c: {  	v0 =	vld.idx.msk [tilespmem:v1+s8+$0x0], $0xffff  }
0x13d: {  	v1 =	vor.u32 s25, v11;
	_ =	sdelay $0x3  }
0x13e: {  	[tilespmem:s24+$0xA0] =	vst v0  }
0x13f: {  	v0 =	vld.idx.msk [tilespmem:v1+s8+$0x0], $0xffff  }
0x140: {  	v1 =	vor.u32 s25, v12;
	_ =	sdelay $0x3  }
0x141: {  	[tilespmem:s24+$0xB0] =	vst v0  }
0x142: {  	v0 =	vld.idx.msk [tilespmem:v1+s8+$0x0], $0xffff  }
0x143: {  	v1 =	vor.u32 s25, v13;
	_ =	sdelay $0x3  }
0x144: {  	[tilespmem:s24+$0xC0] =	vst v0  }
0x145: {  	v0 =	vld.idx.msk [tilespmem:v1+s8+$0x0], $0xffff  }
0x146: {  	v1 =	vor.u32 s25, v14;
	_ =	sdelay $0x3  }
0x147: {  	[tilespmem:s24+$0xD0] =	vst v0  }
0x148: {  	v0 =	vld.idx.msk [tilespmem:v1+s8+$0x0], $0xffff  }
0x149: {  	v1 =	vor.u32 s25, v15;
	_ =	sdelay $0x3  }
0x14a: {  	[tilespmem:s24+$0xE0] =	vst v0  }
0x14b: {  	v0 =	vld.idx.msk [tilespmem:v1+s8+$0x0], $0xffff;
	_ =	sdelay $0x2  }
0x14c: {  	s18 =	sadd.s32 s5, s18  }
0x14d: {  	s18 =	sshll.u32 s18, $0xB  }
0x14e: {  	s26 =	sadd.s32 s4, s18;
	s17 =	simm.s32 @!p0 $0x3;
	[tilespmem:s24+$0xF0] =	vst v0  }
0x14f: {  	[hbm4b:s26+s2] =	stream.linear.scatter [tilespmem:s10], [sflag:$0x2], $0x4000, $0x38;
	[tilespmem:$0x10200] =	vst v63  }
0x150: {  	_ =	swait.ge @!p0 [sflag:s17], $0x4000  }
0x151: {  	s28 =	sshll.u32 s16, $0x8;
	[sflag:s17] =	ssyncset.done @!p0 $0x0  }
0x152: {  	s29 =	sand.u32 $0x3FFFFF00, s28;
	[sflag:s17] =	ssyncadd.s32 @!p0 $0xFFFFC000  }
0x153: {  	v0 =	vld [tilespmem:s29+$0x0]  }
0x154: {  	v1 =	vld [tilespmem:s29+$0x10]  }
0x155: {  	v2 =	vld [tilespmem:s29+$0x20]  }
0x156: {  	v3 =	vld [tilespmem:s29+$0x30]  }
0x157: {  	v4 =	vld [tilespmem:s29+$0x40]  }
0x158: {  	s30 =	simm.s32 $0x0;
	v5 =	vld [tilespmem:s29+$0x50];
	v0 =	vshll.u32 v0, $0x6  }
0x159: {  	v6 =	vld [tilespmem:s29+$0x60];
	v8 =	vor.u32 s30, v0  }
0x15a: {  	v7 =	vld [tilespmem:s29+$0x70]  }
0x15b: {  	v9 =	vld [tilespmem:s29+$0x80]  }
0x15c: {  	v10 =	vld [tilespmem:s29+$0x90]  }
0x15d: {  	v11 =	vld [tilespmem:s29+$0xA0]  }
0x15e: {  	v1 =	vshll.u32 v1, $0x6;
	v8 =	vld.idx.msk [tilespmem:v8+s8+$0x0], $0xffff  }
0x15f: {  	v12 =	vld [tilespmem:s29+$0xB0];
	v14 =	vor.u32 s30, v1  }
0x160: {  	v13 =	vld [tilespmem:s29+$0xC0]  }
0x161: {  	v15 =	vld [tilespmem:s29+$0xD0]  }
0x162: {  	s17 =	simm.s32 $0xC300;
	v16 =	vld [tilespmem:s29+$0xE0]  }
0x163: {  	v17 =	vld [tilespmem:s29+$0xF0];
	[tilespmem:s17+$0xFFFFFF00] =	vst v8  }
0x164: {  	v2 =	vshll.u32 v2, $0x6;
	v8 =	vld.idx.msk [tilespmem:v14+s8+$0x0], $0xffff  }
0x165: {  	v14 =	vor.u32 s30, v2;
	_ =	sdelay $0x3  }
0x166: {  	[tilespmem:s17+$0xFFFFFF10] =	vst v8  }
0x167: {  	v3 =	vshll.u32 v3, $0x6;
	v8 =	vld.idx.msk [tilespmem:v14+s8+$0x0], $0xffff  }
0x168: {  	v14 =	vor.u32 s30, v3;
	_ =	sdelay $0x3  }
0x169: {  	[tilespmem:s17+$0xFFFFFF20] =	vst v8  }
0x16a: {  	v4 =	vshll.u32 v4, $0x6;
	v8 =	vld.idx.msk [tilespmem:v14+s8+$0x0], $0xffff  }
0x16b: {  	v14 =	vor.u32 s30, v4;
	_ =	sdelay $0x3  }
0x16c: {  	[tilespmem:s17+$0xFFFFFF30] =	vst v8  }
0x16d: {  	v5 =	vshll.u32 v5, $0x6;
	v8 =	vld.idx.msk [tilespmem:v14+s8+$0x0], $0xffff  }
0x16e: {  	v14 =	vor.u32 s30, v5;
	_ =	sdelay $0x3  }
0x16f: {  	[tilespmem:s17+$0xFFFFFF40] =	vst v8  }
0x170: {  	v6 =	vshll.u32 v6, $0x6;
	v8 =	vld.idx.msk [tilespmem:v14+s8+$0x0], $0xffff  }
0x171: {  	v14 =	vor.u32 s30, v6;
	_ =	sdelay $0x3  }
0x172: {  	[tilespmem:s17+$0xFFFFFF50] =	vst v8  }
0x173: {  	v7 =	vshll.u32 v7, $0x6;
	v8 =	vld.idx.msk [tilespmem:v14+s8+$0x0], $0xffff  }
0x174: {  	v14 =	vor.u32 s30, v7;
	_ =	sdelay $0x3  }
0x175: {  	[tilespmem:s17+$0xFFFFFF60] =	vst v8  }
0x176: {  	v8 =	vshll.u32 v9, $0x6;
	v9 =	vld.idx.msk [tilespmem:v14+s8+$0x0], $0xffff  }
0x177: {  	v14 =	vor.u32 s30, v8;
	_ =	sdelay $0x3  }
0x178: {  	[tilespmem:s17+$0xFFFFFF70] =	vst v9  }
0x179: {  	v9 =	vshll.u32 v10, $0x6;
	v10 =	vld.idx.msk [tilespmem:v14+s8+$0x0], $0xffff  }
0x17a: {  	v14 =	vor.u32 s30, v9;
	_ =	sdelay $0x3  }
0x17b: {  	[tilespmem:s17+$0xFFFFFF80] =	vst v10  }
0x17c: {  	v10 =	vshll.u32 v11, $0x6;
	v11 =	vld.idx.msk [tilespmem:v14+s8+$0x0], $0xffff  }
0x17d: {  	v14 =	vor.u32 s30, v10;
	_ =	sdelay $0x3  }
0x17e: {  	[tilespmem:s17+$0xFFFFFF90] =	vst v11  }
0x17f: {  	v11 =	vshll.u32 v12, $0x6;
	v12 =	vld.idx.msk [tilespmem:v14+s8+$0x0], $0xffff  }
0x180: {  	v14 =	vor.u32 s30, v11;
	_ =	sdelay $0x3  }
0x181: {  	[tilespmem:s17+$0xFFFFFFA0] =	vst v12  }
0x182: {  	v12 =	vshll.u32 v13, $0x6;
	v13 =	vld.idx.msk [tilespmem:v14+s8+$0x0], $0xffff  }
0x183: {  	v14 =	vor.u32 s30, v12;
	_ =	sdelay $0x3  }
0x184: {  	[tilespmem:s17+$0xFFFFFFB0] =	vst v13  }
0x185: {  	v13 =	vshll.u32 v15, $0x6;
	v14 =	vld.idx.msk [tilespmem:v14+s8+$0x0], $0xffff  }
0x186: {  	v15 =	vor.u32 s30, v13;
	_ =	sdelay $0x3  }
0x187: {  	[tilespmem:s17+$0xFFFFFFC0] =	vst v14  }
0x188: {  	v14 =	vshll.u32 v16, $0x6;
	v15 =	vld.idx.msk [tilespmem:v15+s8+$0x0], $0xffff  }
0x189: {  	v16 =	vor.u32 s30, v14;
	_ =	sdelay $0x3  }
0x18a: {  	[tilespmem:s17+$0xFFFFFFD0] =	vst v15  }
0x18b: {  	v15 =	vshll.u32 v17, $0x6;
	v16 =	vld.idx.msk [tilespmem:v16+s8+$0x0], $0xffff  }
0x18c: {  	v17 =	vor.u32 s30, v15;
	_ =	sdelay $0x3  }
0x18d: {  	[tilespmem:s17+$0xFFFFFFE0] =	vst v16  }
0x18e: {  	s31 =	simm.s32 $0x1;
	v16 =	vld.idx.msk [tilespmem:v17+s8+$0x0], $0xffff  }
0x18f: {  	v17 =	vor.u32 s31, v0;
	_ =	sdelay $0x3  }
0x190: {  	[tilespmem:s17+$0xFFFFFFF0] =	vst v16  }
0x191: {  	v16 =	vld.idx.msk [tilespmem:v17+s8+$0x0], $0xffff  }
0x192: {  	v17 =	vor.u32 s31, v1;
	_ =	sdelay $0x3  }
0x193: {  	[tilespmem:s17+$0x0] =	vst v16  }
0x194: {  	v16 =	vld.idx.msk [tilespmem:v17+s8+$0x0], $0xffff  }
0x195: {  	v17 =	vor.u32 s31, v2;
	_ =	sdelay $0x3  }
0x196: {  	[tilespmem:s17+$0x10] =	vst v16  }
0x197: {  	v16 =	vld.idx.msk [tilespmem:v17+s8+$0x0], $0xffff  }
0x198: {  	v17 =	vor.u32 s31, v3;
	_ =	sdelay $0x3  }
0x199: {  	[tilespmem:s17+$0x20] =	vst v16  }
0x19a: {  	v16 =	vld.idx.msk [tilespmem:v17+s8+$0x0], $0xffff  }
0x19b: {  	v17 =	vor.u32 s31, v4;
	_ =	sdelay $0x3  }
0x19c: {  	[tilespmem:s17+$0x30] =	vst v16  }
0x19d: {  	v16 =	vld.idx.msk [tilespmem:v17+s8+$0x0], $0xffff  }
0x19e: {  	v17 =	vor.u32 s31, v5;
	_ =	sdelay $0x3  }
0x19f: {  	[tilespmem:s17+$0x40] =	vst v16  }
0x1a0: {  	v16 =	vld.idx.msk [tilespmem:v17+s8+$0x0], $0xffff  }
0x1a1: {  	v17 =	vor.u32 s31, v6;
	_ =	sdelay $0x3  }
0x1a2: {  	[tilespmem:s17+$0x50] =	vst v16  }
0x1a3: {  	v16 =	vld.idx.msk [tilespmem:v17+s8+$0x0], $0xffff  }
0x1a4: {  	v17 =	vor.u32 s31, v7;
	_ =	sdelay $0x3  }
0x1a5: {  	[tilespmem:s17+$0x60] =	vst v16  }
0x1a6: {  	v16 =	vld.idx.msk [tilespmem:v17+s8+$0x0], $0xffff  }
0x1a7: {  	v17 =	vor.u32 s31, v8;
	_ =	sdelay $0x3  }
0x1a8: {  	[tilespmem:s17+$0x70] =	vst v16  }
0x1a9: {  	v16 =	vld.idx.msk [tilespmem:v17+s8+$0x0], $0xffff  }
0x1aa: {  	v17 =	vor.u32 s31, v9;
	_ =	sdelay $0x3  }
0x1ab: {  	[tilespmem:s17+$0x80] =	vst v16  }
0x1ac: {  	v16 =	vld.idx.msk [tilespmem:v17+s8+$0x0], $0xffff  }
0x1ad: {  	v17 =	vor.u32 s31, v10;
	_ =	sdelay $0x3  }
0x1ae: {  	[tilespmem:s17+$0x90] =	vst v16  }
0x1af: {  	v16 =	vld.idx.msk [tilespmem:v17+s8+$0x0], $0xffff  }
0x1b0: {  	v17 =	vor.u32 s31, v11;
	_ =	sdelay $0x3  }
0x1b1: {  	[tilespmem:s17+$0xA0] =	vst v16  }
0x1b2: {  	v16 =	vld.idx.msk [tilespmem:v17+s8+$0x0], $0xffff  }
0x1b3: {  	v17 =	vor.u32 s31, v12;
	_ =	sdelay $0x3  }
0x1b4: {  	[tilespmem:s17+$0xB0] =	vst v16  }
0x1b5: {  	v16 =	vld.idx.msk [tilespmem:v17+s8+$0x0], $0xffff  }
0x1b6: {  	v17 =	vor.u32 s31, v13;
	_ =	sdelay $0x3  }
0x1b7: {  	[tilespmem:s17+$0xC0] =	vst v16  }
0x1b8: {  	v16 =	vld.idx.msk [tilespmem:v17+s8+$0x0], $0xffff  }
0x1b9: {  	v17 =	vor.u32 s31, v14;
	_ =	sdelay $0x3  }
0x1ba: {  	[tilespmem:s17+$0xD0] =	vst v16  }
0x1bb: {  	v16 =	vld.idx.msk [tilespmem:v17+s8+$0x0], $0xffff  }
0x1bc: {  	v17 =	vor.u32 s31, v15;
	_ =	sdelay $0x3  }
0x1bd: {  	[tilespmem:s17+$0xE0] =	vst v16  }
0x1be: {  	s18 =	simm.s32 $0x2;
	v16 =	vld.idx.msk [tilespmem:v17+s8+$0x0], $0xffff  }
0x1bf: {  	s19 =	simm.s32 $0x4;
	v17 =	vor.u32 s18, v0  }
.LBB2_5:
0x1c0: {  	p0 =	slt.u32 s19, $0x3E;
	_ =	sdelay $0x2  }
0x1c1: {  	[tilespmem:s17+$0xF0] =	vst v16  }
0x1c2: {  	v16 =	vld.idx.msk [tilespmem:v17+s8+$0x0], $0xffff;
	_ =	sdelay $0x1  }
0x1c3: {  	v17 =	vor.u32 s18, v1;
	_ =	sdelay $0x2  }
0x1c4: {  	s17 =	sadd.s32 $0x200, s17  }
0x1c5: {  	[tilespmem:s17+$0xFFFFFF00] =	vst v16  }
0x1c6: {  	v16 =	vld.idx.msk [tilespmem:v17+s8+$0x0], $0xffff;
	_ =	sdelay $0x1  }
0x1c7: {  	v17 =	vor.u32 s18, v2;
	_ =	sdelay $0x3  }
0x1c8: {  	[tilespmem:s17+$0xFFFFFF10] =	vst v16  }
0x1c9: {  	v16 =	vld.idx.msk [tilespmem:v17+s8+$0x0], $0xffff;
	_ =	sdelay $0x1  }
0x1ca: {  	v17 =	vor.u32 s18, v3;
	_ =	sdelay $0x3  }
0x1cb: {  	[tilespmem:s17+$0xFFFFFF20] =	vst v16  }
0x1cc: {  	v16 =	vld.idx.msk [tilespmem:v17+s8+$0x0], $0xffff;
	_ =	sdelay $0x1  }
0x1cd: {  	v17 =	vor.u32 s18, v4;
	_ =	sdelay $0x3  }
0x1ce: {  	[tilespmem:s17+$0xFFFFFF30] =	vst v16  }
0x1cf: {  	v16 =	vld.idx.msk [tilespmem:v17+s8+$0x0], $0xffff;
	_ =	sdelay $0x1  }
0x1d0: {  	v17 =	vor.u32 s18, v5;
	_ =	sdelay $0x3  }
0x1d1: {  	[tilespmem:s17+$0xFFFFFF40] =	vst v16  }
0x1d2: {  	v16 =	vld.idx.msk [tilespmem:v17+s8+$0x0], $0xffff;
	_ =	sdelay $0x1  }
0x1d3: {  	v17 =	vor.u32 s18, v6;
	_ =	sdelay $0x3  }
0x1d4: {  	[tilespmem:s17+$0xFFFFFF50] =	vst v16  }
0x1d5: {  	v16 =	vld.idx.msk [tilespmem:v17+s8+$0x0], $0xffff;
	_ =	sdelay $0x1  }
0x1d6: {  	v17 =	vor.u32 s18, v7;
	_ =	sdelay $0x3  }
0x1d7: {  	[tilespmem:s17+$0xFFFFFF60] =	vst v16  }
0x1d8: {  	v16 =	vld.idx.msk [tilespmem:v17+s8+$0x0], $0xffff;
	_ =	sdelay $0x1  }
0x1d9: {  	v17 =	vor.u32 s18, v8;
	_ =	sdelay $0x3  }
0x1da: {  	[tilespmem:s17+$0xFFFFFF70] =	vst v16  }
0x1db: {  	v16 =	vld.idx.msk [tilespmem:v17+s8+$0x0], $0xffff;
	_ =	sdelay $0x1  }
0x1dc: {  	v17 =	vor.u32 s18, v9;
	_ =	sdelay $0x3  }
0x1dd: {  	[tilespmem:s17+$0xFFFFFF80] =	vst v16  }
0x1de: {  	v16 =	vld.idx.msk [tilespmem:v17+s8+$0x0], $0xffff;
	_ =	sdelay $0x1  }
0x1df: {  	v17 =	vor.u32 s18, v10;
	_ =	sdelay $0x3  }
0x1e0: {  	[tilespmem:s17+$0xFFFFFF90] =	vst v16  }
0x1e1: {  	v16 =	vld.idx.msk [tilespmem:v17+s8+$0x0], $0xffff;
	_ =	sdelay $0x1  }
0x1e2: {  	v17 =	vor.u32 s18, v11;
	_ =	sdelay $0x3  }
0x1e3: {  	[tilespmem:s17+$0xFFFFFFA0] =	vst v16  }
0x1e4: {  	v16 =	vld.idx.msk [tilespmem:v17+s8+$0x0], $0xffff;
	_ =	sdelay $0x1  }
0x1e5: {  	v17 =	vor.u32 s18, v12;
	_ =	sdelay $0x3  }
0x1e6: {  	[tilespmem:s17+$0xFFFFFFB0] =	vst v16  }
0x1e7: {  	v16 =	vld.idx.msk [tilespmem:v17+s8+$0x0], $0xffff;
	_ =	sdelay $0x1  }
0x1e8: {  	v17 =	vor.u32 s18, v13;
	_ =	sdelay $0x3  }
0x1e9: {  	[tilespmem:s17+$0xFFFFFFC0] =	vst v16  }
0x1ea: {  	v16 =	vld.idx.msk [tilespmem:v17+s8+$0x0], $0xffff;
	_ =	sdelay $0x1  }
0x1eb: {  	v17 =	vor.u32 s18, v14;
	_ =	sdelay $0x3  }
0x1ec: {  	[tilespmem:s17+$0xFFFFFFD0] =	vst v16  }
0x1ed: {  	v16 =	vld.idx.msk [tilespmem:v17+s8+$0x0], $0xffff;
	_ =	sdelay $0x1  }
0x1ee: {  	v17 =	vor.u32 s18, v15;
	_ =	sdelay $0x3  }
0x1ef: {  	[tilespmem:s17+$0xFFFFFFE0] =	vst v16  }
0x1f0: {  	v16 =	vld.idx.msk [tilespmem:v17+s8+$0x0], $0xffff  }
0x1f1: {  	s20 =	sadd.s32 $0x1, s18;
	s18 =	smov.u32 s19  }
0x1f2: {  	v17 =	vor.u32 s20, v0;
	_ =	sdelay $0x3  }
0x1f3: {  	[tilespmem:s17+$0xFFFFFFF0] =	vst v16  }
0x1f4: {  	v16 =	vld.idx.msk [tilespmem:v17+s8+$0x0], $0xffff;
	_ =	sdelay $0x1  }
0x1f5: {  	v17 =	vor.u32 s20, v1;
	_ =	sdelay $0x3  }
0x1f6: {  	[tilespmem:s17+$0x0] =	vst v16  }
0x1f7: {  	v16 =	vld.idx.msk [tilespmem:v17+s8+$0x0], $0xffff;
	_ =	sdelay $0x1  }
0x1f8: {  	v17 =	vor.u32 s20, v2;
	_ =	sdelay $0x3  }
0x1f9: {  	[tilespmem:s17+$0x10] =	vst v16  }
0x1fa: {  	v16 =	vld.idx.msk [tilespmem:v17+s8+$0x0], $0xffff;
	_ =	sdelay $0x1  }
0x1fb: {  	v17 =	vor.u32 s20, v3;
	_ =	sdelay $0x3  }
0x1fc: {  	[tilespmem:s17+$0x20] =	vst v16  }
0x1fd: {  	v16 =	vld.idx.msk [tilespmem:v17+s8+$0x0], $0xffff;
	_ =	sdelay $0x1  }
0x1fe: {  	v17 =	vor.u32 s20, v4;
	_ =	sdelay $0x3  }
0x1ff: {  	[tilespmem:s17+$0x30] =	vst v16  }
0x200: {  	v16 =	vld.idx.msk [tilespmem:v17+s8+$0x0], $0xffff;
	_ =	sdelay $0x1  }
0x201: {  	v17 =	vor.u32 s20, v5;
	_ =	sdelay $0x3  }
0x202: {  	[tilespmem:s17+$0x40] =	vst v16  }
0x203: {  	v16 =	vld.idx.msk [tilespmem:v17+s8+$0x0], $0xffff;
	_ =	sdelay $0x1  }
0x204: {  	v17 =	vor.u32 s20, v6;
	_ =	sdelay $0x3  }
0x205: {  	[tilespmem:s17+$0x50] =	vst v16  }
0x206: {  	v16 =	vld.idx.msk [tilespmem:v17+s8+$0x0], $0xffff;
	_ =	sdelay $0x1  }
0x207: {  	v17 =	vor.u32 s20, v7;
	_ =	sdelay $0x3  }
0x208: {  	[tilespmem:s17+$0x60] =	vst v16  }
0x209: {  	v16 =	vld.idx.msk [tilespmem:v17+s8+$0x0], $0xffff;
	_ =	sdelay $0x1  }
0x20a: {  	v17 =	vor.u32 s20, v8;
	_ =	sdelay $0x3  }
0x20b: {  	[tilespmem:s17+$0x70] =	vst v16  }
0x20c: {  	v16 =	vld.idx.msk [tilespmem:v17+s8+$0x0], $0xffff;
	_ =	sdelay $0x1  }
0x20d: {  	v17 =	vor.u32 s20, v9;
	_ =	sdelay $0x3  }
0x20e: {  	[tilespmem:s17+$0x80] =	vst v16  }
0x20f: {  	v16 =	vld.idx.msk [tilespmem:v17+s8+$0x0], $0xffff;
	_ =	sdelay $0x1  }
0x210: {  	v17 =	vor.u32 s20, v10;
	_ =	sdelay $0x3  }
0x211: {  	[tilespmem:s17+$0x90] =	vst v16  }
0x212: {  	v16 =	vld.idx.msk [tilespmem:v17+s8+$0x0], $0xffff;
	_ =	sdelay $0x1  }
0x213: {  	v17 =	vor.u32 s20, v11;
	_ =	sdelay $0x3  }
0x214: {  	[tilespmem:s17+$0xA0] =	vst v16  }
0x215: {  	v16 =	vld.idx.msk [tilespmem:v17+s8+$0x0], $0xffff;
	_ =	sdelay $0x1  }
0x216: {  	v17 =	vor.u32 s20, v12;
	_ =	sdelay $0x3  }
0x217: {  	[tilespmem:s17+$0xB0] =	vst v16  }
0x218: {  	v16 =	vld.idx.msk [tilespmem:v17+s8+$0x0], $0xffff;
	_ =	sdelay $0x1  }
0x219: {  	v17 =	vor.u32 s20, v13;
	_ =	sdelay $0x3  }
0x21a: {  	[tilespmem:s17+$0xC0] =	vst v16  }
0x21b: {  	v16 =	vld.idx.msk [tilespmem:v17+s8+$0x0], $0xffff;
	_ =	sdelay $0x1  }
0x21c: {  	v17 =	vor.u32 s20, v14;
	_ =	sdelay $0x3  }
0x21d: {  	[tilespmem:s17+$0xD0] =	vst v16  }
0x21e: {  	v16 =	vld.idx.msk [tilespmem:v17+s8+$0x0], $0xffff;
	_ =	sdelay $0x1  }
0x21f: {  	v17 =	vor.u32 s20, v15;
	_ =	sdelay $0x2  }
.Ltmp1:
0x220: {  	(pc) =	sbr.rel @p0 .LBB2_5-.Ltmp1, $3  }
0x221: {  	[tilespmem:s17+$0xE0] =	vst v16  }
0x222: {  	v16 =	vld.idx.msk [tilespmem:v17+s8+$0x0], $0xffff;
	_ =	sdelay $0x1  }
0x223: {  	s19 =	sadd.s32 $0x2, s19;
	v17 =	vor.u32 s18, v0  }
0x224: {  	_ =	sdelay $0x2  }
0x225: {  	[tilespmem:s17+$0xF0] =	vst v16  }
0x226: {  	v16 =	vld.idx.msk [tilespmem:v17+s8+$0x0], $0xffff  }
0x227: {  	v34 =	vor.u32 s18, v1;
	_ =	sdelay $0x2  }
0x228: {  	s30 =	sadd.s32 $0x200, s17  }
0x229: {  	[tilespmem:s30+$0xFFFFFF00] =	vst v16  }
0x22a: {  	v16 =	vld.idx.msk [tilespmem:v34+s8+$0x0], $0xffff  }
0x22b: {  	v35 =	vor.u32 s18, v2;
	_ =	sdelay $0x3  }
0x22c: {  	[tilespmem:s30+$0xFFFFFF10] =	vst v16  }
0x22d: {  	v16 =	vld.idx.msk [tilespmem:v35+s8+$0x0], $0xffff  }
0x22e: {  	v36 =	vor.u32 s18, v3;
	_ =	sdelay $0x3  }
0x22f: {  	[tilespmem:s30+$0xFFFFFF20] =	vst v16  }
0x230: {  	v16 =	vld.idx.msk [tilespmem:v36+s8+$0x0], $0xffff  }
0x231: {  	v37 =	vor.u32 s18, v4;
	_ =	sdelay $0x3  }
0x232: {  	[tilespmem:s30+$0xFFFFFF30] =	vst v16  }
0x233: {  	v16 =	vld.idx.msk [tilespmem:v37+s8+$0x0], $0xffff  }
0x234: {  	v38 =	vor.u32 s18, v5;
	_ =	sdelay $0x3  }
0x235: {  	[tilespmem:s30+$0xFFFFFF40] =	vst v16  }
0x236: {  	v16 =	vld.idx.msk [tilespmem:v38+s8+$0x0], $0xffff  }
0x237: {  	v39 =	vor.u32 s18, v6;
	_ =	sdelay $0x3  }
0x238: {  	[tilespmem:s30+$0xFFFFFF50] =	vst v16  }
0x239: {  	v16 =	vld.idx.msk [tilespmem:v39+s8+$0x0], $0xffff  }
0x23a: {  	v40 =	vor.u32 s18, v7;
	_ =	sdelay $0x3  }
0x23b: {  	[tilespmem:s30+$0xFFFFFF60] =	vst v16  }
0x23c: {  	v16 =	vld.idx.msk [tilespmem:v40+s8+$0x0], $0xffff  }
0x23d: {  	v41 =	vor.u32 s18, v8;
	_ =	sdelay $0x3  }
0x23e: {  	[tilespmem:s30+$0xFFFFFF70] =	vst v16  }
0x23f: {  	v16 =	vld.idx.msk [tilespmem:v41+s8+$0x0], $0xffff  }
0x240: {  	v42 =	vor.u32 s18, v9;
	_ =	sdelay $0x3  }
0x241: {  	[tilespmem:s30+$0xFFFFFF80] =	vst v16  }
0x242: {  	v16 =	vld.idx.msk [tilespmem:v42+s8+$0x0], $0xffff  }
0x243: {  	v43 =	vor.u32 s18, v10;
	_ =	sdelay $0x3  }
0x244: {  	[tilespmem:s30+$0xFFFFFF90] =	vst v16  }
0x245: {  	v16 =	vld.idx.msk [tilespmem:v43+s8+$0x0], $0xffff  }
0x246: {  	v44 =	vor.u32 s18, v11;
	_ =	sdelay $0x3  }
0x247: {  	[tilespmem:s30+$0xFFFFFFA0] =	vst v16  }
0x248: {  	v16 =	vld.idx.msk [tilespmem:v44+s8+$0x0], $0xffff  }
0x249: {  	v45 =	vor.u32 s18, v12;
	_ =	sdelay $0x3  }
0x24a: {  	[tilespmem:s30+$0xFFFFFFB0] =	vst v16  }
0x24b: {  	v16 =	vld.idx.msk [tilespmem:v45+s8+$0x0], $0xffff  }
0x24c: {  	v46 =	vor.u32 s18, v13;
	_ =	sdelay $0x3  }
0x24d: {  	[tilespmem:s30+$0xFFFFFFC0] =	vst v16  }
0x24e: {  	v16 =	vld.idx.msk [tilespmem:v46+s8+$0x0], $0xffff  }
0x24f: {  	v47 =	vor.u32 s18, v14;
	_ =	sdelay $0x3  }
0x250: {  	[tilespmem:s30+$0xFFFFFFD0] =	vst v16  }
0x251: {  	v16 =	vld.idx.msk [tilespmem:v47+s8+$0x0], $0xffff  }
0x252: {  	v48 =	vor.u32 s18, v15;
	_ =	sdelay $0x3  }
0x253: {  	[tilespmem:s30+$0xFFFFFFE0] =	vst v16  }
0x254: {  	s31 =	sadd.s32 $0x1, s18;
	v16 =	vld.idx.msk [tilespmem:v48+s8+$0x0], $0xffff  }
0x255: {  	v0 =	vor.u32 s31, v0;
	_ =	sdelay $0x3  }
0x256: {  	[tilespmem:s30+$0xFFFFFFF0] =	vst v16  }
0x257: {  	v0 =	vld.idx.msk [tilespmem:v0+s8+$0x0], $0xffff  }
0x258: {  	v49 =	vor.u32 s31, v1;
	_ =	sdelay $0x3  }
0x259: {  	[tilespmem:s30+$0x0] =	vst v0  }
0x25a: {  	v0 =	vld.idx.msk [tilespmem:v49+s8+$0x0], $0xffff  }
0x25b: {  	v50 =	vor.u32 s31, v2;
	_ =	sdelay $0x3  }
0x25c: {  	[tilespmem:s30+$0x10] =	vst v0  }
0x25d: {  	v0 =	vld.idx.msk [tilespmem:v50+s8+$0x0], $0xffff  }
0x25e: {  	v51 =	vor.u32 s31, v3;
	_ =	sdelay $0x3  }
0x25f: {  	[tilespmem:s30+$0x20] =	vst v0  }
0x260: {  	v0 =	vld.idx.msk [tilespmem:v51+s8+$0x0], $0xffff  }
0x261: {  	v52 =	vor.u32 s31, v4;
	_ =	sdelay $0x3  }
0x262: {  	[tilespmem:s30+$0x30] =	vst v0  }
0x263: {  	v0 =	vld.idx.msk [tilespmem:v52+s8+$0x0], $0xffff  }
0x264: {  	v53 =	vor.u32 s31, v5;
	_ =	sdelay $0x3  }
0x265: {  	[tilespmem:s30+$0x40] =	vst v0  }
0x266: {  	v0 =	vld.idx.msk [tilespmem:v53+s8+$0x0], $0xffff  }
0x267: {  	v54 =	vor.u32 s31, v6;
	_ =	sdelay $0x3  }
0x268: {  	[tilespmem:s30+$0x50] =	vst v0  }
0x269: {  	v0 =	vld.idx.msk [tilespmem:v54+s8+$0x0], $0xffff  }
0x26a: {  	v55 =	vor.u32 s31, v7;
	_ =	sdelay $0x3  }
0x26b: {  	[tilespmem:s30+$0x60] =	vst v0  }
0x26c: {  	v0 =	vld.idx.msk [tilespmem:v55+s8+$0x0], $0xffff  }
0x26d: {  	v56 =	vor.u32 s31, v8;
	_ =	sdelay $0x3  }
0x26e: {  	[tilespmem:s30+$0x70] =	vst v0  }
0x26f: {  	v0 =	vld.idx.msk [tilespmem:v56+s8+$0x0], $0xffff  }
0x270: {  	v57 =	vor.u32 s31, v9;
	_ =	sdelay $0x3  }
0x271: {  	[tilespmem:s30+$0x80] =	vst v0  }
0x272: {  	v0 =	vld.idx.msk [tilespmem:v57+s8+$0x0], $0xffff  }
0x273: {  	v58 =	vor.u32 s31, v10;
	_ =	sdelay $0x3  }
0x274: {  	[tilespmem:s30+$0x90] =	vst v0  }
0x275: {  	v0 =	vld.idx.msk [tilespmem:v58+s8+$0x0], $0xffff  }
0x276: {  	v59 =	vor.u32 s31, v11;
	_ =	sdelay $0x3  }
0x277: {  	[tilespmem:s30+$0xA0] =	vst v0  }
0x278: {  	v0 =	vld.idx.msk [tilespmem:v59+s8+$0x0], $0xffff  }
0x279: {  	v60 =	vor.u32 s31, v12;
	_ =	sdelay $0x3  }
0x27a: {  	[tilespmem:s30+$0xB0] =	vst v0  }
0x27b: {  	v0 =	vld.idx.msk [tilespmem:v60+s8+$0x0], $0xffff  }
0x27c: {  	v61 =	vor.u32 s31, v13;
	_ =	sdelay $0x3  }
0x27d: {  	[tilespmem:s30+$0xC0] =	vst v0  }
0x27e: {  	v0 =	vld.idx.msk [tilespmem:v61+s8+$0x0], $0xffff  }
0x27f: {  	v62 =	vor.u32 s31, v14;
	_ =	sdelay $0x3  }
0x280: {  	[tilespmem:s30+$0xD0] =	vst v0  }
0x281: {  	v0 =	vld.idx.msk [tilespmem:v62+s8+$0x0], $0xffff  }
0x282: {  	v63 =	vor.u32 s31, v15;
	_ =	sdelay $0x3  }
0x283: {  	[tilespmem:s30+$0xE0] =	vst v0  }
0x284: {  	s15 =	sadd.s32 $0x1, s15;
	v0 =	vld.idx.msk [tilespmem:v63+s8+$0x0], $0xffff  }
0x285: {  	p0 =	sne.s32 s15, $0x40  }
.Ltmp2:
0x286: {  	s16 =	sadd.s32 s5, s16;
	(pc) =	sbr.rel @p0 .LBB2_2-.Ltmp2, $4  }
0x287: {  	s16 =	sshll.u32 s16, $0xB  }
0x288: {  	s16 =	sand.u32 $0x1FFFF800, s16  }
0x289: {  	s16 =	sadd.s32 s4, s16;
	[tilespmem:s30+$0xF0] =	vst v0  }
0x28a: {  	[hbm4b:s16+s2] =	stream.linear.scatter [tilespmem:s11], [sflag:$0x3], $0x4000, $0x38;
	[tilespmem:$0x10200] =	vst v63  }
0x28b: {  	s14 =	sadd.s32 $0x1, s14  }
0x28c: {  	_ =	swait.ge [sflag:s12], $0x4000;
	p0 =	sne.s32 s14, s7  }
.Ltmp3:
0x28d: {  	[sflag:s12] =	ssyncset.done $0x0;
	(pc) =	sbr.rel @p0 .LBB2_1-.Ltmp3, $4  }
0x28e: {  	[sflag:s12] =	ssyncadd.s32 $0xFFFFC000  }
0x28f: {  	_ =	swait.ge [sflag:s13], $0x4000  }
0x290: {  	[sflag:s13] =	ssyncset.done $0x0  }
0x291: {  	[sflag:s13] =	ssyncadd.s32 $0xFFFFC000  }
0x292: {  	_ =	sfence.sel $0x180000  }
0x293: {  	[bflag:$0x0] =	sbarrier.arrive $0xFFFF  }
0x294: {  	p0 =	sne.s32 s1, $0x0;
	_ =	strace $0x90000047  }
0x295: {  	s0 =	sadd.s32 @!p0 $0x100000, s0;
	[bflag:$0x2] =	sbarrier.arrive $0xFFFF  }
0x296: {  	[sflag:s0] =	ssyncadd.tile.s32 @!p0 $0x1;
	_ =	shalt  }
.Lfunc_end2:
_tile_overlayer_lowered:
.L_overlay_start_2:
0x297: {  	(tag) =	ssettag $0x2  }
0x298: {  	s0 =	rddreg [dreg:$0x0];
	s2 =	stileid.u32  }
0x299: {  	s1 =	rddreg [dreg:$0x1];
	p0 =	sne.s32 s2, $0x0  }
0x29a: {  	s3 =	rddreg [dreg:$0x2];
	[bflag:$0x3] =	sbarrier.arrive $0xFFFF;
	s2 =	simm.s32 @!p0 $0x1C04  }
0x29b: {  	[timem:s3], [sflag:s2] =	dma.local @!p0 [hbm:s0], s1  }
0x29c: {  	s0 =	simm.s32 @!p0 $0x4  }
0x29d: {  	_ =	swait.ge @!p0 [sflag:s0], s1  }
0x29e: {  	s1 =	ssub.s32 @!p0 $0x0, s1;
	[sflag:s0] =	ssyncset.done @!p0 $0x0  }
0x29f: {  	[sflag:s0] =	ssyncadd.s32 @!p0 s1  }
0x2a0: {  	[bflag:$0x3] =	sbarrier.arrive $0xFFFF  }
0x2a1: {  	_ =	shalt  }

</sc_bundles>
